<compile_context>
chip_gen: v7x
topology: tpu7x:2x2x1
jax: 0.10.2.dev20260603
libtpu: 0.0.44.dev20260713+nightly
codegen_flags: <defaults>
</compile_context>

<pallas_src>
import functools

import jax
import jax.numpy as jnp
from jax import lax
from jax.experimental import pallas as pl
from jax.experimental.pallas import tpu as pltpu
from jax.experimental.pallas import tpu_sc as plsc

N = 10000
E = 320000
D = 128

NC = 2
NS = 16
NW = NC * NS
C = 128
CHUNKS_D = 80
CHUNKS_A = 40
E_PAD = NW * C * CHUNKS_D
K_MAX = NW * C * CHUNKS_A
TREP = 64
TRASH = N
N_ACC = 10240
RPS = N_ACC // NS
R = 2048
G = N_ACC // R



def _sc_gsa_body(chunks, y_hbm, idx_hbm, zf_hbm, out_hbm,
                 acc, i0, i1, buf0, buf1, sem0, sem1):
    c = lax.axis_index("c")
    s = lax.axis_index("s")
    wid = s * NC + c
    pltpu.sync_copy(zf_hbm, acc.at[pl.ds(s * RPS, RPS)])
    plsc.subcore_barrier()
    base = wid * chunks * 2

    def ld(jj, ib):
        pltpu.sync_copy(idx_hbm.at[pl.ds(base + jj * 2, 2)], ib)

    ld(0, i0)
    pltpu.async_copy(y_hbm.at[i0.at[0]], buf0, sem0)

    def body(i, carry):
        j = 2 * i
        ld(j + 1, i1)
        pltpu.async_copy(y_hbm.at[i1.at[0]], buf1, sem1)
        pltpu.make_async_copy(y_hbm.at[i0.at[0]], buf0, sem0).wait()
        pltpu.sync_copy(buf0, acc.at[i0.at[1]], add=True)

        @pl.when(j + 2 < chunks)
        def _():
            ld(j + 2, i0)
            pltpu.async_copy(y_hbm.at[i0.at[0]], buf0, sem0)

        pltpu.make_async_copy(y_hbm.at[i1.at[0]], buf1, sem1).wait()
        pltpu.sync_copy(buf1, acc.at[i1.at[1]], add=True)
        return carry

    lax.fori_loop(0, chunks // 2, body, 0)
    plsc.subcore_barrier()
    pltpu.sync_copy(acc.at[pl.ds(s * RPS, RPS)],
                    out_hbm.at[pl.ds(c * N_ACC + s * RPS, RPS)])


@functools.cache
def _sc_kernels():
    mesh = plsc.VectorSubcoreMesh(core_axis_name="c", subcore_axis_name="s")

    def make(chunks):
        return pl.kernel(
            functools.partial(_sc_gsa_body, chunks),
            out_type=jax.ShapeDtypeStruct((NC * N_ACC, D), jnp.float32),
            mesh=mesh,
            scratch_types=[
                pltpu.VMEM_SHARED((N_ACC, D), jnp.float32),
                pltpu.VMEM((2, C), jnp.int32),
                pltpu.VMEM((2, C), jnp.int32),
                pltpu.VMEM((C, D), jnp.float32),
                pltpu.VMEM((C, D), jnp.float32),
                pltpu.SemaphoreType.DMA,
                pltpu.SemaphoreType.DMA,
            ],
        )

    return make(CHUNKS_D), make(CHUNKS_A)



def _dinv(g0_ref, g1_ref, off):
    d = g0_ref[:, off:off + 1] + g1_ref[:, off:off + 1] + 1.0
    return lax.rsqrt(d)


def _tc1_body(x_ref, w_ref, g0_ref, g1_ref, y_ref):
    xw = jnp.dot(x_ref[...], w_ref[...], preferred_element_type=jnp.float32)
    y_ref[...] = _dinv(g0_ref, g1_ref, 0) * xw


def _tc2_body(a0_ref, a1_ref, y1_ref, g0_ref, g1_ref, b1_ref, w2_ref, y2_ref):
    h = jnp.maximum(
        _dinv(g0_ref, g1_ref, 0) * (a0_ref[...] + a1_ref[...] + y1_ref[...])
        + b1_ref[...], 0.0)
    xw2 = jnp.dot(h, w2_ref[...], preferred_element_type=jnp.float32)
    y2_ref[...] = _dinv(g0_ref, g1_ref, 64) * xw2


def _tc3_body(q0_ref, q1_ref, y2_ref, g0_ref, g1_ref, b2_ref, wl_ref,
              bl_ref, o_ref):
    h2 = jnp.maximum(
        _dinv(g0_ref, g1_ref, 64) * (q0_ref[...] + q1_ref[...] + y2_ref[...])
        + b2_ref[...], 0.0)
    o_ref[...] = jnp.dot(h2, wl_ref[...],
                         preferred_element_type=jnp.float32) + bl_ref[...]


def _rows(i):
    return (i, 0)


def _at(blk):
    return lambda i: (blk + i, 0)


def _fixed(i):
    return (0, 0)


_spec_feat = pl.BlockSpec((R, D), _rows)
_spec_w = pl.BlockSpec((D, D), _fixed)
_spec_b = pl.BlockSpec((1, D), _fixed)


def _spec_part(blk):
    return pl.BlockSpec((R, D), _at(blk))


_tc1 = pl.pallas_call(
    _tc1_body,
    grid=(G,),
    in_specs=[_spec_feat, _spec_w, _spec_part(0), _spec_part(G)],
    out_specs=_spec_feat,
    out_shape=jax.ShapeDtypeStruct((N_ACC, D), jnp.float32),
)

_tc2 = pl.pallas_call(
    _tc2_body,
    grid=(G,),
    in_specs=[_spec_part(0), _spec_part(G), _spec_feat,
              _spec_part(0), _spec_part(G), _spec_b, _spec_w],
    out_specs=_spec_feat,
    out_shape=jax.ShapeDtypeStruct((N_ACC, D), jnp.float32),
)

_tc3 = pl.pallas_call(
    _tc3_body,
    grid=(G,),
    in_specs=[_spec_part(0), _spec_part(G), _spec_feat,
              _spec_part(0), _spec_part(G), _spec_b, _spec_w, _spec_b],
    out_specs=_spec_feat,
    out_shape=jax.ShapeDtypeStruct((N_ACC, D), jnp.float32),
)



def kernel(x, edge_index, W1, b1, W2, b2, Wlin, blin):
    dk = jax.random.key(42)
    ka, kb = jax.random.split(dk)
    keep1 = jax.random.bernoulli(ka, 0.5, (E,))
    keep2 = jax.random.bernoulli(kb, 0.5, (E,))

    row, col = edge_index[0], edge_index[1]
    pad_e = E_PAD - E
    zpad = jnp.zeros((pad_e,), jnp.int32)

    def combined(g, sc):
        n = g.shape[0] // C
        return jnp.stack(
            [g.reshape(n, C), sc.reshape(n, C)], axis=1).reshape(2 * n, C)

    perm1 = jnp.argsort(jnp.logical_not(keep1), stable=True)[:K_MAX]
    perm2 = jnp.argsort(jnp.logical_not(keep2), stable=True)[:K_MAX]
    idx1 = combined(row[perm1], jnp.where(keep1, col, TRASH)[perm1])
    idx2 = combined(row[perm2], jnp.where(keep2, col, TRASH)[perm2])
    rep = jnp.arange(E, dtype=jnp.int32) % TREP
    idxd = combined(
        jnp.concatenate(
            [(keep1.astype(jnp.int32) + 2 * keep2.astype(jnp.int32)) * TREP
             + rep, jnp.arange(pad_e, dtype=jnp.int32) % TREP]),
        jnp.concatenate([col, zpad]))

    patterns = (jnp.zeros((4, D), jnp.float32)
                .at[1, :64].set(1.0).at[2, 64:].set(1.0).at[3].set(1.0))
    table = jnp.repeat(patterns, TREP, axis=0)
    zf = jnp.zeros((RPS, D), jnp.float32)
    xp = jnp.zeros((N_ACC, D), jnp.float32).at[:N].set(x)

    _sc_deg, _sc_agg = _sc_kernels()
    degq = _sc_deg(table, idxd, zf)
    y1 = _tc1(xp, W1, degq, degq)
    a = _sc_agg(y1, idx1, zf)
    y2 = _tc2(a, a, y1, degq, degq, b1.reshape(1, D), W2)
    q = _sc_agg(y2, idx2, zf)
    out = _tc3(q, q, y2, degq, degq, b2.reshape(1, D), Wlin, blin.reshape(1, D))
    return out[:N]

# --- scband reference (transcript-rebuilt; emitter-appended) ---
"""Pipeline reference for scband-gcnnet-37778532336372 (READ-ONLY COPY).

The authoritative reference and input builder live on the scoring server;
editing this copy changes nothing except your own understanding.
"""

import jax, jax.numpy as jnp
import numpy as np

N = 10000
E = 320000
D_IN = 128
D_HID = 128
D_FEAT = 128
D_OUT = 128


def _gcn_conv(x, edge_index, edge_weight, W, b):
    num_nodes = x.shape[0]
    loops = jnp.arange(num_nodes, dtype=edge_index.dtype)
    ei = jnp.concatenate([edge_index, jnp.stack([loops, loops])], axis=1)
    w = jnp.concatenate([edge_weight, jnp.ones((num_nodes,), x.dtype)])
    row, col = ei[0], ei[1]
    deg = jax.ops.segment_sum(w, col, num_segments=num_nodes)
    dinv = jnp.where(deg > 0, 1.0 / jnp.sqrt(deg), 0.0)
    norm = dinv[row] * dinv[col] * w
    xw = x @ W
    out = jax.ops.segment_sum(norm[:, None] * xw[row], col, num_segments=num_nodes)
    return out + b


def _dropout_edge(edge_index, key, p=0.5):
    keep = jax.random.bernoulli(key, 1.0 - p, (edge_index.shape[1],))
    return keep.astype(jnp.float32)


def setup_inputs(seed: int = 0):
    key = jax.random.key(seed)
    ks = jax.random.split(key, 8)
    x = jax.random.normal(ks[0], (N, D_IN), dtype=jnp.float32)
    edge_index = jax.random.randint(ks[1], (2, E), 0, N, dtype=jnp.int32)
    W1 = jax.random.normal(ks[2], (D_IN, D_HID), dtype=jnp.float32) / np.sqrt(D_IN)
    b1 = jnp.zeros((D_HID,), dtype=jnp.float32)
    W2 = jax.random.normal(ks[3], (D_HID, D_FEAT), dtype=jnp.float32) / np.sqrt(D_HID)
    b2 = jnp.zeros((D_FEAT,), dtype=jnp.float32)
    Wlin = jax.random.normal(ks[4], (D_FEAT, D_OUT), dtype=jnp.float32) / np.sqrt(D_FEAT)
    blin = jnp.zeros((D_OUT,), dtype=jnp.float32)
    return {"x": x, "edge_index": edge_index, "W1": W1, "b1": b1, "W2": W2, "b2": b2, "Wlin": Wlin, "blin": blin}


def reference(x, edge_index, W1, b1, W2, b2, Wlin, blin):
    dk = jax.random.key(42)
    ka, kb = jax.random.split(dk)
    w1 = _dropout_edge(edge_index, ka, 0.5)
    h = jax.nn.relu(_gcn_conv(x, edge_index, w1, W1, b1))
    w2 = _dropout_edge(edge_index, kb, 0.5)
    h = jax.nn.relu(_gcn_conv(h, edge_index, w2, W2, b2))
    return h @ Wlin + blin

if __name__ == "__main__":
    import jax
    _d = setup_inputs()
    print(jax.jit(kernel)(*tuple(_d.values())))

</pallas_src>

<mosaic_0001>
#map = affine_map<(d0, d1) -> (0, 0)>
module attributes {stable_mosaic.version = 14 : i64} {
  func.func @_sc_gsa_body(%arg0: i32, %arg1: i32, %arg2: memref<256x128xf32, #tpu.memory_space<hbm>>, %arg3: memref<5120x128xi32, #tpu.memory_space<hbm>>, %arg4: memref<640x128xf32, #tpu.memory_space<hbm>>, %arg5: memref<20480x128xf32, #tpu.memory_space<hbm>>, %arg6: memref<10240x128xf32, #tpu.memory_space<vmem_shared>>, %arg7: memref<2x128xi32, #tpu.memory_space<vmem>>, %arg8: memref<2x128xi32, #tpu.memory_space<vmem>>, %arg9: memref<128x128xf32, #tpu.memory_space<vmem>>, %arg10: memref<128x128xf32, #tpu.memory_space<vmem>>, %arg11: memref<!tpu.dma_semaphore, #tpu.memory_space<semaphore_mem>>, %arg12: memref<!tpu.dma_semaphore, #tpu.memory_space<semaphore_mem>>) attributes {dimension_semantics = [#tpu.dimension_semantics<core_parallel>, #tpu.dimension_semantics<subcore_parallel>], iteration_bounds = array<i64: 2, 16>, scalar_prefetch = 0 : i64, scratch_operands = 7 : i64, tpu.core_type = #tpu.core_type<sc_vector_subcore>, window_params = [{transform_indices = #map}, {transform_indices = #map}, {transform_indices = #map}, {transform_indices = #map}]} {
    %mul3A = arith.constant 2 : i32
    %mul3A_0 = arith.muli %arg1, %mul3A : i32
    %add3A = arith.addi %mul3A_0, %arg0 : i32
    %mul3A_1 = arith.constant 640 : i32
    %mul3A_2 = arith.muli %arg1, %mul3A_1 : i32
    "tpu.region"() ({
      %run_scoped3A = tpu.sem_alloc : memref<!tpu.dma_semaphore, #tpu.memory_space<semaphore_mem>>
      %dma_start3A_28 = arith.constant 0 : i32
      %dma_start3A_29 = tpu.memref_slice %arg6[%mul3A_2, %dma_start3A_28] : memref<10240x128xf32, #tpu.memory_space<vmem_shared>> -> memref<640x128xf32, #tpu.memory_space<vmem_shared>>
      tpu.enqueue_dma source(%arg4 : memref<640x128xf32, #tpu.memory_space<hbm>>) target(%dma_start3A_29 : memref<640x128xf32, #tpu.memory_space<vmem_shared>>) target_semaphore(%run_scoped3A : memref<!tpu.dma_semaphore, #tpu.memory_space<semaphore_mem>>)
      %dma_wait3A = arith.constant 0 : i32
      %dma_wait3A_30 = tpu.memref_slice %arg6[%mul3A_2, %dma_wait3A] : memref<10240x128xf32, #tpu.memory_space<vmem_shared>> -> memref<640x128xf32, #tpu.memory_space<vmem_shared>>
      tpu.wait_dma2 semaphore(%run_scoped3A : memref<!tpu.dma_semaphore, #tpu.memory_space<semaphore_mem>>) src(%arg4 : memref<640x128xf32, #tpu.memory_space<hbm>>) dst(%dma_wait3A_30 : memref<640x128xf32, #tpu.memory_space<vmem_shared>>)
      tpu.yield
    }) : () -> ()
    %barrier3A = arith.constant 0 : index
    tpu.barrier barrier_id(%barrier3A)
    %mul3A_3 = arith.constant 80 : i32
    %mul3A_4 = arith.muli %add3A, %mul3A_3 : i32
    %mul3A_5 = arith.constant 2 : i32
    %mul3A_6 = arith.muli %mul3A_4, %mul3A_5 : i32
    %add3A_7 = arith.constant 0 : i32
    %add3A_8 = arith.addi %mul3A_6, %add3A_7 : i32
    "tpu.region"() ({
      %run_scoped3A = tpu.sem_alloc : memref<!tpu.dma_semaphore, #tpu.memory_space<semaphore_mem>>
      %dma_start3A_28 = arith.constant 0 : i32
      %dma_start3A_29 = tpu.memref_slice %arg3[%add3A_8, %dma_start3A_28] : memref<5120x128xi32, #tpu.memory_space<hbm>> -> memref<2x128xi32, #tpu.memory_space<hbm>>
      %dma_start3A_30 = arith.constant 0 : i32
      %dma_start3A_31 = tpu.memref_slice %arg3[%add3A_8, %dma_start3A_30] : memref<5120x128xi32, #tpu.memory_space<hbm>> -> memref<2x128xi32, #tpu.memory_space<hbm>>
      tpu.enqueue_dma source(%dma_start3A_31 : memref<2x128xi32, #tpu.memory_space<hbm>>) target(%arg7 : memref<2x128xi32, #tpu.memory_space<vmem>>) target_semaphore(%run_scoped3A : memref<!tpu.dma_semaphore, #tpu.memory_space<semaphore_mem>>)
      %dma_wait3A = arith.constant 0 : i32
      %dma_wait3A_32 = tpu.memref_slice %arg3[%add3A_8, %dma_wait3A] : memref<5120x128xi32, #tpu.memory_space<hbm>> -> memref<2x128xi32, #tpu.memory_space<hbm>>
      %dma_wait3A_33 = arith.constant 0 : i32
      %dma_wait3A_34 = tpu.memref_slice %arg3[%add3A_8, %dma_wait3A_33] : memref<5120x128xi32, #tpu.memory_space<hbm>> -> memref<2x128xi32, #tpu.memory_space<hbm>>
      tpu.wait_dma2 semaphore(%run_scoped3A : memref<!tpu.dma_semaphore, #tpu.memory_space<semaphore_mem>>) src(%dma_wait3A_34 : memref<2x128xi32, #tpu.memory_space<hbm>>) dst(%arg7 : memref<2x128xi32, #tpu.memory_space<vmem>>)
      tpu.yield
    }) : () -> ()
    %dma_start3A = arith.constant 0 : i32
    %dma_start3A_9 = arith.constant 0 : i32
    %dma_start3A_10 = tpu.memref_slice %arg7[%dma_start3A, %dma_start3A_9] : memref<2x128xi32, #tpu.memory_space<vmem>> -> memref<1x128xi32, #tpu.memory_space<vmem>>
    %dma_start3A_11 = tpu.memref_squeeze %dma_start3A_10 : memref<1x128xi32, #tpu.memory_space<vmem>> -> memref<128xi32, #tpu.memory_space<vmem>>
    %dma_start3A_12 = arith.constant 0 : i32
    %dma_start3A_13 = arith.constant 0 : i32
    %dma_start3A_14 = tpu.memref_slice %arg2[%dma_start3A_12, %dma_start3A_13] : memref<256x128xf32, #tpu.memory_space<hbm>> -> memref<256x128xf32, #tpu.memory_space<hbm>>
    tpu.enqueue_indirect_dma source(%dma_start3A_14 : memref<256x128xf32, #tpu.memory_space<hbm>>) target(%arg9 : memref<128x128xf32, #tpu.memory_space<vmem>>) offsets(%dma_start3A_11 : memref<128xi32, #tpu.memory_space<vmem>>) semaphore(%arg11 : memref<!tpu.dma_semaphore, #tpu.memory_space<semaphore_mem>>)
    %scan3A = arith.constant 0 : i32
    %scan3A_15 = arith.constant 0 : i32
    %scan3A_16 = arith.constant 40 : i32
    %scan3A_17 = arith.addi %scan3A_15, %scan3A_16 : i32
    %scan3A_18 = arith.constant 1 : i32
    scf.for %scan3A_28 = %scan3A_15 to %scan3A_17 step %scan3A_18  : i32 {
      %mul3A_29 = arith.constant 2 : i32
      %mul3A_30 = arith.muli %mul3A_29, %scan3A_28 : i32
      %add3A_31 = arith.constant 1 : i32
      %add3A_32 = arith.addi %mul3A_30, %add3A_31 : i32
      %mul3A_33 = arith.constant 2 : i32
      %mul3A_34 = arith.muli %add3A_32, %mul3A_33 : i32
      %add3A_35 = arith.addi %mul3A_6, %mul3A_34 : i32
      "tpu.region"() ({
        %run_scoped3A_61 = tpu.sem_alloc : memref<!tpu.dma_semaphore, #tpu.memory_space<semaphore_mem>>
        %dma_start3A_62 = arith.constant 0 : i32
        %dma_start3A_63 = tpu.memref_slice %arg3[%add3A_35, %dma_start3A_62] : memref<5120x128xi32, #tpu.memory_space<hbm>> -> memref<2x128xi32, #tpu.memory_space<hbm>>
        %dma_start3A_64 = arith.constant 0 : i32
        %dma_start3A_65 = tpu.memref_slice %arg3[%add3A_35, %dma_start3A_64] : memref<5120x128xi32, #tpu.memory_space<hbm>> -> memref<2x128xi32, #tpu.memory_space<hbm>>
        tpu.enqueue_dma source(%dma_start3A_65 : memref<2x128xi32, #tpu.memory_space<hbm>>) target(%arg8 : memref<2x128xi32, #tpu.memory_space<vmem>>) target_semaphore(%run_scoped3A_61 : memref<!tpu.dma_semaphore, #tpu.memory_space<semaphore_mem>>)
        %dma_wait3A_66 = arith.constant 0 : i32
        %dma_wait3A_67 = tpu.memref_slice %arg3[%add3A_35, %dma_wait3A_66] : memref<5120x128xi32, #tpu.memory_space<hbm>> -> memref<2x128xi32, #tpu.memory_space<hbm>>
        %dma_wait3A_68 = arith.constant 0 : i32
        %dma_wait3A_69 = tpu.memref_slice %arg3[%add3A_35, %dma_wait3A_68] : memref<5120x128xi32, #tpu.memory_space<hbm>> -> memref<2x128xi32, #tpu.memory_space<hbm>>
        tpu.wait_dma2 semaphore(%run_scoped3A_61 : memref<!tpu.dma_semaphore, #tpu.memory_space<semaphore_mem>>) src(%dma_wait3A_69 : memref<2x128xi32, #tpu.memory_space<hbm>>) dst(%arg8 : memref<2x128xi32, #tpu.memory_space<vmem>>)
        tpu.yield
      }) : () -> ()
      %dma_start3A_36 = arith.constant 0 : i32
      %dma_start3A_37 = arith.constant 0 : i32
      %dma_start3A_38 = tpu.memref_slice %arg8[%dma_start3A_36, %dma_start3A_37] : memref<2x128xi32, #tpu.memory_space<vmem>> -> memref<1x128xi32, #tpu.memory_space<vmem>>
      %dma_start3A_39 = tpu.memref_squeeze %dma_start3A_38 : memref<1x128xi32, #tpu.memory_space<vmem>> -> memref<128xi32, #tpu.memory_space<vmem>>
      %dma_start3A_40 = arith.constant 0 : i32
      %dma_start3A_41 = arith.constant 0 : i32
      %dma_start3A_42 = tpu.memref_slice %arg2[%dma_start3A_40, %dma_start3A_41] : memref<256x128xf32, #tpu.memory_space<hbm>> -> memref<256x128xf32, #tpu.memory_space<hbm>>
      tpu.enqueue_indirect_dma source(%dma_start3A_42 : memref<256x128xf32, #tpu.memory_space<hbm>>) target(%arg10 : memref<128x128xf32, #tpu.memory_space<vmem>>) offsets(%dma_start3A_39 : memref<128xi32, #tpu.memory_space<vmem>>) semaphore(%arg12 : memref<!tpu.dma_semaphore, #tpu.memory_space<semaphore_mem>>)
      %dma_wait3A = arith.constant 0 : i32
      %dma_wait3A_43 = arith.constant 0 : i32
      %dma_wait3A_44 = tpu.memref_slice %arg7[%dma_wait3A, %dma_wait3A_43] : memref<2x128xi32, #tpu.memory_space<vmem>> -> memref<1x128xi32, #tpu.memory_space<vmem>>
      %dma_wait3A_45 = tpu.memref_squeeze %dma_wait3A_44 : memref<1x128xi32, #tpu.memory_space<vmem>> -> memref<128xi32, #tpu.memory_space<vmem>>
      %dma_wait3A_46 = arith.constant 0 : i32
      %dma_wait3A_47 = arith.constant 0 : i32
      %dma_wait3A_48 = tpu.memref_slice %arg2[%dma_wait3A_46, %dma_wait3A_47] : memref<256x128xf32, #tpu.memory_space<hbm>> -> memref<256x128xf32, #tpu.memory_space<hbm>>
      tpu.wait_indirect_dma semaphore(%arg11 : memref<!tpu.dma_semaphore, #tpu.memory_space<semaphore_mem>>) src(%dma_wait3A_48 : memref<256x128xf32, #tpu.memory_space<hbm>>) dst(%arg9 : memref<128x128xf32, #tpu.memory_space<vmem>>)
      %run_scoped3A = arith.constant 1 : i32
      "tpu.region"() ({
        %run_scoped3A_61 = tpu.sem_alloc : memref<!tpu.dma_semaphore, #tpu.memory_space<semaphore_mem>>
        %dma_start3A_62 = arith.constant 0 : i32
        %dma_start3A_63 = tpu.memref_slice %arg7[%run_scoped3A, %dma_start3A_62] : memref<2x128xi32, #tpu.memory_space<vmem>> -> memref<1x128xi32, #tpu.memory_space<vmem>>
        %dma_start3A_64 = tpu.memref_squeeze %dma_start3A_63 : memref<1x128xi32, #tpu.memory_space<vmem>> -> memref<128xi32, #tpu.memory_space<vmem>>
        %dma_start3A_65 = arith.constant 0 : i32
        %dma_start3A_66 = arith.constant 0 : i32
        %dma_start3A_67 = tpu.memref_slice %arg6[%dma_start3A_65, %dma_start3A_66] : memref<10240x128xf32, #tpu.memory_space<vmem_shared>> -> memref<10240x128xf32, #tpu.memory_space<vmem_shared>>
        tpu.enqueue_indirect_dma source(%arg9 : memref<128x128xf32, #tpu.memory_space<vmem>>) target(%dma_start3A_67 : memref<10240x128xf32, #tpu.memory_space<vmem_shared>>) offsets(%dma_start3A_64 : memref<128xi32, #tpu.memory_space<vmem>>) semaphore(%run_scoped3A_61 : memref<!tpu.dma_semaphore, #tpu.memory_space<semaphore_mem>>) {add = true}
        %dma_wait3A_68 = arith.constant 0 : i32
        %dma_wait3A_69 = tpu.memref_slice %arg7[%run_scoped3A, %dma_wait3A_68] : memref<2x128xi32, #tpu.memory_space<vmem>> -> memref<1x128xi32, #tpu.memory_space<vmem>>
        %dma_wait3A_70 = tpu.memref_squeeze %dma_wait3A_69 : memref<1x128xi32, #tpu.memory_space<vmem>> -> memref<128xi32, #tpu.memory_space<vmem>>
        %dma_wait3A_71 = arith.constant 0 : i32
        %dma_wait3A_72 = arith.constant 0 : i32
        %dma_wait3A_73 = tpu.memref_slice %arg6[%dma_wait3A_71, %dma_wait3A_72] : memref<10240x128xf32, #tpu.memory_space<vmem_shared>> -> memref<10240x128xf32, #tpu.memory_space<vmem_shared>>
        tpu.wait_indirect_dma semaphore(%run_scoped3A_61 : memref<!tpu.dma_semaphore, #tpu.memory_space<semaphore_mem>>) src(%arg9 : memref<128x128xf32, #tpu.memory_space<vmem>>) dst(%dma_wait3A_73 : memref<10240x128xf32, #tpu.memory_space<vmem_shared>>)
        tpu.yield
      }) : () -> ()
      %add3A_49 = arith.constant 2 : i32
      %add3A_50 = arith.addi %mul3A_30, %add3A_49 : i32
      %lt3A = arith.constant 80 : i32
      %lt3A_51 = arith.cmpi slt, %add3A_50, %lt3A : i32
      %convert_element_type3A = arith.extui %lt3A_51 : i1 to i32
      %cond3A = arith.constant 0 : i32
      %cond3A_52 = arith.cmpi ne, %convert_element_type3A, %cond3A : i32
      scf.if %cond3A_52 {
        %add3A_61 = arith.constant 2 : i32
        %add3A_62 = arith.addi %mul3A_30, %add3A_61 : i32
        %mul3A_63 = arith.constant 2 : i32
        %mul3A_64 = arith.muli %add3A_62, %mul3A_63 : i32
        %add3A_65 = arith.addi %mul3A_6, %mul3A_64 : i32
        "tpu.region"() ({
          %run_scoped3A_73 = tpu.sem_alloc : memref<!tpu.dma_semaphore, #tpu.memory_space<semaphore_mem>>
          %dma_start3A_74 = arith.constant 0 : i32
          %dma_start3A_75 = tpu.memref_slice %arg3[%add3A_65, %dma_start3A_74] : memref<5120x128xi32, #tpu.memory_space<hbm>> -> memref<2x128xi32, #tpu.memory_space<hbm>>
          %dma_start3A_76 = arith.constant 0 : i32
          %dma_start3A_77 = tpu.memref_slice %arg3[%add3A_65, %dma_start3A_76] : memref<5120x128xi32, #tpu.memory_space<hbm>> -> memref<2x128xi32, #tpu.memory_space<hbm>>
          tpu.enqueue_dma source(%dma_start3A_77 : memref<2x128xi32, #tpu.memory_space<hbm>>) target(%arg7 : memref<2x128xi32, #tpu.memory_space<vmem>>) target_semaphore(%run_scoped3A_73 : memref<!tpu.dma_semaphore, #tpu.memory_space<semaphore_mem>>)
          %dma_wait3A_78 = arith.constant 0 : i32
          %dma_wait3A_79 = tpu.memref_slice %arg3[%add3A_65, %dma_wait3A_78] : memref<5120x128xi32, #tpu.memory_space<hbm>> -> memref<2x128xi32, #tpu.memory_space<hbm>>
          %dma_wait3A_80 = arith.constant 0 : i32
          %dma_wait3A_81 = tpu.memref_slice %arg3[%add3A_65, %dma_wait3A_80] : memref<5120x128xi32, #tpu.memory_space<hbm>> -> memref<2x128xi32, #tpu.memory_space<hbm>>
          tpu.wait_dma2 semaphore(%run_scoped3A_73 : memref<!tpu.dma_semaphore, #tpu.memory_space<semaphore_mem>>) src(%dma_wait3A_81 : memref<2x128xi32, #tpu.memory_space<hbm>>) dst(%arg7 : memref<2x128xi32, #tpu.memory_space<vmem>>)
          tpu.yield
        }) : () -> ()
        %dma_start3A_66 = arith.constant 0 : i32
        %dma_start3A_67 = arith.constant 0 : i32
        %dma_start3A_68 = tpu.memref_slice %arg7[%dma_start3A_66, %dma_start3A_67] : memref<2x128xi32, #tpu.memory_space<vmem>> -> memref<1x128xi32, #tpu.memory_space<vmem>>
        %dma_start3A_69 = tpu.memref_squeeze %dma_start3A_68 : memref<1x128xi32, #tpu.memory_space<vmem>> -> memref<128xi32, #tpu.memory_space<vmem>>
        %dma_start3A_70 = arith.constant 0 : i32
        %dma_start3A_71 = arith.constant 0 : i32
        %dma_start3A_72 = tpu.memref_slice %arg2[%dma_start3A_70, %dma_start3A_71] : memref<256x128xf32, #tpu.memory_space<hbm>> -> memref<256x128xf32, #tpu.memory_space<hbm>>
        tpu.enqueue_indirect_dma source(%dma_start3A_72 : memref<256x128xf32, #tpu.memory_space<hbm>>) target(%arg9 : memref<128x128xf32, #tpu.memory_space<vmem>>) offsets(%dma_start3A_69 : memref<128xi32, #tpu.memory_space<vmem>>) semaphore(%arg11 : memref<!tpu.dma_semaphore, #tpu.memory_space<semaphore_mem>>)
      } else {
      }
      %dma_wait3A_53 = arith.constant 0 : i32
      %dma_wait3A_54 = arith.constant 0 : i32
      %dma_wait3A_55 = tpu.memref_slice %arg8[%dma_wait3A_53, %dma_wait3A_54] : memref<2x128xi32, #tpu.memory_space<vmem>> -> memref<1x128xi32, #tpu.memory_space<vmem>>
      %dma_wait3A_56 = tpu.memref_squeeze %dma_wait3A_55 : memref<1x128xi32, #tpu.memory_space<vmem>> -> memref<128xi32, #tpu.memory_space<vmem>>
      %dma_wait3A_57 = arith.constant 0 : i32
      %dma_wait3A_58 = arith.constant 0 : i32
      %dma_wait3A_59 = tpu.memref_slice %arg2[%dma_wait3A_57, %dma_wait3A_58] : memref<256x128xf32, #tpu.memory_space<hbm>> -> memref<256x128xf32, #tpu.memory_space<hbm>>
      tpu.wait_indirect_dma semaphore(%arg12 : memref<!tpu.dma_semaphore, #tpu.memory_space<semaphore_mem>>) src(%dma_wait3A_59 : memref<256x128xf32, #tpu.memory_space<hbm>>) dst(%arg10 : memref<128x128xf32, #tpu.memory_space<vmem>>)
      %run_scoped3A_60 = arith.constant 1 : i32
      "tpu.region"() ({
        %run_scoped3A_61 = tpu.sem_alloc : memref<!tpu.dma_semaphore, #tpu.memory_space<semaphore_mem>>
        %dma_start3A_62 = arith.constant 0 : i32
        %dma_start3A_63 = tpu.memref_slice %arg8[%run_scoped3A_60, %dma_start3A_62] : memref<2x128xi32, #tpu.memory_space<vmem>> -> memref<1x128xi32, #tpu.memory_space<vmem>>
        %dma_start3A_64 = tpu.memref_squeeze %dma_start3A_63 : memref<1x128xi32, #tpu.memory_space<vmem>> -> memref<128xi32, #tpu.memory_space<vmem>>
        %dma_start3A_65 = arith.constant 0 : i32
        %dma_start3A_66 = arith.constant 0 : i32
        %dma_start3A_67 = tpu.memref_slice %arg6[%dma_start3A_65, %dma_start3A_66] : memref<10240x128xf32, #tpu.memory_space<vmem_shared>> -> memref<10240x128xf32, #tpu.memory_space<vmem_shared>>
        tpu.enqueue_indirect_dma source(%arg10 : memref<128x128xf32, #tpu.memory_space<vmem>>) target(%dma_start3A_67 : memref<10240x128xf32, #tpu.memory_space<vmem_shared>>) offsets(%dma_start3A_64 : memref<128xi32, #tpu.memory_space<vmem>>) semaphore(%run_scoped3A_61 : memref<!tpu.dma_semaphore, #tpu.memory_space<semaphore_mem>>) {add = true}
        %dma_wait3A_68 = arith.constant 0 : i32
        %dma_wait3A_69 = tpu.memref_slice %arg8[%run_scoped3A_60, %dma_wait3A_68] : memref<2x128xi32, #tpu.memory_space<vmem>> -> memref<1x128xi32, #tpu.memory_space<vmem>>
        %dma_wait3A_70 = tpu.memref_squeeze %dma_wait3A_69 : memref<1x128xi32, #tpu.memory_space<vmem>> -> memref<128xi32, #tpu.memory_space<vmem>>
        %dma_wait3A_71 = arith.constant 0 : i32
        %dma_wait3A_72 = arith.constant 0 : i32
        %dma_wait3A_73 = tpu.memref_slice %arg6[%dma_wait3A_71, %dma_wait3A_72] : memref<10240x128xf32, #tpu.memory_space<vmem_shared>> -> memref<10240x128xf32, #tpu.memory_space<vmem_shared>>
        tpu.wait_indirect_dma semaphore(%run_scoped3A_61 : memref<!tpu.dma_semaphore, #tpu.memory_space<semaphore_mem>>) src(%arg10 : memref<128x128xf32, #tpu.memory_space<vmem>>) dst(%dma_wait3A_73 : memref<10240x128xf32, #tpu.memory_space<vmem_shared>>)
        tpu.yield
      }) : () -> ()
    }
    %scan3A_19 = arith.constant 40 : i32
    %barrier3A_20 = arith.constant 0 : index
    tpu.barrier barrier_id(%barrier3A_20)
    %mul3A_21 = arith.constant 640 : i32
    %mul3A_22 = arith.muli %arg1, %mul3A_21 : i32
    %mul3A_23 = arith.constant 10240 : i32
    %mul3A_24 = arith.muli %arg0, %mul3A_23 : i32
    %mul3A_25 = arith.constant 640 : i32
    %mul3A_26 = arith.muli %arg1, %mul3A_25 : i32
    %add3A_27 = arith.addi %mul3A_24, %mul3A_26 : i32
    "tpu.region"() ({
      %run_scoped3A = tpu.sem_alloc : memref<!tpu.dma_semaphore, #tpu.memory_space<semaphore_mem>>
      %dma_start3A_28 = arith.constant 0 : i32
      %dma_start3A_29 = tpu.memref_slice %arg5[%add3A_27, %dma_start3A_28] : memref<20480x128xf32, #tpu.memory_space<hbm>> -> memref<640x128xf32, #tpu.memory_space<hbm>>
      %dma_start3A_30 = arith.constant 0 : i32
      %dma_start3A_31 = tpu.memref_slice %arg6[%mul3A_22, %dma_start3A_30] : memref<10240x128xf32, #tpu.memory_space<vmem_shared>> -> memref<640x128xf32, #tpu.memory_space<vmem_shared>>
      tpu.enqueue_dma source(%dma_start3A_31 : memref<640x128xf32, #tpu.memory_space<vmem_shared>>) target(%dma_start3A_29 : memref<640x128xf32, #tpu.memory_space<hbm>>) target_semaphore(%run_scoped3A : memref<!tpu.dma_semaphore, #tpu.memory_space<semaphore_mem>>)
      %dma_wait3A = arith.constant 0 : i32
      %dma_wait3A_32 = tpu.memref_slice %arg5[%add3A_27, %dma_wait3A] : memref<20480x128xf32, #tpu.memory_space<hbm>> -> memref<640x128xf32, #tpu.memory_space<hbm>>
      %dma_wait3A_33 = arith.constant 0 : i32
      %dma_wait3A_34 = tpu.memref_slice %arg6[%mul3A_22, %dma_wait3A_33] : memref<10240x128xf32, #tpu.memory_space<vmem_shared>> -> memref<640x128xf32, #tpu.memory_space<vmem_shared>>
      tpu.wait_dma2 semaphore(%run_scoped3A : memref<!tpu.dma_semaphore, #tpu.memory_space<semaphore_mem>>) src(%dma_wait3A_34 : memref<640x128xf32, #tpu.memory_space<vmem_shared>>) dst(%dma_wait3A_32 : memref<640x128xf32, #tpu.memory_space<hbm>>)
      tpu.yield
    }) : () -> ()
    return
  }
}

#map = affine_map<(d0, d1) -> (0, 0)>
module attributes {stable_mosaic.version = 14 : i64} {
  func.func @_sc_gsa_body(%arg0: i32, %arg1: i32, %arg2: memref<10240x128xf32, #tpu.memory_space<hbm>>, %arg3: memref<2560x128xi32, #tpu.memory_space<hbm>>, %arg4: memref<640x128xf32, #tpu.memory_space<hbm>>, %arg5: memref<20480x128xf32, #tpu.memory_space<hbm>>, %arg6: memref<10240x128xf32, #tpu.memory_space<vmem_shared>>, %arg7: memref<2x128xi32, #tpu.memory_space<vmem>>, %arg8: memref<2x128xi32, #tpu.memory_space<vmem>>, %arg9: memref<128x128xf32, #tpu.memory_space<vmem>>, %arg10: memref<128x128xf32, #tpu.memory_space<vmem>>, %arg11: memref<!tpu.dma_semaphore, #tpu.memory_space<semaphore_mem>>, %arg12: memref<!tpu.dma_semaphore, #tpu.memory_space<semaphore_mem>>) attributes {dimension_semantics = [#tpu.dimension_semantics<core_parallel>, #tpu.dimension_semantics<subcore_parallel>], iteration_bounds = array<i64: 2, 16>, scalar_prefetch = 0 : i64, scratch_operands = 7 : i64, tpu.core_type = #tpu.core_type<sc_vector_subcore>, window_params = [{transform_indices = #map}, {transform_indices = #map}, {transform_indices = #map}, {transform_indices = #map}]} {
    %mul3A = arith.constant 2 : i32
    %mul3A_0 = arith.muli %arg1, %mul3A : i32
    %add3A = arith.addi %mul3A_0, %arg0 : i32
    %mul3A_1 = arith.constant 640 : i32
    %mul3A_2 = arith.muli %arg1, %mul3A_1 : i32
    "tpu.region"() ({
      %run_scoped3A = tpu.sem_alloc : memref<!tpu.dma_semaphore, #tpu.memory_space<semaphore_mem>>
      %dma_start3A_28 = arith.constant 0 : i32
      %dma_start3A_29 = tpu.memref_slice %arg6[%mul3A_2, %dma_start3A_28] : memref<10240x128xf32, #tpu.memory_space<vmem_shared>> -> memref<640x128xf32, #tpu.memory_space<vmem_shared>>
      tpu.enqueue_dma source(%arg4 : memref<640x128xf32, #tpu.memory_space<hbm>>) target(%dma_start3A_29 : memref<640x128xf32, #tpu.memory_space<vmem_shared>>) target_semaphore(%run_scoped3A : memref<!tpu.dma_semaphore, #tpu.memory_space<semaphore_mem>>)
      %dma_wait3A = arith.constant 0 : i32
      %dma_wait3A_30 = tpu.memref_slice %arg6[%mul3A_2, %dma_wait3A] : memref<10240x128xf32, #tpu.memory_space<vmem_shared>> -> memref<640x128xf32, #tpu.memory_space<vmem_shared>>
      tpu.wait_dma2 semaphore(%run_scoped3A : memref<!tpu.dma_semaphore, #tpu.memory_space<semaphore_mem>>) src(%arg4 : memref<640x128xf32, #tpu.memory_space<hbm>>) dst(%dma_wait3A_30 : memref<640x128xf32, #tpu.memory_space<vmem_shared>>)
      tpu.yield
    }) : () -> ()
    %barrier3A = arith.constant 0 : index
    tpu.barrier barrier_id(%barrier3A)
    %mul3A_3 = arith.constant 40 : i32
    %mul3A_4 = arith.muli %add3A, %mul3A_3 : i32
    %mul3A_5 = arith.constant 2 : i32
    %mul3A_6 = arith.muli %mul3A_4, %mul3A_5 : i32
    %add3A_7 = arith.constant 0 : i32
    %add3A_8 = arith.addi %mul3A_6, %add3A_7 : i32
    "tpu.region"() ({
      %run_scoped3A = tpu.sem_alloc : memref<!tpu.dma_semaphore, #tpu.memory_space<semaphore_mem>>
      %dma_start3A_28 = arith.constant 0 : i32
      %dma_start3A_29 = tpu.memref_slice %arg3[%add3A_8, %dma_start3A_28] : memref<2560x128xi32, #tpu.memory_space<hbm>> -> memref<2x128xi32, #tpu.memory_space<hbm>>
      %dma_start3A_30 = arith.constant 0 : i32
      %dma_start3A_31 = tpu.memref_slice %arg3[%add3A_8, %dma_start3A_30] : memref<2560x128xi32, #tpu.memory_space<hbm>> -> memref<2x128xi32, #tpu.memory_space<hbm>>
      tpu.enqueue_dma source(%dma_start3A_31 : memref<2x128xi32, #tpu.memory_space<hbm>>) target(%arg7 : memref<2x128xi32, #tpu.memory_space<vmem>>) target_semaphore(%run_scoped3A : memref<!tpu.dma_semaphore, #tpu.memory_space<semaphore_mem>>)
      %dma_wait3A = arith.constant 0 : i32
      %dma_wait3A_32 = tpu.memref_slice %arg3[%add3A_8, %dma_wait3A] : memref<2560x128xi32, #tpu.memory_space<hbm>> -> memref<2x128xi32, #tpu.memory_space<hbm>>
      %dma_wait3A_33 = arith.constant 0 : i32
      %dma_wait3A_34 = tpu.memref_slice %arg3[%add3A_8, %dma_wait3A_33] : memref<2560x128xi32, #tpu.memory_space<hbm>> -> memref<2x128xi32, #tpu.memory_space<hbm>>
      tpu.wait_dma2 semaphore(%run_scoped3A : memref<!tpu.dma_semaphore, #tpu.memory_space<semaphore_mem>>) src(%dma_wait3A_34 : memref<2x128xi32, #tpu.memory_space<hbm>>) dst(%arg7 : memref<2x128xi32, #tpu.memory_space<vmem>>)
      tpu.yield
    }) : () -> ()
    %dma_start3A = arith.constant 0 : i32
    %dma_start3A_9 = arith.constant 0 : i32
    %dma_start3A_10 = tpu.memref_slice %arg7[%dma_start3A, %dma_start3A_9] : memref<2x128xi32, #tpu.memory_space<vmem>> -> memref<1x128xi32, #tpu.memory_space<vmem>>
    %dma_start3A_11 = tpu.memref_squeeze %dma_start3A_10 : memref<1x128xi32, #tpu.memory_space<vmem>> -> memref<128xi32, #tpu.memory_space<vmem>>
    %dma_start3A_12 = arith.constant 0 : i32
    %dma_start3A_13 = arith.constant 0 : i32
    %dma_start3A_14 = tpu.memref_slice %arg2[%dma_start3A_12, %dma_start3A_13] : memref<10240x128xf32, #tpu.memory_space<hbm>> -> memref<10240x128xf32, #tpu.memory_space<hbm>>
    tpu.enqueue_indirect_dma source(%dma_start3A_14 : memref<10240x128xf32, #tpu.memory_space<hbm>>) target(%arg9 : memref<128x128xf32, #tpu.memory_space<vmem>>) offsets(%dma_start3A_11 : memref<128xi32, #tpu.memory_space<vmem>>) semaphore(%arg11 : memref<!tpu.dma_semaphore, #tpu.memory_space<semaphore_mem>>)
    %scan3A = arith.constant 0 : i32
    %scan3A_15 = arith.constant 0 : i32
    %scan3A_16 = arith.constant 20 : i32
    %scan3A_17 = arith.addi %scan3A_15, %scan3A_16 : i32
    %scan3A_18 = arith.constant 1 : i32
    scf.for %scan3A_28 = %scan3A_15 to %scan3A_17 step %scan3A_18  : i32 {
      %mul3A_29 = arith.constant 2 : i32
      %mul3A_30 = arith.muli %mul3A_29, %scan3A_28 : i32
      %add3A_31 = arith.constant 1 : i32
      %add3A_32 = arith.addi %mul3A_30, %add3A_31 : i32
      %mul3A_33 = arith.constant 2 : i32
      %mul3A_34 = arith.muli %add3A_32, %mul3A_33 : i32
      %add3A_35 = arith.addi %mul3A_6, %mul3A_34 : i32
      "tpu.region"() ({
        %run_scoped3A_61 = tpu.sem_alloc : memref<!tpu.dma_semaphore, #tpu.memory_space<semaphore_mem>>
        %dma_start3A_62 = arith.constant 0 : i32
        %dma_start3A_63 = tpu.memref_slice %arg3[%add3A_35, %dma_start3A_62] : memref<2560x128xi32, #tpu.memory_space<hbm>> -> memref<2x128xi32, #tpu.memory_space<hbm>>
        %dma_start3A_64 = arith.constant 0 : i32
        %dma_start3A_65 = tpu.memref_slice %arg3[%add3A_35, %dma_start3A_64] : memref<2560x128xi32, #tpu.memory_space<hbm>> -> memref<2x128xi32, #tpu.memory_space<hbm>>
        tpu.enqueue_dma source(%dma_start3A_65 : memref<2x128xi32, #tpu.memory_space<hbm>>) target(%arg8 : memref<2x128xi32, #tpu.memory_space<vmem>>) target_semaphore(%run_scoped3A_61 : memref<!tpu.dma_semaphore, #tpu.memory_space<semaphore_mem>>)
        %dma_wait3A_66 = arith.constant 0 : i32
        %dma_wait3A_67 = tpu.memref_slice %arg3[%add3A_35, %dma_wait3A_66] : memref<2560x128xi32, #tpu.memory_space<hbm>> -> memref<2x128xi32, #tpu.memory_space<hbm>>
        %dma_wait3A_68 = arith.constant 0 : i32
        %dma_wait3A_69 = tpu.memref_slice %arg3[%add3A_35, %dma_wait3A_68] : memref<2560x128xi32, #tpu.memory_space<hbm>> -> memref<2x128xi32, #tpu.memory_space<hbm>>
        tpu.wait_dma2 semaphore(%run_scoped3A_61 : memref<!tpu.dma_semaphore, #tpu.memory_space<semaphore_mem>>) src(%dma_wait3A_69 : memref<2x128xi32, #tpu.memory_space<hbm>>) dst(%arg8 : memref<2x128xi32, #tpu.memory_space<vmem>>)
        tpu.yield
      }) : () -> ()
      %dma_start3A_36 = arith.constant 0 : i32
      %dma_start3A_37 = arith.constant 0 : i32
      %dma_start3A_38 = tpu.memref_slice %arg8[%dma_start3A_36, %dma_start3A_37] : memref<2x128xi32, #tpu.memory_space<vmem>> -> memref<1x128xi32, #tpu.memory_space<vmem>>
      %dma_start3A_39 = tpu.memref_squeeze %dma_start3A_38 : memref<1x128xi32, #tpu.memory_space<vmem>> -> memref<128xi32, #tpu.memory_space<vmem>>
      %dma_start3A_40 = arith.constant 0 : i32
      %dma_start3A_41 = arith.constant 0 : i32
      %dma_start3A_42 = tpu.memref_slice %arg2[%dma_start3A_40, %dma_start3A_41] : memref<10240x128xf32, #tpu.memory_space<hbm>> -> memref<10240x128xf32, #tpu.memory_space<hbm>>
      tpu.enqueue_indirect_dma source(%dma_start3A_42 : memref<10240x128xf32, #tpu.memory_space<hbm>>) target(%arg10 : memref<128x128xf32, #tpu.memory_space<vmem>>) offsets(%dma_start3A_39 : memref<128xi32, #tpu.memory_space<vmem>>) semaphore(%arg12 : memref<!tpu.dma_semaphore, #tpu.memory_space<semaphore_mem>>)
      %dma_wait3A = arith.constant 0 : i32
      %dma_wait3A_43 = arith.constant 0 : i32
      %dma_wait3A_44 = tpu.memref_slice %arg7[%dma_wait3A, %dma_wait3A_43] : memref<2x128xi32, #tpu.memory_space<vmem>> -> memref<1x128xi32, #tpu.memory_space<vmem>>
      %dma_wait3A_45 = tpu.memref_squeeze %dma_wait3A_44 : memref<1x128xi32, #tpu.memory_space<vmem>> -> memref<128xi32, #tpu.memory_space<vmem>>
      %dma_wait3A_46 = arith.constant 0 : i32
      %dma_wait3A_47 = arith.constant 0 : i32
      %dma_wait3A_48 = tpu.memref_slice %arg2[%dma_wait3A_46, %dma_wait3A_47] : memref<10240x128xf32, #tpu.memory_space<hbm>> -> memref<10240x128xf32, #tpu.memory_space<hbm>>
      tpu.wait_indirect_dma semaphore(%arg11 : memref<!tpu.dma_semaphore, #tpu.memory_space<semaphore_mem>>) src(%dma_wait3A_48 : memref<10240x128xf32, #tpu.memory_space<hbm>>) dst(%arg9 : memref<128x128xf32, #tpu.memory_space<vmem>>)
      %run_scoped3A = arith.constant 1 : i32
      "tpu.region"() ({
        %run_scoped3A_61 = tpu.sem_alloc : memref<!tpu.dma_semaphore, #tpu.memory_space<semaphore_mem>>
        %dma_start3A_62 = arith.constant 0 : i32
        %dma_start3A_63 = tpu.memref_slice %arg7[%run_scoped3A, %dma_start3A_62] : memref<2x128xi32, #tpu.memory_space<vmem>> -> memref<1x128xi32, #tpu.memory_space<vmem>>
        %dma_start3A_64 = tpu.memref_squeeze %dma_start3A_63 : memref<1x128xi32, #tpu.memory_space<vmem>> -> memref<128xi32, #tpu.memory_space<vmem>>
        %dma_start3A_65 = arith.constant 0 : i32
        %dma_start3A_66 = arith.constant 0 : i32
        %dma_start3A_67 = tpu.memref_slice %arg6[%dma_start3A_65, %dma_start3A_66] : memref<10240x128xf32, #tpu.memory_space<vmem_shared>> -> memref<10240x128xf32, #tpu.memory_space<vmem_shared>>
        tpu.enqueue_indirect_dma source(%arg9 : memref<128x128xf32, #tpu.memory_space<vmem>>) target(%dma_start3A_67 : memref<10240x128xf32, #tpu.memory_space<vmem_shared>>) offsets(%dma_start3A_64 : memref<128xi32, #tpu.memory_space<vmem>>) semaphore(%run_scoped3A_61 : memref<!tpu.dma_semaphore, #tpu.memory_space<semaphore_mem>>) {add = true}
        %dma_wait3A_68 = arith.constant 0 : i32
        %dma_wait3A_69 = tpu.memref_slice %arg7[%run_scoped3A, %dma_wait3A_68] : memref<2x128xi32, #tpu.memory_space<vmem>> -> memref<1x128xi32, #tpu.memory_space<vmem>>
        %dma_wait3A_70 = tpu.memref_squeeze %dma_wait3A_69 : memref<1x128xi32, #tpu.memory_space<vmem>> -> memref<128xi32, #tpu.memory_space<vmem>>
        %dma_wait3A_71 = arith.constant 0 : i32
        %dma_wait3A_72 = arith.constant 0 : i32
        %dma_wait3A_73 = tpu.memref_slice %arg6[%dma_wait3A_71, %dma_wait3A_72] : memref<10240x128xf32, #tpu.memory_space<vmem_shared>> -> memref<10240x128xf32, #tpu.memory_space<vmem_shared>>
        tpu.wait_indirect_dma semaphore(%run_scoped3A_61 : memref<!tpu.dma_semaphore, #tpu.memory_space<semaphore_mem>>) src(%arg9 : memref<128x128xf32, #tpu.memory_space<vmem>>) dst(%dma_wait3A_73 : memref<10240x128xf32, #tpu.memory_space<vmem_shared>>)
        tpu.yield
      }) : () -> ()
      %add3A_49 = arith.constant 2 : i32
      %add3A_50 = arith.addi %mul3A_30, %add3A_49 : i32
      %lt3A = arith.constant 40 : i32
      %lt3A_51 = arith.cmpi slt, %add3A_50, %lt3A : i32
      %convert_element_type3A = arith.extui %lt3A_51 : i1 to i32
      %cond3A = arith.constant 0 : i32
      %cond3A_52 = arith.cmpi ne, %convert_element_type3A, %cond3A : i32
      scf.if %cond3A_52 {
        %add3A_61 = arith.constant 2 : i32
        %add3A_62 = arith.addi %mul3A_30, %add3A_61 : i32
        %mul3A_63 = arith.constant 2 : i32
        %mul3A_64 = arith.muli %add3A_62, %mul3A_63 : i32
        %add3A_65 = arith.addi %mul3A_6, %mul3A_64 : i32
        "tpu.region"() ({
          %run_scoped3A_73 = tpu.sem_alloc : memref<!tpu.dma_semaphore, #tpu.memory_space<semaphore_mem>>
          %dma_start3A_74 = arith.constant 0 : i32
          %dma_start3A_75 = tpu.memref_slice %arg3[%add3A_65, %dma_start3A_74] : memref<2560x128xi32, #tpu.memory_space<hbm>> -> memref<2x128xi32, #tpu.memory_space<hbm>>
          %dma_start3A_76 = arith.constant 0 : i32
          %dma_start3A_77 = tpu.memref_slice %arg3[%add3A_65, %dma_start3A_76] : memref<2560x128xi32, #tpu.memory_space<hbm>> -> memref<2x128xi32, #tpu.memory_space<hbm>>
          tpu.enqueue_dma source(%dma_start3A_77 : memref<2x128xi32, #tpu.memory_space<hbm>>) target(%arg7 : memref<2x128xi32, #tpu.memory_space<vmem>>) target_semaphore(%run_scoped3A_73 : memref<!tpu.dma_semaphore, #tpu.memory_space<semaphore_mem>>)
          %dma_wait3A_78 = arith.constant 0 : i32
          %dma_wait3A_79 = tpu.memref_slice %arg3[%add3A_65, %dma_wait3A_78] : memref<2560x128xi32, #tpu.memory_space<hbm>> -> memref<2x128xi32, #tpu.memory_space<hbm>>
          %dma_wait3A_80 = arith.constant 0 : i32
          %dma_wait3A_81 = tpu.memref_slice %arg3[%add3A_65, %dma_wait3A_80] : memref<2560x128xi32, #tpu.memory_space<hbm>> -> memref<2x128xi32, #tpu.memory_space<hbm>>
          tpu.wait_dma2 semaphore(%run_scoped3A_73 : memref<!tpu.dma_semaphore, #tpu.memory_space<semaphore_mem>>) src(%dma_wait3A_81 : memref<2x128xi32, #tpu.memory_space<hbm>>) dst(%arg7 : memref<2x128xi32, #tpu.memory_space<vmem>>)
          tpu.yield
        }) : () -> ()
        %dma_start3A_66 = arith.constant 0 : i32
        %dma_start3A_67 = arith.constant 0 : i32
        %dma_start3A_68 = tpu.memref_slice %arg7[%dma_start3A_66, %dma_start3A_67] : memref<2x128xi32, #tpu.memory_space<vmem>> -> memref<1x128xi32, #tpu.memory_space<vmem>>
        %dma_start3A_69 = tpu.memref_squeeze %dma_start3A_68 : memref<1x128xi32, #tpu.memory_space<vmem>> -> memref<128xi32, #tpu.memory_space<vmem>>
        %dma_start3A_70 = arith.constant 0 : i32
        %dma_start3A_71 = arith.constant 0 : i32
        %dma_start3A_72 = tpu.memref_slice %arg2[%dma_start3A_70, %dma_start3A_71] : memref<10240x128xf32, #tpu.memory_space<hbm>> -> memref<10240x128xf32, #tpu.memory_space<hbm>>
        tpu.enqueue_indirect_dma source(%dma_start3A_72 : memref<10240x128xf32, #tpu.memory_space<hbm>>) target(%arg9 : memref<128x128xf32, #tpu.memory_space<vmem>>) offsets(%dma_start3A_69 : memref<128xi32, #tpu.memory_space<vmem>>) semaphore(%arg11 : memref<!tpu.dma_semaphore, #tpu.memory_space<semaphore_mem>>)
      } else {
      }
      %dma_wait3A_53 = arith.constant 0 : i32
      %dma_wait3A_54 = arith.constant 0 : i32
      %dma_wait3A_55 = tpu.memref_slice %arg8[%dma_wait3A_53, %dma_wait3A_54] : memref<2x128xi32, #tpu.memory_space<vmem>> -> memref<1x128xi32, #tpu.memory_space<vmem>>
      %dma_wait3A_56 = tpu.memref_squeeze %dma_wait3A_55 : memref<1x128xi32, #tpu.memory_space<vmem>> -> memref<128xi32, #tpu.memory_space<vmem>>
      %dma_wait3A_57 = arith.constant 0 : i32
      %dma_wait3A_58 = arith.constant 0 : i32
      %dma_wait3A_59 = tpu.memref_slice %arg2[%dma_wait3A_57, %dma_wait3A_58] : memref<10240x128xf32, #tpu.memory_space<hbm>> -> memref<10240x128xf32, #tpu.memory_space<hbm>>
      tpu.wait_indirect_dma semaphore(%arg12 : memref<!tpu.dma_semaphore, #tpu.memory_space<semaphore_mem>>) src(%dma_wait3A_59 : memref<10240x128xf32, #tpu.memory_space<hbm>>) dst(%arg10 : memref<128x128xf32, #tpu.memory_space<vmem>>)
      %run_scoped3A_60 = arith.constant 1 : i32
      "tpu.region"() ({
        %run_scoped3A_61 = tpu.sem_alloc : memref<!tpu.dma_semaphore, #tpu.memory_space<semaphore_mem>>
        %dma_start3A_62 = arith.constant 0 : i32
        %dma_start3A_63 = tpu.memref_slice %arg8[%run_scoped3A_60, %dma_start3A_62] : memref<2x128xi32, #tpu.memory_space<vmem>> -> memref<1x128xi32, #tpu.memory_space<vmem>>
        %dma_start3A_64 = tpu.memref_squeeze %dma_start3A_63 : memref<1x128xi32, #tpu.memory_space<vmem>> -> memref<128xi32, #tpu.memory_space<vmem>>
        %dma_start3A_65 = arith.constant 0 : i32
        %dma_start3A_66 = arith.constant 0 : i32
        %dma_start3A_67 = tpu.memref_slice %arg6[%dma_start3A_65, %dma_start3A_66] : memref<10240x128xf32, #tpu.memory_space<vmem_shared>> -> memref<10240x128xf32, #tpu.memory_space<vmem_shared>>
        tpu.enqueue_indirect_dma source(%arg10 : memref<128x128xf32, #tpu.memory_space<vmem>>) target(%dma_start3A_67 : memref<10240x128xf32, #tpu.memory_space<vmem_shared>>) offsets(%dma_start3A_64 : memref<128xi32, #tpu.memory_space<vmem>>) semaphore(%run_scoped3A_61 : memref<!tpu.dma_semaphore, #tpu.memory_space<semaphore_mem>>) {add = true}
        %dma_wait3A_68 = arith.constant 0 : i32
        %dma_wait3A_69 = tpu.memref_slice %arg8[%run_scoped3A_60, %dma_wait3A_68] : memref<2x128xi32, #tpu.memory_space<vmem>> -> memref<1x128xi32, #tpu.memory_space<vmem>>
        %dma_wait3A_70 = tpu.memref_squeeze %dma_wait3A_69 : memref<1x128xi32, #tpu.memory_space<vmem>> -> memref<128xi32, #tpu.memory_space<vmem>>
        %dma_wait3A_71 = arith.constant 0 : i32
        %dma_wait3A_72 = arith.constant 0 : i32
        %dma_wait3A_73 = tpu.memref_slice %arg6[%dma_wait3A_71, %dma_wait3A_72] : memref<10240x128xf32, #tpu.memory_space<vmem_shared>> -> memref<10240x128xf32, #tpu.memory_space<vmem_shared>>
        tpu.wait_indirect_dma semaphore(%run_scoped3A_61 : memref<!tpu.dma_semaphore, #tpu.memory_space<semaphore_mem>>) src(%arg10 : memref<128x128xf32, #tpu.memory_space<vmem>>) dst(%dma_wait3A_73 : memref<10240x128xf32, #tpu.memory_space<vmem_shared>>)
        tpu.yield
      }) : () -> ()
    }
    %scan3A_19 = arith.constant 20 : i32
    %barrier3A_20 = arith.constant 0 : index
    tpu.barrier barrier_id(%barrier3A_20)
    %mul3A_21 = arith.constant 640 : i32
    %mul3A_22 = arith.muli %arg1, %mul3A_21 : i32
    %mul3A_23 = arith.constant 10240 : i32
    %mul3A_24 = arith.muli %arg0, %mul3A_23 : i32
    %mul3A_25 = arith.constant 640 : i32
    %mul3A_26 = arith.muli %arg1, %mul3A_25 : i32
    %add3A_27 = arith.addi %mul3A_24, %mul3A_26 : i32
    "tpu.region"() ({
      %run_scoped3A = tpu.sem_alloc : memref<!tpu.dma_semaphore, #tpu.memory_space<semaphore_mem>>
      %dma_start3A_28 = arith.constant 0 : i32
      %dma_start3A_29 = tpu.memref_slice %arg5[%add3A_27, %dma_start3A_28] : memref<20480x128xf32, #tpu.memory_space<hbm>> -> memref<640x128xf32, #tpu.memory_space<hbm>>
      %dma_start3A_30 = arith.constant 0 : i32
      %dma_start3A_31 = tpu.memref_slice %arg6[%mul3A_22, %dma_start3A_30] : memref<10240x128xf32, #tpu.memory_space<vmem_shared>> -> memref<640x128xf32, #tpu.memory_space<vmem_shared>>
      tpu.enqueue_dma source(%dma_start3A_31 : memref<640x128xf32, #tpu.memory_space<vmem_shared>>) target(%dma_start3A_29 : memref<640x128xf32, #tpu.memory_space<hbm>>) target_semaphore(%run_scoped3A : memref<!tpu.dma_semaphore, #tpu.memory_space<semaphore_mem>>)
      %dma_wait3A = arith.constant 0 : i32
      %dma_wait3A_32 = tpu.memref_slice %arg5[%add3A_27, %dma_wait3A] : memref<20480x128xf32, #tpu.memory_space<hbm>> -> memref<640x128xf32, #tpu.memory_space<hbm>>
      %dma_wait3A_33 = arith.constant 0 : i32
      %dma_wait3A_34 = tpu.memref_slice %arg6[%mul3A_22, %dma_wait3A_33] : memref<10240x128xf32, #tpu.memory_space<vmem_shared>> -> memref<640x128xf32, #tpu.memory_space<vmem_shared>>
      tpu.wait_dma2 semaphore(%run_scoped3A : memref<!tpu.dma_semaphore, #tpu.memory_space<semaphore_mem>>) src(%dma_wait3A_34 : memref<640x128xf32, #tpu.memory_space<vmem_shared>>) dst(%dma_wait3A_32 : memref<640x128xf32, #tpu.memory_space<hbm>>)
      tpu.yield
    }) : () -> ()
    return
  }
}

#map = affine_map<(d0, d1) -> (0, 0)>
module attributes {stable_mosaic.version = 14 : i64} {
  func.func @_sc_gsa_body(%arg0: i32, %arg1: i32, %arg2: memref<10240x128xf32, #tpu.memory_space<hbm>>, %arg3: memref<2560x128xi32, #tpu.memory_space<hbm>>, %arg4: memref<640x128xf32, #tpu.memory_space<hbm>>, %arg5: memref<20480x128xf32, #tpu.memory_space<hbm>>, %arg6: memref<10240x128xf32, #tpu.memory_space<vmem_shared>>, %arg7: memref<2x128xi32, #tpu.memory_space<vmem>>, %arg8: memref<2x128xi32, #tpu.memory_space<vmem>>, %arg9: memref<128x128xf32, #tpu.memory_space<vmem>>, %arg10: memref<128x128xf32, #tpu.memory_space<vmem>>, %arg11: memref<!tpu.dma_semaphore, #tpu.memory_space<semaphore_mem>>, %arg12: memref<!tpu.dma_semaphore, #tpu.memory_space<semaphore_mem>>) attributes {dimension_semantics = [#tpu.dimension_semantics<core_parallel>, #tpu.dimension_semantics<subcore_parallel>], iteration_bounds = array<i64: 2, 16>, scalar_prefetch = 0 : i64, scratch_operands = 7 : i64, tpu.core_type = #tpu.core_type<sc_vector_subcore>, window_params = [{transform_indices = #map}, {transform_indices = #map}, {transform_indices = #map}, {transform_indices = #map}]} {
    %mul3A = arith.constant 2 : i32
    %mul3A_0 = arith.muli %arg1, %mul3A : i32
    %add3A = arith.addi %mul3A_0, %arg0 : i32
    %mul3A_1 = arith.constant 640 : i32
    %mul3A_2 = arith.muli %arg1, %mul3A_1 : i32
    "tpu.region"() ({
      %run_scoped3A = tpu.sem_alloc : memref<!tpu.dma_semaphore, #tpu.memory_space<semaphore_mem>>
      %dma_start3A_28 = arith.constant 0 : i32
      %dma_start3A_29 = tpu.memref_slice %arg6[%mul3A_2, %dma_start3A_28] : memref<10240x128xf32, #tpu.memory_space<vmem_shared>> -> memref<640x128xf32, #tpu.memory_space<vmem_shared>>
      tpu.enqueue_dma source(%arg4 : memref<640x128xf32, #tpu.memory_space<hbm>>) target(%dma_start3A_29 : memref<640x128xf32, #tpu.memory_space<vmem_shared>>) target_semaphore(%run_scoped3A : memref<!tpu.dma_semaphore, #tpu.memory_space<semaphore_mem>>)
      %dma_wait3A = arith.constant 0 : i32
      %dma_wait3A_30 = tpu.memref_slice %arg6[%mul3A_2, %dma_wait3A] : memref<10240x128xf32, #tpu.memory_space<vmem_shared>> -> memref<640x128xf32, #tpu.memory_space<vmem_shared>>
      tpu.wait_dma2 semaphore(%run_scoped3A : memref<!tpu.dma_semaphore, #tpu.memory_space<semaphore_mem>>) src(%arg4 : memref<640x128xf32, #tpu.memory_space<hbm>>) dst(%dma_wait3A_30 : memref<640x128xf32, #tpu.memory_space<vmem_shared>>)
      tpu.yield
    }) : () -> ()
    %barrier3A = arith.constant 0 : index
    tpu.barrier barrier_id(%barrier3A)
    %mul3A_3 = arith.constant 40 : i32
    %mul3A_4 = arith.muli %add3A, %mul3A_3 : i32
    %mul3A_5 = arith.constant 2 : i32
    %mul3A_6 = arith.muli %mul3A_4, %mul3A_5 : i32
    %add3A_7 = arith.constant 0 : i32
    %add3A_8 = arith.addi %mul3A_6, %add3A_7 : i32
    "tpu.region"() ({
      %run_scoped3A = tpu.sem_alloc : memref<!tpu.dma_semaphore, #tpu.memory_space<semaphore_mem>>
      %dma_start3A_28 = arith.constant 0 : i32
      %dma_start3A_29 = tpu.memref_slice %arg3[%add3A_8, %dma_start3A_28] : memref<2560x128xi32, #tpu.memory_space<hbm>> -> memref<2x128xi32, #tpu.memory_space<hbm>>
      %dma_start3A_30 = arith.constant 0 : i32
      %dma_start3A_31 = tpu.memref_slice %arg3[%add3A_8, %dma_start3A_30] : memref<2560x128xi32, #tpu.memory_space<hbm>> -> memref<2x128xi32, #tpu.memory_space<hbm>>
      tpu.enqueue_dma source(%dma_start3A_31 : memref<2x128xi32, #tpu.memory_space<hbm>>) target(%arg7 : memref<2x128xi32, #tpu.memory_space<vmem>>) target_semaphore(%run_scoped3A : memref<!tpu.dma_semaphore, #tpu.memory_space<semaphore_mem>>)
      %dma_wait3A = arith.constant 0 : i32
      %dma_wait3A_32 = tpu.memref_slice %arg3[%add3A_8, %dma_wait3A] : memref<2560x128xi32, #tpu.memory_space<hbm>> -> memref<2x128xi32, #tpu.memory_space<hbm>>
      %dma_wait3A_33 = arith.constant 0 : i32
      %dma_wait3A_34 = tpu.memref_slice %arg3[%add3A_8, %dma_wait3A_33] : memref<2560x128xi32, #tpu.memory_space<hbm>> -> memref<2x128xi32, #tpu.memory_space<hbm>>
      tpu.wait_dma2 semaphore(%run_scoped3A : memref<!tpu.dma_semaphore, #tpu.memory_space<semaphore_mem>>) src(%dma_wait3A_34 : memref<2x128xi32, #tpu.memory_space<hbm>>) dst(%arg7 : memref<2x128xi32, #tpu.memory_space<vmem>>)
      tpu.yield
    }) : () -> ()
    %dma_start3A = arith.constant 0 : i32
    %dma_start3A_9 = arith.constant 0 : i32
    %dma_start3A_10 = tpu.memref_slice %arg7[%dma_start3A, %dma_start3A_9] : memref<2x128xi32, #tpu.memory_space<vmem>> -> memref<1x128xi32, #tpu.memory_space<vmem>>
    %dma_start3A_11 = tpu.memref_squeeze %dma_start3A_10 : memref<1x128xi32, #tpu.memory_space<vmem>> -> memref<128xi32, #tpu.memory_space<vmem>>
    %dma_start3A_12 = arith.constant 0 : i32
    %dma_start3A_13 = arith.constant 0 : i32
    %dma_start3A_14 = tpu.memref_slice %arg2[%dma_start3A_12, %dma_start3A_13] : memref<10240x128xf32, #tpu.memory_space<hbm>> -> memref<10240x128xf32, #tpu.memory_space<hbm>>
    tpu.enqueue_indirect_dma source(%dma_start3A_14 : memref<10240x128xf32, #tpu.memory_space<hbm>>) target(%arg9 : memref<128x128xf32, #tpu.memory_space<vmem>>) offsets(%dma_start3A_11 : memref<128xi32, #tpu.memory_space<vmem>>) semaphore(%arg11 : memref<!tpu.dma_semaphore, #tpu.memory_space<semaphore_mem>>)
    %scan3A = arith.constant 0 : i32
    %scan3A_15 = arith.constant 0 : i32
    %scan3A_16 = arith.constant 20 : i32
    %scan3A_17 = arith.addi %scan3A_15, %scan3A_16 : i32
    %scan3A_18 = arith.constant 1 : i32
    scf.for %scan3A_28 = %scan3A_15 to %scan3A_17 step %scan3A_18  : i32 {
      %mul3A_29 = arith.constant 2 : i32
      %mul3A_30 = arith.muli %mul3A_29, %scan3A_28 : i32
      %add3A_31 = arith.constant 1 : i32
      %add3A_32 = arith.addi %mul3A_30, %add3A_31 : i32
      %mul3A_33 = arith.constant 2 : i32
      %mul3A_34 = arith.muli %add3A_32, %mul3A_33 : i32
      %add3A_35 = arith.addi %mul3A_6, %mul3A_34 : i32
      "tpu.region"() ({
        %run_scoped3A_61 = tpu.sem_alloc : memref<!tpu.dma_semaphore, #tpu.memory_space<semaphore_mem>>
        %dma_start3A_62 = arith.constant 0 : i32
        %dma_start3A_63 = tpu.memref_slice %arg3[%add3A_35, %dma_start3A_62] : memref<2560x128xi32, #tpu.memory_space<hbm>> -> memref<2x128xi32, #tpu.memory_space<hbm>>
        %dma_start3A_64 = arith.constant 0 : i32
        %dma_start3A_65 = tpu.memref_slice %arg3[%add3A_35, %dma_start3A_64] : memref<2560x128xi32, #tpu.memory_space<hbm>> -> memref<2x128xi32, #tpu.memory_space<hbm>>
        tpu.enqueue_dma source(%dma_start3A_65 : memref<2x128xi32, #tpu.memory_space<hbm>>) target(%arg8 : memref<2x128xi32, #tpu.memory_space<vmem>>) target_semaphore(%run_scoped3A_61 : memref<!tpu.dma_semaphore, #tpu.memory_space<semaphore_mem>>)
        %dma_wait3A_66 = arith.constant 0 : i32
        %dma_wait3A_67 = tpu.memref_slice %arg3[%add3A_35, %dma_wait3A_66] : memref<2560x128xi32, #tpu.memory_space<hbm>> -> memref<2x128xi32, #tpu.memory_space<hbm>>
        %dma_wait3A_68 = arith.constant 0 : i32
        %dma_wait3A_69 = tpu.memref_slice %arg3[%add3A_35, %dma_wait3A_68] : memref<2560x128xi32, #tpu.memory_space<hbm>> -> memref<2x128xi32, #tpu.memory_space<hbm>>
        tpu.wait_dma2 semaphore(%run_scoped3A_61 : memref<!tpu.dma_semaphore, #tpu.memory_space<semaphore_mem>>) src(%dma_wait3A_69 : memref<2x128xi32, #tpu.memory_space<hbm>>) dst(%arg8 : memref<2x128xi32, #tpu.memory_space<vmem>>)
        tpu.yield
      }) : () -> ()
      %dma_start3A_36 = arith.constant 0 : i32
      %dma_start3A_37 = arith.constant 0 : i32
      %dma_start3A_38 = tpu.memref_slice %arg8[%dma_start3A_36, %dma_start3A_37] : memref<2x128xi32, #tpu.memory_space<vmem>> -> memref<1x128xi32, #tpu.memory_space<vmem>>
      %dma_start3A_39 = tpu.memref_squeeze %dma_start3A_38 : memref<1x128xi32, #tpu.memory_space<vmem>> -> memref<128xi32, #tpu.memory_space<vmem>>
      %dma_start3A_40 = arith.constant 0 : i32
      %dma_start3A_41 = arith.constant 0 : i32
      %dma_start3A_42 = tpu.memref_slice %arg2[%dma_start3A_40, %dma_start3A_41] : memref<10240x128xf32, #tpu.memory_space<hbm>> -> memref<10240x128xf32, #tpu.memory_space<hbm>>
      tpu.enqueue_indirect_dma source(%dma_start3A_42 : memref<10240x128xf32, #tpu.memory_space<hbm>>) target(%arg10 : memref<128x128xf32, #tpu.memory_space<vmem>>) offsets(%dma_start3A_39 : memref<128xi32, #tpu.memory_space<vmem>>) semaphore(%arg12 : memref<!tpu.dma_semaphore, #tpu.memory_space<semaphore_mem>>)
      %dma_wait3A = arith.constant 0 : i32
      %dma_wait3A_43 = arith.constant 0 : i32
      %dma_wait3A_44 = tpu.memref_slice %arg7[%dma_wait3A, %dma_wait3A_43] : memref<2x128xi32, #tpu.memory_space<vmem>> -> memref<1x128xi32, #tpu.memory_space<vmem>>
      %dma_wait3A_45 = tpu.memref_squeeze %dma_wait3A_44 : memref<1x128xi32, #tpu.memory_space<vmem>> -> memref<128xi32, #tpu.memory_space<vmem>>
      %dma_wait3A_46 = arith.constant 0 : i32
      %dma_wait3A_47 = arith.constant 0 : i32
      %dma_wait3A_48 = tpu.memref_slice %arg2[%dma_wait3A_46, %dma_wait3A_47] : memref<10240x128xf32, #tpu.memory_space<hbm>> -> memref<10240x128xf32, #tpu.memory_space<hbm>>
      tpu.wait_indirect_dma semaphore(%arg11 : memref<!tpu.dma_semaphore, #tpu.memory_space<semaphore_mem>>) src(%dma_wait3A_48 : memref<10240x128xf32, #tpu.memory_space<hbm>>) dst(%arg9 : memref<128x128xf32, #tpu.memory_space<vmem>>)
      %run_scoped3A = arith.constant 1 : i32
      "tpu.region"() ({
        %run_scoped3A_61 = tpu.sem_alloc : memref<!tpu.dma_semaphore, #tpu.memory_space<semaphore_mem>>
        %dma_start3A_62 = arith.constant 0 : i32
        %dma_start3A_63 = tpu.memref_slice %arg7[%run_scoped3A, %dma_start3A_62] : memref<2x128xi32, #tpu.memory_space<vmem>> -> memref<1x128xi32, #tpu.memory_space<vmem>>
        %dma_start3A_64 = tpu.memref_squeeze %dma_start3A_63 : memref<1x128xi32, #tpu.memory_space<vmem>> -> memref<128xi32, #tpu.memory_space<vmem>>
        %dma_start3A_65 = arith.constant 0 : i32
        %dma_start3A_66 = arith.constant 0 : i32
        %dma_start3A_67 = tpu.memref_slice %arg6[%dma_start3A_65, %dma_start3A_66] : memref<10240x128xf32, #tpu.memory_space<vmem_shared>> -> memref<10240x128xf32, #tpu.memory_space<vmem_shared>>
        tpu.enqueue_indirect_dma source(%arg9 : memref<128x128xf32, #tpu.memory_space<vmem>>) target(%dma_start3A_67 : memref<10240x128xf32, #tpu.memory_space<vmem_shared>>) offsets(%dma_start3A_64 : memref<128xi32, #tpu.memory_space<vmem>>) semaphore(%run_scoped3A_61 : memref<!tpu.dma_semaphore, #tpu.memory_space<semaphore_mem>>) {add = true}
        %dma_wait3A_68 = arith.constant 0 : i32
        %dma_wait3A_69 = tpu.memref_slice %arg7[%run_scoped3A, %dma_wait3A_68] : memref<2x128xi32, #tpu.memory_space<vmem>> -> memref<1x128xi32, #tpu.memory_space<vmem>>
        %dma_wait3A_70 = tpu.memref_squeeze %dma_wait3A_69 : memref<1x128xi32, #tpu.memory_space<vmem>> -> memref<128xi32, #tpu.memory_space<vmem>>
        %dma_wait3A_71 = arith.constant 0 : i32
        %dma_wait3A_72 = arith.constant 0 : i32
        %dma_wait3A_73 = tpu.memref_slice %arg6[%dma_wait3A_71, %dma_wait3A_72] : memref<10240x128xf32, #tpu.memory_space<vmem_shared>> -> memref<10240x128xf32, #tpu.memory_space<vmem_shared>>
        tpu.wait_indirect_dma semaphore(%run_scoped3A_61 : memref<!tpu.dma_semaphore, #tpu.memory_space<semaphore_mem>>) src(%arg9 : memref<128x128xf32, #tpu.memory_space<vmem>>) dst(%dma_wait3A_73 : memref<10240x128xf32, #tpu.memory_space<vmem_shared>>)
        tpu.yield
      }) : () -> ()
      %add3A_49 = arith.constant 2 : i32
      %add3A_50 = arith.addi %mul3A_30, %add3A_49 : i32
      %lt3A = arith.constant 40 : i32
      %lt3A_51 = arith.cmpi slt, %add3A_50, %lt3A : i32
      %convert_element_type3A = arith.extui %lt3A_51 : i1 to i32
      %cond3A = arith.constant 0 : i32
      %cond3A_52 = arith.cmpi ne, %convert_element_type3A, %cond3A : i32
      scf.if %cond3A_52 {
        %add3A_61 = arith.constant 2 : i32
        %add3A_62 = arith.addi %mul3A_30, %add3A_61 : i32
        %mul3A_63 = arith.constant 2 : i32
        %mul3A_64 = arith.muli %add3A_62, %mul3A_63 : i32
        %add3A_65 = arith.addi %mul3A_6, %mul3A_64 : i32
        "tpu.region"() ({
          %run_scoped3A_73 = tpu.sem_alloc : memref<!tpu.dma_semaphore, #tpu.memory_space<semaphore_mem>>
          %dma_start3A_74 = arith.constant 0 : i32
          %dma_start3A_75 = tpu.memref_slice %arg3[%add3A_65, %dma_start3A_74] : memref<2560x128xi32, #tpu.memory_space<hbm>> -> memref<2x128xi32, #tpu.memory_space<hbm>>
          %dma_start3A_76 = arith.constant 0 : i32
          %dma_start3A_77 = tpu.memref_slice %arg3[%add3A_65, %dma_start3A_76] : memref<2560x128xi32, #tpu.memory_space<hbm>> -> memref<2x128xi32, #tpu.memory_space<hbm>>
          tpu.enqueue_dma source(%dma_start3A_77 : memref<2x128xi32, #tpu.memory_space<hbm>>) target(%arg7 : memref<2x128xi32, #tpu.memory_space<vmem>>) target_semaphore(%run_scoped3A_73 : memref<!tpu.dma_semaphore, #tpu.memory_space<semaphore_mem>>)
          %dma_wait3A_78 = arith.constant 0 : i32
          %dma_wait3A_79 = tpu.memref_slice %arg3[%add3A_65, %dma_wait3A_78] : memref<2560x128xi32, #tpu.memory_space<hbm>> -> memref<2x128xi32, #tpu.memory_space<hbm>>
          %dma_wait3A_80 = arith.constant 0 : i32
          %dma_wait3A_81 = tpu.memref_slice %arg3[%add3A_65, %dma_wait3A_80] : memref<2560x128xi32, #tpu.memory_space<hbm>> -> memref<2x128xi32, #tpu.memory_space<hbm>>
          tpu.wait_dma2 semaphore(%run_scoped3A_73 : memref<!tpu.dma_semaphore, #tpu.memory_space<semaphore_mem>>) src(%dma_wait3A_81 : memref<2x128xi32, #tpu.memory_space<hbm>>) dst(%arg7 : memref<2x128xi32, #tpu.memory_space<vmem>>)
          tpu.yield
        }) : () -> ()
        %dma_start3A_66 = arith.constant 0 : i32
        %dma_start3A_67 = arith.constant 0 : i32
        %dma_start3A_68 = tpu.memref_slice %arg7[%dma_start3A_66, %dma_start3A_67] : memref<2x128xi32, #tpu.memory_space<vmem>> -> memref<1x128xi32, #tpu.memory_space<vmem>>
        %dma_start3A_69 = tpu.memref_squeeze %dma_start3A_68 : memref<1x128xi32, #tpu.memory_space<vmem>> -> memref<128xi32, #tpu.memory_space<vmem>>
        %dma_start3A_70 = arith.constant 0 : i32
        %dma_start3A_71 = arith.constant 0 : i32
        %dma_start3A_72 = tpu.memref_slice %arg2[%dma_start3A_70, %dma_start3A_71] : memref<10240x128xf32, #tpu.memory_space<hbm>> -> memref<10240x128xf32, #tpu.memory_space<hbm>>
        tpu.enqueue_indirect_dma source(%dma_start3A_72 : memref<10240x128xf32, #tpu.memory_space<hbm>>) target(%arg9 : memref<128x128xf32, #tpu.memory_space<vmem>>) offsets(%dma_start3A_69 : memref<128xi32, #tpu.memory_space<vmem>>) semaphore(%arg11 : memref<!tpu.dma_semaphore, #tpu.memory_space<semaphore_mem>>)
      } else {
      }
      %dma_wait3A_53 = arith.constant 0 : i32
      %dma_wait3A_54 = arith.constant 0 : i32
      %dma_wait3A_55 = tpu.memref_slice %arg8[%dma_wait3A_53, %dma_wait3A_54] : memref<2x128xi32, #tpu.memory_space<vmem>> -> memref<1x128xi32, #tpu.memory_space<vmem>>
      %dma_wait3A_56 = tpu.memref_squeeze %dma_wait3A_55 : memref<1x128xi32, #tpu.memory_space<vmem>> -> memref<128xi32, #tpu.memory_space<vmem>>
      %dma_wait3A_57 = arith.constant 0 : i32
      %dma_wait3A_58 = arith.constant 0 : i32
      %dma_wait3A_59 = tpu.memref_slice %arg2[%dma_wait3A_57, %dma_wait3A_58] : memref<10240x128xf32, #tpu.memory_space<hbm>> -> memref<10240x128xf32, #tpu.memory_space<hbm>>
      tpu.wait_indirect_dma semaphore(%arg12 : memref<!tpu.dma_semaphore, #tpu.memory_space<semaphore_mem>>) src(%dma_wait3A_59 : memref<10240x128xf32, #tpu.memory_space<hbm>>) dst(%arg10 : memref<128x128xf32, #tpu.memory_space<vmem>>)
      %run_scoped3A_60 = arith.constant 1 : i32
      "tpu.region"() ({
        %run_scoped3A_61 = tpu.sem_alloc : memref<!tpu.dma_semaphore, #tpu.memory_space<semaphore_mem>>
        %dma_start3A_62 = arith.constant 0 : i32
        %dma_start3A_63 = tpu.memref_slice %arg8[%run_scoped3A_60, %dma_start3A_62] : memref<2x128xi32, #tpu.memory_space<vmem>> -> memref<1x128xi32, #tpu.memory_space<vmem>>
        %dma_start3A_64 = tpu.memref_squeeze %dma_start3A_63 : memref<1x128xi32, #tpu.memory_space<vmem>> -> memref<128xi32, #tpu.memory_space<vmem>>
        %dma_start3A_65 = arith.constant 0 : i32
        %dma_start3A_66 = arith.constant 0 : i32
        %dma_start3A_67 = tpu.memref_slice %arg6[%dma_start3A_65, %dma_start3A_66] : memref<10240x128xf32, #tpu.memory_space<vmem_shared>> -> memref<10240x128xf32, #tpu.memory_space<vmem_shared>>
        tpu.enqueue_indirect_dma source(%arg10 : memref<128x128xf32, #tpu.memory_space<vmem>>) target(%dma_start3A_67 : memref<10240x128xf32, #tpu.memory_space<vmem_shared>>) offsets(%dma_start3A_64 : memref<128xi32, #tpu.memory_space<vmem>>) semaphore(%run_scoped3A_61 : memref<!tpu.dma_semaphore, #tpu.memory_space<semaphore_mem>>) {add = true}
        %dma_wait3A_68 = arith.constant 0 : i32
        %dma_wait3A_69 = tpu.memref_slice %arg8[%run_scoped3A_60, %dma_wait3A_68] : memref<2x128xi32, #tpu.memory_space<vmem>> -> memref<1x128xi32, #tpu.memory_space<vmem>>
        %dma_wait3A_70 = tpu.memref_squeeze %dma_wait3A_69 : memref<1x128xi32, #tpu.memory_space<vmem>> -> memref<128xi32, #tpu.memory_space<vmem>>
        %dma_wait3A_71 = arith.constant 0 : i32
        %dma_wait3A_72 = arith.constant 0 : i32
        %dma_wait3A_73 = tpu.memref_slice %arg6[%dma_wait3A_71, %dma_wait3A_72] : memref<10240x128xf32, #tpu.memory_space<vmem_shared>> -> memref<10240x128xf32, #tpu.memory_space<vmem_shared>>
        tpu.wait_indirect_dma semaphore(%run_scoped3A_61 : memref<!tpu.dma_semaphore, #tpu.memory_space<semaphore_mem>>) src(%arg10 : memref<128x128xf32, #tpu.memory_space<vmem>>) dst(%dma_wait3A_73 : memref<10240x128xf32, #tpu.memory_space<vmem_shared>>)
        tpu.yield
      }) : () -> ()
    }
    %scan3A_19 = arith.constant 20 : i32
    %barrier3A_20 = arith.constant 0 : index
    tpu.barrier barrier_id(%barrier3A_20)
    %mul3A_21 = arith.constant 640 : i32
    %mul3A_22 = arith.muli %arg1, %mul3A_21 : i32
    %mul3A_23 = arith.constant 10240 : i32
    %mul3A_24 = arith.muli %arg0, %mul3A_23 : i32
    %mul3A_25 = arith.constant 640 : i32
    %mul3A_26 = arith.muli %arg1, %mul3A_25 : i32
    %add3A_27 = arith.addi %mul3A_24, %mul3A_26 : i32
    "tpu.region"() ({
      %run_scoped3A = tpu.sem_alloc : memref<!tpu.dma_semaphore, #tpu.memory_space<semaphore_mem>>
      %dma_start3A_28 = arith.constant 0 : i32
      %dma_start3A_29 = tpu.memref_slice %arg5[%add3A_27, %dma_start3A_28] : memref<20480x128xf32, #tpu.memory_space<hbm>> -> memref<640x128xf32, #tpu.memory_space<hbm>>
      %dma_start3A_30 = arith.constant 0 : i32
      %dma_start3A_31 = tpu.memref_slice %arg6[%mul3A_22, %dma_start3A_30] : memref<10240x128xf32, #tpu.memory_space<vmem_shared>> -> memref<640x128xf32, #tpu.memory_space<vmem_shared>>
      tpu.enqueue_dma source(%dma_start3A_31 : memref<640x128xf32, #tpu.memory_space<vmem_shared>>) target(%dma_start3A_29 : memref<640x128xf32, #tpu.memory_space<hbm>>) target_semaphore(%run_scoped3A : memref<!tpu.dma_semaphore, #tpu.memory_space<semaphore_mem>>)
      %dma_wait3A = arith.constant 0 : i32
      %dma_wait3A_32 = tpu.memref_slice %arg5[%add3A_27, %dma_wait3A] : memref<20480x128xf32, #tpu.memory_space<hbm>> -> memref<640x128xf32, #tpu.memory_space<hbm>>
      %dma_wait3A_33 = arith.constant 0 : i32
      %dma_wait3A_34 = tpu.memref_slice %arg6[%mul3A_22, %dma_wait3A_33] : memref<10240x128xf32, #tpu.memory_space<vmem_shared>> -> memref<640x128xf32, #tpu.memory_space<vmem_shared>>
      tpu.wait_dma2 semaphore(%run_scoped3A : memref<!tpu.dma_semaphore, #tpu.memory_space<semaphore_mem>>) src(%dma_wait3A_34 : memref<640x128xf32, #tpu.memory_space<vmem_shared>>) dst(%dma_wait3A_32 : memref<640x128xf32, #tpu.memory_space<hbm>>)
      tpu.yield
    }) : () -> ()
    return
  }
}

module attributes {stable_mosaic.version = 14 : i64} {
  func.func @_tc1_body(%arg0: i32, %arg1: memref<2048x128xf32, #tpu.memory_space<vmem>>, %arg2: memref<128x128xf32, #tpu.memory_space<vmem>>, %arg3: memref<2048x128xf32, #tpu.memory_space<vmem>>, %arg4: memref<2048x128xf32, #tpu.memory_space<vmem>>, %arg5: memref<2048x128xf32, #tpu.memory_space<vmem>>) attributes {dimension_semantics = [#tpu.dimension_semantics<arbitrary>], iteration_bounds = array<i64: 5>, scalar_prefetch = 0 : i64, scratch_operands = 0 : i64, tpu.core_type = #tpu.core_type<tc>, window_params = [{transform_indices = @transform_0, window_bounds = array<i64: 2048, 128>}, {pipeline_mode = #tpu.pipeline_mode<synchronous>, transform_indices = @transform_1, window_bounds = array<i64: 128, 128>}, {transform_indices = @transform_2, window_bounds = array<i64: 2048, 128>}, {transform_indices = @transform_3, window_bounds = array<i64: 2048, 128>}, {transform_indices = @transform_4, window_bounds = array<i64: 2048, 128>}]} {
    %get3A = arith.constant 0 : index
    %get3A_0 = arith.constant 0 : index
    %get3A_1 = vector.load %arg1[%get3A, %get3A_0] : memref<2048x128xf32, #tpu.memory_space<vmem>>, vector<2048x128xf32>
    %get3A_2 = arith.constant 0 : index
    %get3A_3 = arith.constant 0 : index
    %get3A_4 = vector.load %arg2[%get3A_2, %get3A_3] : memref<128x128xf32, #tpu.memory_space<vmem>>, vector<128x128xf32>
    %dot_general3A = arith.constant dense<0.000000e+00> : vector<2048x128xf32>
    %dot_general3A_5 = tpu.matmul %get3A_1, %get3A_4, %dot_general3A {dimension_numbers = #tpu.dot_dimension_numbers<[1], [0], [0], [1], [0, 0, 1, 1], [], []>, transpose_lhs_hint = false} : vector<2048x128xf32>, vector<128x128xf32>, vector<2048x128xf32> -> vector<2048x128xf32>
    %get3A_6 = arith.constant 0 : index
    %get3A_7 = arith.constant 0 : index
    %get3A_8 = vector.load %arg3[%get3A_6, %get3A_7] : memref<2048x128xf32, #tpu.memory_space<vmem>>, vector<2048x1xf32>
    %get3A_9 = arith.constant 0 : index
    %get3A_10 = arith.constant 0 : index
    %get3A_11 = vector.load %arg4[%get3A_9, %get3A_10] : memref<2048x128xf32, #tpu.memory_space<vmem>>, vector<2048x1xf32>
    %add3A = arith.addf %get3A_8, %get3A_11 : vector<2048x1xf32>
    %add3A_12 = arith.constant 1.000000e+00 : f32
    %add3A_13 = vector.broadcast %add3A_12 : f32 to vector<2048x1xf32>
    %add3A_14 = arith.addf %add3A, %add3A_13 : vector<2048x1xf32>
    %rsqrt3A = math.rsqrt %add3A_14 : vector<2048x1xf32>
    %mul3A = vector.broadcast %rsqrt3A : vector<2048x1xf32> to vector<2048x128xf32>
    %mul3A_15 = arith.mulf %mul3A, %dot_general3A_5 : vector<2048x128xf32>
    %swap3A = arith.constant 0 : index
    %swap3A_16 = arith.constant 0 : index
    %swap3A_17 = vector.load %arg5[%swap3A, %swap3A_16] : memref<2048x128xf32, #tpu.memory_space<vmem>>, vector<2048x128xf32>
    tpu.vector_store %arg5[%swap3A, %swap3A_16], %mul3A_15 {strides = array<i32>} : memref<2048x128xf32, #tpu.memory_space<vmem>>, vector<2048x128xf32>,
    return
  }
  func.func @transform_0(%arg0: i32) -> (i32, i32) {
    %c0_i32 = arith.constant 0 : i32
    %c0_i32_0 = arith.constant 0 : i32
    return %arg0, %c0_i32 : i32, i32
  }
  func.func @transform_1(%arg0: i32) -> (i32, i32) {
    %c0_i32 = arith.constant 0 : i32
    %c0_i32_0 = arith.constant 0 : i32
    %c0_i32_1 = arith.constant 0 : i32
    return %c0_i32, %c0_i32_0 : i32, i32
  }
  func.func @transform_2(%arg0: i32) -> (i32, i32) {
    %add3A = arith.constant 0 : i32
    %add3A_0 = arith.addi %add3A, %arg0 : i32
    %c0_i32 = arith.constant 0 : i32
    %c0_i32_1 = arith.constant 0 : i32
    return %add3A_0, %c0_i32 : i32, i32
  }
  func.func @transform_3(%arg0: i32) -> (i32, i32) {
    %add3A = arith.constant 5 : i32
    %add3A_0 = arith.addi %add3A, %arg0 : i32
    %c0_i32 = arith.constant 0 : i32
    %c0_i32_1 = arith.constant 0 : i32
    return %add3A_0, %c0_i32 : i32, i32
  }
  func.func @transform_4(%arg0: i32) -> (i32, i32) {
    %c0_i32 = arith.constant 0 : i32
    %c0_i32_0 = arith.constant 0 : i32
    return %arg0, %c0_i32 : i32, i32
  }
}

module attributes {stable_mosaic.version = 14 : i64} {
  func.func @_tc2_body(%arg0: i32, %arg1: memref<2048x128xf32, #tpu.memory_space<vmem>>, %arg2: memref<2048x128xf32, #tpu.memory_space<vmem>>, %arg3: memref<2048x128xf32, #tpu.memory_space<vmem>>, %arg4: memref<2048x128xf32, #tpu.memory_space<vmem>>, %arg5: memref<2048x128xf32, #tpu.memory_space<vmem>>, %arg6: memref<1x128xf32, #tpu.memory_space<vmem>>, %arg7: memref<128x128xf32, #tpu.memory_space<vmem>>, %arg8: memref<2048x128xf32, #tpu.memory_space<vmem>>) attributes {dimension_semantics = [#tpu.dimension_semantics<arbitrary>], iteration_bounds = array<i64: 5>, scalar_prefetch = 0 : i64, scratch_operands = 0 : i64, tpu.core_type = #tpu.core_type<tc>, window_params = [{transform_indices = @transform_0, window_bounds = array<i64: 2048, 128>}, {transform_indices = @transform_1, window_bounds = array<i64: 2048, 128>}, {transform_indices = @transform_2, window_bounds = array<i64: 2048, 128>}, {transform_indices = @transform_3, window_bounds = array<i64: 2048, 128>}, {transform_indices = @transform_4, window_bounds = array<i64: 2048, 128>}, {pipeline_mode = #tpu.pipeline_mode<synchronous>, transform_indices = @transform_5, window_bounds = array<i64: 1, 128>}, {pipeline_mode = #tpu.pipeline_mode<synchronous>, transform_indices = @transform_6, window_bounds = array<i64: 128, 128>}, {transform_indices = @transform_7, window_bounds = array<i64: 2048, 128>}]} {
    %get3A = arith.constant 0 : index
    %get3A_0 = arith.constant 0 : index
    %get3A_1 = vector.load %arg4[%get3A, %get3A_0] : memref<2048x128xf32, #tpu.memory_space<vmem>>, vector<2048x1xf32>
    %get3A_2 = arith.constant 0 : index
    %get3A_3 = arith.constant 0 : index
    %get3A_4 = vector.load %arg5[%get3A_2, %get3A_3] : memref<2048x128xf32, #tpu.memory_space<vmem>>, vector<2048x1xf32>
    %add3A = arith.addf %get3A_1, %get3A_4 : vector<2048x1xf32>
    %add3A_5 = arith.constant 1.000000e+00 : f32
    %add3A_6 = vector.broadcast %add3A_5 : f32 to vector<2048x1xf32>
    %add3A_7 = arith.addf %add3A, %add3A_6 : vector<2048x1xf32>
    %rsqrt3A = math.rsqrt %add3A_7 : vector<2048x1xf32>
    %get3A_8 = arith.constant 0 : index
    %get3A_9 = arith.constant 0 : index
    %get3A_10 = vector.load %arg1[%get3A_8, %get3A_9] : memref<2048x128xf32, #tpu.memory_space<vmem>>, vector<2048x128xf32>
    %get3A_11 = arith.constant 0 : index
    %get3A_12 = arith.constant 0 : index
    %get3A_13 = vector.load %arg2[%get3A_11, %get3A_12] : memref<2048x128xf32, #tpu.memory_space<vmem>>, vector<2048x128xf32>
    %add3A_14 = arith.addf %get3A_10, %get3A_13 : vector<2048x128xf32>
    %get3A_15 = arith.constant 0 : index
    %get3A_16 = arith.constant 0 : index
    %get3A_17 = vector.load %arg3[%get3A_15, %get3A_16] : memref<2048x128xf32, #tpu.memory_space<vmem>>, vector<2048x128xf32>
    %add3A_18 = arith.addf %add3A_14, %get3A_17 : vector<2048x128xf32>
    %mul3A = vector.broadcast %rsqrt3A : vector<2048x1xf32> to vector<2048x128xf32>
    %mul3A_19 = arith.mulf %mul3A, %add3A_18 : vector<2048x128xf32>
    %get3A_20 = arith.constant 0 : index
    %get3A_21 = arith.constant 0 : index
    %get3A_22 = vector.load %arg6[%get3A_20, %get3A_21] : memref<1x128xf32, #tpu.memory_space<vmem>>, vector<1x128xf32>
    %add3A_23 = vector.broadcast %get3A_22 : vector<1x128xf32> to vector<2048x128xf32>
    %add3A_24 = arith.addf %mul3A_19, %add3A_23 : vector<2048x128xf32>
    %max3A = arith.constant 0.000000e+00 : f32
    %max3A_25 = vector.broadcast %max3A : f32 to vector<2048x128xf32>
    %max3A_26 = arith.maximumf %add3A_24, %max3A_25 : vector<2048x128xf32>
    %get3A_27 = arith.constant 0 : index
    %get3A_28 = arith.constant 0 : index
    %get3A_29 = vector.load %arg7[%get3A_27, %get3A_28] : memref<128x128xf32, #tpu.memory_space<vmem>>, vector<128x128xf32>
    %dot_general3A = arith.constant dense<0.000000e+00> : vector<2048x128xf32>
    %dot_general3A_30 = tpu.matmul %max3A_26, %get3A_29, %dot_general3A {dimension_numbers = #tpu.dot_dimension_numbers<[1], [0], [0], [1], [0, 0, 1, 1], [], []>, transpose_lhs_hint = false} : vector<2048x128xf32>, vector<128x128xf32>, vector<2048x128xf32> -> vector<2048x128xf32>
    %get3A_31 = arith.constant 0 : index
    %get3A_32 = arith.constant 64 : index
    %get3A_33 = vector.load %arg4[%get3A_31, %get3A_32] : memref<2048x128xf32, #tpu.memory_space<vmem>>, vector<2048x1xf32>
    %get3A_34 = arith.constant 0 : index
    %get3A_35 = arith.constant 64 : index
    %get3A_36 = vector.load %arg5[%get3A_34, %get3A_35] : memref<2048x128xf32, #tpu.memory_space<vmem>>, vector<2048x1xf32>
    %add3A_37 = arith.addf %get3A_33, %get3A_36 : vector<2048x1xf32>
    %add3A_38 = arith.constant 1.000000e+00 : f32
    %add3A_39 = vector.broadcast %add3A_38 : f32 to vector<2048x1xf32>
    %add3A_40 = arith.addf %add3A_37, %add3A_39 : vector<2048x1xf32>
    %rsqrt3A_41 = math.rsqrt %add3A_40 : vector<2048x1xf32>
    %mul3A_42 = vector.broadcast %rsqrt3A_41 : vector<2048x1xf32> to vector<2048x128xf32>
    %mul3A_43 = arith.mulf %mul3A_42, %dot_general3A_30 : vector<2048x128xf32>
    %swap3A = arith.constant 0 : index
    %swap3A_44 = arith.constant 0 : index
    %swap3A_45 = vector.load %arg8[%swap3A, %swap3A_44] : memref<2048x128xf32, #tpu.memory_space<vmem>>, vector<2048x128xf32>
    tpu.vector_store %arg8[%swap3A, %swap3A_44], %mul3A_43 {strides = array<i32>} : memref<2048x128xf32, #tpu.memory_space<vmem>>, vector<2048x128xf32>,
    return
  }
  func.func @transform_0(%arg0: i32) -> (i32, i32) {
    %add3A = arith.constant 0 : i32
    %add3A_0 = arith.addi %add3A, %arg0 : i32
    %c0_i32 = arith.constant 0 : i32
    %c0_i32_1 = arith.constant 0 : i32
    return %add3A_0, %c0_i32 : i32, i32
  }
  func.func @transform_1(%arg0: i32) -> (i32, i32) {
    %add3A = arith.constant 5 : i32
    %add3A_0 = arith.addi %add3A, %arg0 : i32
    %c0_i32 = arith.constant 0 : i32
    %c0_i32_1 = arith.constant 0 : i32
    return %add3A_0, %c0_i32 : i32, i32
  }
  func.func @transform_2(%arg0: i32) -> (i32, i32) {
    %c0_i32 = arith.constant 0 : i32
    %c0_i32_0 = arith.constant 0 : i32
    return %arg0, %c0_i32 : i32, i32
  }
  func.func @transform_3(%arg0: i32) -> (i32, i32) {
    %add3A = arith.constant 0 : i32
    %add3A_0 = arith.addi %add3A, %arg0 : i32
    %c0_i32 = arith.constant 0 : i32
    %c0_i32_1 = arith.constant 0 : i32
    return %add3A_0, %c0_i32 : i32, i32
  }
  func.func @transform_4(%arg0: i32) -> (i32, i32) {
    %add3A = arith.constant 5 : i32
    %add3A_0 = arith.addi %add3A, %arg0 : i32
    %c0_i32 = arith.constant 0 : i32
    %c0_i32_1 = arith.constant 0 : i32
    return %add3A_0, %c0_i32 : i32, i32
  }
  func.func @transform_5(%arg0: i32) -> (i32, i32) {
    %c0_i32 = arith.constant 0 : i32
    %c0_i32_0 = arith.constant 0 : i32
    %c0_i32_1 = arith.constant 0 : i32
    return %c0_i32, %c0_i32_0 : i32, i32
  }
  func.func @transform_6(%arg0: i32) -> (i32, i32) {
    %c0_i32 = arith.constant 0 : i32
    %c0_i32_0 = arith.constant 0 : i32
    %c0_i32_1 = arith.constant 0 : i32
    return %c0_i32, %c0_i32_0 : i32, i32
  }
  func.func @transform_7(%arg0: i32) -> (i32, i32) {
    %c0_i32 = arith.constant 0 : i32
    %c0_i32_0 = arith.constant 0 : i32
    return %arg0, %c0_i32 : i32, i32
  }
}

module attributes {stable_mosaic.version = 14 : i64} {
  func.func @_tc3_body(%arg0: i32, %arg1: memref<2048x128xf32, #tpu.memory_space<vmem>>, %arg2: memref<2048x128xf32, #tpu.memory_space<vmem>>, %arg3: memref<2048x128xf32, #tpu.memory_space<vmem>>, %arg4: memref<2048x128xf32, #tpu.memory_space<vmem>>, %arg5: memref<2048x128xf32, #tpu.memory_space<vmem>>, %arg6: memref<1x128xf32, #tpu.memory_space<vmem>>, %arg7: memref<128x128xf32, #tpu.memory_space<vmem>>, %arg8: memref<1x128xf32, #tpu.memory_space<vmem>>, %arg9: memref<2048x128xf32, #tpu.memory_space<vmem>>) attributes {dimension_semantics = [#tpu.dimension_semantics<arbitrary>], iteration_bounds = array<i64: 5>, scalar_prefetch = 0 : i64, scratch_operands = 0 : i64, tpu.core_type = #tpu.core_type<tc>, window_params = [{transform_indices = @transform_0, window_bounds = array<i64: 2048, 128>}, {transform_indices = @transform_1, window_bounds = array<i64: 2048, 128>}, {transform_indices = @transform_2, window_bounds = array<i64: 2048, 128>}, {transform_indices = @transform_3, window_bounds = array<i64: 2048, 128>}, {transform_indices = @transform_4, window_bounds = array<i64: 2048, 128>}, {pipeline_mode = #tpu.pipeline_mode<synchronous>, transform_indices = @transform_5, window_bounds = array<i64: 1, 128>}, {pipeline_mode = #tpu.pipeline_mode<synchronous>, transform_indices = @transform_6, window_bounds = array<i64: 128, 128>}, {pipeline_mode = #tpu.pipeline_mode<synchronous>, transform_indices = @transform_7, window_bounds = array<i64: 1, 128>}, {transform_indices = @transform_8, window_bounds = array<i64: 2048, 128>}]} {
    %get3A = arith.constant 0 : index
    %get3A_0 = arith.constant 64 : index
    %get3A_1 = vector.load %arg4[%get3A, %get3A_0] : memref<2048x128xf32, #tpu.memory_space<vmem>>, vector<2048x1xf32>
    %get3A_2 = arith.constant 0 : index
    %get3A_3 = arith.constant 64 : index
    %get3A_4 = vector.load %arg5[%get3A_2, %get3A_3] : memref<2048x128xf32, #tpu.memory_space<vmem>>, vector<2048x1xf32>
    %add3A = arith.addf %get3A_1, %get3A_4 : vector<2048x1xf32>
    %add3A_5 = arith.constant 1.000000e+00 : f32
    %add3A_6 = vector.broadcast %add3A_5 : f32 to vector<2048x1xf32>
    %add3A_7 = arith.addf %add3A, %add3A_6 : vector<2048x1xf32>
    %rsqrt3A = math.rsqrt %add3A_7 : vector<2048x1xf32>
    %get3A_8 = arith.constant 0 : index
    %get3A_9 = arith.constant 0 : index
    %get3A_10 = vector.load %arg1[%get3A_8, %get3A_9] : memref<2048x128xf32, #tpu.memory_space<vmem>>, vector<2048x128xf32>
    %get3A_11 = arith.constant 0 : index
    %get3A_12 = arith.constant 0 : index
    %get3A_13 = vector.load %arg2[%get3A_11, %get3A_12] : memref<2048x128xf32, #tpu.memory_space<vmem>>, vector<2048x128xf32>
    %add3A_14 = arith.addf %get3A_10, %get3A_13 : vector<2048x128xf32>
    %get3A_15 = arith.constant 0 : index
    %get3A_16 = arith.constant 0 : index
    %get3A_17 = vector.load %arg3[%get3A_15, %get3A_16] : memref<2048x128xf32, #tpu.memory_space<vmem>>, vector<2048x128xf32>
    %add3A_18 = arith.addf %add3A_14, %get3A_17 : vector<2048x128xf32>
    %mul3A = vector.broadcast %rsqrt3A : vector<2048x1xf32> to vector<2048x128xf32>
    %mul3A_19 = arith.mulf %mul3A, %add3A_18 : vector<2048x128xf32>
    %get3A_20 = arith.constant 0 : index
    %get3A_21 = arith.constant 0 : index
    %get3A_22 = vector.load %arg6[%get3A_20, %get3A_21] : memref<1x128xf32, #tpu.memory_space<vmem>>, vector<1x128xf32>
    %add3A_23 = vector.broadcast %get3A_22 : vector<1x128xf32> to vector<2048x128xf32>
    %add3A_24 = arith.addf %mul3A_19, %add3A_23 : vector<2048x128xf32>
    %max3A = arith.constant 0.000000e+00 : f32
    %max3A_25 = vector.broadcast %max3A : f32 to vector<2048x128xf32>
    %max3A_26 = arith.maximumf %add3A_24, %max3A_25 : vector<2048x128xf32>
    %get3A_27 = arith.constant 0 : index
    %get3A_28 = arith.constant 0 : index
    %get3A_29 = vector.load %arg7[%get3A_27, %get3A_28] : memref<128x128xf32, #tpu.memory_space<vmem>>, vector<128x128xf32>
    %dot_general3A = arith.constant dense<0.000000e+00> : vector<2048x128xf32>
    %dot_general3A_30 = tpu.matmul %max3A_26, %get3A_29, %dot_general3A {dimension_numbers = #tpu.dot_dimension_numbers<[1], [0], [0], [1], [0, 0, 1, 1], [], []>, transpose_lhs_hint = false} : vector<2048x128xf32>, vector<128x128xf32>, vector<2048x128xf32> -> vector<2048x128xf32>
    %get3A_31 = arith.constant 0 : index
    %get3A_32 = arith.constant 0 : index
    %get3A_33 = vector.load %arg8[%get3A_31, %get3A_32] : memref<1x128xf32, #tpu.memory_space<vmem>>, vector<1x128xf32>
    %add3A_34 = vector.broadcast %get3A_33 : vector<1x128xf32> to vector<2048x128xf32>
    %add3A_35 = arith.addf %dot_general3A_30, %add3A_34 : vector<2048x128xf32>
    %swap3A = arith.constant 0 : index
    %swap3A_36 = arith.constant 0 : index
    %swap3A_37 = vector.load %arg9[%swap3A, %swap3A_36] : memref<2048x128xf32, #tpu.memory_space<vmem>>, vector<2048x128xf32>
    tpu.vector_store %arg9[%swap3A, %swap3A_36], %add3A_35 {strides = array<i32>} : memref<2048x128xf32, #tpu.memory_space<vmem>>, vector<2048x128xf32>,
    return
  }
  func.func @transform_0(%arg0: i32) -> (i32, i32) {
    %add3A = arith.constant 0 : i32
    %add3A_0 = arith.addi %add3A, %arg0 : i32
    %c0_i32 = arith.constant 0 : i32
    %c0_i32_1 = arith.constant 0 : i32
    return %add3A_0, %c0_i32 : i32, i32
  }
  func.func @transform_1(%arg0: i32) -> (i32, i32) {
    %add3A = arith.constant 5 : i32
    %add3A_0 = arith.addi %add3A, %arg0 : i32
    %c0_i32 = arith.constant 0 : i32
    %c0_i32_1 = arith.constant 0 : i32
    return %add3A_0, %c0_i32 : i32, i32
  }
  func.func @transform_2(%arg0: i32) -> (i32, i32) {
    %c0_i32 = arith.constant 0 : i32
    %c0_i32_0 = arith.constant 0 : i32
    return %arg0, %c0_i32 : i32, i32
  }
  func.func @transform_3(%arg0: i32) -> (i32, i32) {
    %add3A = arith.constant 0 : i32
    %add3A_0 = arith.addi %add3A, %arg0 : i32
    %c0_i32 = arith.constant 0 : i32
    %c0_i32_1 = arith.constant 0 : i32
    return %add3A_0, %c0_i32 : i32, i32
  }
  func.func @transform_4(%arg0: i32) -> (i32, i32) {
    %add3A = arith.constant 5 : i32
    %add3A_0 = arith.addi %add3A, %arg0 : i32
    %c0_i32 = arith.constant 0 : i32
    %c0_i32_1 = arith.constant 0 : i32
    return %add3A_0, %c0_i32 : i32, i32
  }
  func.func @transform_5(%arg0: i32) -> (i32, i32) {
    %c0_i32 = arith.constant 0 : i32
    %c0_i32_0 = arith.constant 0 : i32
    %c0_i32_1 = arith.constant 0 : i32
    return %c0_i32, %c0_i32_0 : i32, i32
  }
  func.func @transform_6(%arg0: i32) -> (i32, i32) {
    %c0_i32 = arith.constant 0 : i32
    %c0_i32_0 = arith.constant 0 : i32
    %c0_i32_1 = arith.constant 0 : i32
    return %c0_i32, %c0_i32_0 : i32, i32
  }
  func.func @transform_7(%arg0: i32) -> (i32, i32) {
    %c0_i32 = arith.constant 0 : i32
    %c0_i32_0 = arith.constant 0 : i32
    %c0_i32_1 = arith.constant 0 : i32
    return %c0_i32, %c0_i32_0 : i32, i32
  }
  func.func @transform_8(%arg0: i32) -> (i32, i32) {
    %c0_i32 = arith.constant 0 : i32
    %c0_i32_0 = arith.constant 0 : i32
    return %arg0, %c0_i32 : i32, i32
  }
}

</mosaic_0001>

<sc_bundles>
// kernel: gather_offload_async_start.1
scs
__scs_entry_jumppad:
0x0: {  	(pc) =	sbr.rel $0x88, $3  }
0x1: {  	(tag) =	ssettag $0x0;
	lr =	simm.s32 $0x1  }
0x2: {  	[smem:$0x3F99] =	sst lr;
	_ =	strace $0xD0000000  }
0x3: {  	_ = 	snop  }
0x4: {  	_ = 	snop  }
0x5: {  	_ = 	snop  }
0x6: {  	_ = 	snop  }
0x7: {  	_ = 	snop  }
__scs_overlays_trampoline_lowered:
0x8: {  	[smem:$0x3FA8] =	sst s0  }
0x9: {  	[smem:$0x3FA9] =	sst s1  }
0xa: {  	[smem:$0x3FAA] =	sst s2  }
0xb: {  	[smem:$0x3FAB] =	sst s3  }
0xc: {  	[smem:$0x3FAC] =	sst s4  }
0xd: {  	[smem:$0x3FAD] =	sst s5  }
0xe: {  	[smem:$0x3FAE] =	sst s6  }
0xf: {  	[smem:$0x3FAF] =	sst s7  }
0x10: {  	[smem:$0x3FB0] =	sst s8  }
0x11: {  	[smem:$0x3FB1] =	sst s9;
	s0 =	simm.s32 @!p0 $0x0  }
0x12: {  	s1 =	sld [smem:$0x3F97];
	s0 =	simm.s32 @p0 $0x1  }
0x13: {  	[smem:$0x3FB2] =	sst s0;
	s0 =	simm.s32 @!p1 $0x0  }
0x14: {  	s2 =	sld [smem:$0x3F96];
	s0 =	simm.s32 @p1 $0x1  }
0x15: {  	[smem:$0x3FB3] =	sst s0;
	s0 =	simm.s32 @!p2 $0x0  }
0x16: {  	s3 =	sld [smem:$0x3FDB];
	s0 =	simm.s32 @p2 $0x1  }
0x17: {  	s4 =	simm.s32 $0x1BF5;
	[smem:$0x3FB5] =	sst s0  }
0x18: {  	s0 =	sld [smem:$0x3F98];
	_ =	swait.ge [sflag:s4], $0x0  }
0x19: {  	s7 =	sld [smem:$0x3F99]  }
0x1a: {  	s8 =	sadd.s32 $0xFFFFE003, lr  }
0x1b: {  	s9 =	sadd.s32 $0xFFFFFEF7, lr;
	s5 =	simm.s32 $0xFFFFFFFF;
	p2 =	slt.u32 s8, $0xFFFFF086  }
0x1c: {  	p1 =	slt.u32 s9, $0xF7A;
	s5 =	simm.s32 @!p2 $0x0  }
0x1d: {  	s5 =	simm.s32 @p1 $0x1;
	p0 =	seq.s32 s7, s2  }
0x1e: {  	s7 =	smul.u32 @!p0 $0xF7A, s2;
	p2 =	seq.s32 @!p0 s5, $0x0  }
0x1f: {  	s9 =	smul.u32 $0xF7A, s1;
	s8 =	simm.s32 @!p0 $0x1BF5;
	p2 =	por !p2, p0  }
0x20: {  	[sflag:s8] =	ssyncset.s32 @!p0 $0xFFFFF086;
	s6 =	sadd.s32 @!p0 s3, s7;
	s7 =	simm.s32 @!p0 $0x108  }
0x21: {  	s3 =	sadd.s32 s3, s9;
	s6 =	sadd.s32 @!p0 $0x88, s6;
	s7 =	simm.s32 @p2 $0x1082  }
0x22: {  	[simem:s7], [sflag:s8] =	dma.local @!p0 [hbm:s6], $0xF7A  }
0x23: {  	s9 =	sor.u32 $0xD0000000, s2;
	s6 =	simm.s32 $0x108;
	_ =	swait.ge @!p0 [sflag:s8], $0x0  }
0x24: {  	s3 =	sadd.s32 $0x88, s3;
	s6 =	simm.s32 @!p1 $0x1082;
	[sflag:s4] =	ssyncset.s32 $0xFFFFF086  }
0x25: {  	[simem:s6], [sflag:s4] =	dma.local [hbm:s3], $0xF7A  }
0x26: {  	[smem:$0x3F99] =	sst s1;
	(tag) =	ssettag s2;
	_ =	strace s9  }
0x27: {  	s1 =	sld [smem:$0x3FA9]  }
0x28: {  	s2 =	sld [smem:$0x3FAA]  }
0x29: {  	s4 =	sld [smem:$0x3FAC]  }
0x2a: {  	p0 =	seq.s32 s5, $0x0;
	s5 =	sld [smem:$0x3FAD]  }
0x2b: {  	s6 =	sld [smem:$0x3FAE]  }
0x2c: {  	s7 =	sld [smem:$0x3FAF]  }
0x2d: {  	s3 =	simm.s32 $0x108;
	s8 =	sld [smem:$0x3FB0]  }
0x2e: {  	s3 =	simm.s32 @!p0 $0x1082;
	s9 =	sld [smem:$0x3FB1]  }
0x2f: {  	lr =	sadd.s32 s0, s3;
	s0 =	sld [smem:$0x3FA8]  }
0x30: {  	s3 =	sld [smem:$0x3FAB]  }
0x31: {  	[smem:$0x3FB4] =	sst s10  }
0x32: {  	s10 =	sld [smem:$0x3FB2];
	_ =	sdelay $0x3  }
0x33: {  	p0 =	seq.s32 s10, $0x1;
	s10 =	sld [smem:$0x3FB4];
	_ =	sdelay $0x3  }
0x34: {  	[smem:$0x3FB4] =	sst s10  }
0x35: {  	s10 =	sld [smem:$0x3FB3];
	_ =	sdelay $0x3  }
0x36: {  	p1 =	seq.s32 s10, $0x1;
	s10 =	sld [smem:$0x3FB4];
	_ =	sdelay $0x3  }
0x37: {  	[smem:$0x3FB4] =	sst s10  }
0x38: {  	s10 =	sld [smem:$0x3FB5]  }
0x39: {  	_ = 	snop;
	(pc) =	sbr.ind lr, $3  }
0x3a: {  	_ = 	snop  }
0x3b: {  	_ = 	snop  }
0x3c: {  	p2 =	seq.s32 s10, $0x1;
	s10 =	sld [smem:$0x3FB4]  }
0x3d: {  	_ =	shalt  }
0x3e: {  	_ =	shalt  }
0x3f: {  	_ =	shalt  }
0x40: {  	_ =	shalt  }
0x41: {  	_ =	shalt  }
0x42: {  	_ =	shalt  }
0x43: {  	_ =	shalt  }
0x44: {  	_ =	shalt  }
0x45: {  	_ =	shalt  }
0x46: {  	_ =	shalt  }
0x47: {  	_ =	shalt  }
0x48: {  	_ =	shalt  }
0x49: {  	_ =	shalt  }
0x4a: {  	_ =	shalt  }
0x4b: {  	_ =	shalt  }
0x4c: {  	_ =	shalt  }
0x4d: {  	_ =	shalt  }
0x4e: {  	_ =	shalt  }
0x4f: {  	_ =	shalt  }
0x50: {  	_ =	shalt  }
0x51: {  	_ =	shalt  }
0x52: {  	_ =	shalt  }
0x53: {  	_ =	shalt  }
0x54: {  	_ =	shalt  }
0x55: {  	_ =	shalt  }
0x56: {  	_ =	shalt  }
0x57: {  	_ =	shalt  }
0x58: {  	_ =	shalt  }
0x59: {  	_ =	shalt  }
0x5a: {  	_ =	shalt  }
0x5b: {  	_ =	shalt  }
0x5c: {  	_ =	shalt  }
0x5d: {  	_ =	shalt  }
0x5e: {  	_ =	shalt  }
0x5f: {  	_ =	shalt  }
0x60: {  	_ =	shalt  }
0x61: {  	_ =	shalt  }
0x62: {  	_ =	shalt  }
0x63: {  	_ =	shalt  }
0x64: {  	_ =	shalt  }
0x65: {  	_ =	shalt  }
0x66: {  	_ =	shalt  }
0x67: {  	_ =	shalt  }
0x68: {  	_ =	shalt  }
0x69: {  	_ =	shalt  }
0x6a: {  	_ =	shalt  }
0x6b: {  	_ =	shalt  }
0x6c: {  	_ =	shalt  }
0x6d: {  	_ =	shalt  }
0x6e: {  	_ =	shalt  }
0x6f: {  	_ =	shalt  }
0x70: {  	_ =	shalt  }
0x71: {  	_ =	shalt  }
0x72: {  	_ =	shalt  }
0x73: {  	_ =	shalt  }
0x74: {  	_ =	shalt  }
0x75: {  	_ =	shalt  }
0x76: {  	_ =	shalt  }
0x77: {  	_ =	shalt  }
0x78: {  	_ =	shalt  }
0x79: {  	_ =	shalt  }
0x7a: {  	_ =	shalt  }
0x7b: {  	_ =	shalt  }
0x7c: {  	_ =	shalt  }
0x7d: {  	_ =	shalt  }
0x7e: {  	_ =	shalt  }
0x7f: {  	_ =	shalt  }
0x80: {  	_ =	shalt  }
0x81: {  	_ =	shalt  }
0x82: {  	_ =	shalt  }
0x83: {  	_ =	shalt  }
0x84: {  	_ =	shalt  }
0x85: {  	_ =	shalt  }
0x86: {  	_ =	shalt  }
0x87: {  	_ =	shalt  }
.Lfunc_end0:
.L_simem_size_0:
called_computation.1_lowered:
.L_overlay_start_0:
0x88: {  	s2 =	sld [smem:$0x3FD9]  }
0x89: {  	s3 =	sld [smem:$0x3FFE];
	_ =	sdelay $0x1  }
0x8a: {  	s1 =	srdreg.scid  }
0x8b: {  	s0 =	sand.u32 $0x1, s1  }
0x8c: {  	s17 =	sshll.u32 s0, $0xA;
	s2 =	sadd.s32 s3, s2  }
0x8d: {  	s2 =	sadd.s32 s2, s17  }
0x8e: {  	[smem:$0x3FC0] =	sst s2  }
0x8f: {  	_ = 	snop  }
0x90: {  	(tm) =	ssettm $0x1  }
0x91: {  	s18 =	sld [smem:$0x3FFB];
	_ =	sdelay $0x3  }
0x92: {  	_ =	strace s18  }
0x93: {  	s2 =	sld [smem:$0x3FFC];
	_ =	sdelay $0x3  }
0x94: {  	_ =	strace s2  }
0x95: {  	s2 =	sld [smem:$0x3FFD];
	_ =	sdelay $0x3  }
0x96: {  	_ =	strace s2  }
0x97: {  	_ =	strace $0x8FFFFFFF  }
0x98: {  	s19 =	sld [smem:$0x3FDB];
	_ =	sdelay $0x1  }
0x99: {  	s20 =	simm.s32 $_scs_section_size  }
0x9a: {  	s4 =	simm.s32 $_size__tile_overlayer_lowered;
	s5 =	simm.s32 $_tile_overlayer_lowered  }
0x9b: {  	s6 =	simm.s32 $0x1BFF;
	s21 =	sshll.u32 s5, $0x1;
	s3 =	sadd.s32 s20, s19  }
0x9c: {  	s22 =	simm.s32 $0x0;
	s4 =	sshll.u32 s4, $0x1;
	s5 =	sadd.s32 s21, s3  }
0x9d: {  	[timem:s22], [sflag:s6] =	dma.local [hbm:s5], s4  }
0x9e: {  	_ =	swait.ge [sflag:s6], s4  }
0x9f: {  	s4 =	ssub.s32 $0x0, s4;
	[sflag:s6] =	ssyncset.done $0x0  }
0xa0: {  	[sflag:s6] =	ssyncadd.s32 s4;
	_ =	sdelay $0x1  }
0xa1: {  	s23 =	simm.s32 $0x1B8B  }
0xa2: {  	_ =	swait.ge [sflag:s23], $0x1  }
0xa3: {  	[sflag:s23] =	ssyncset.done $0x0  }
0xa4: {  	[sflag:s23] =	ssyncadd.s32 $0xFFFFFFFF  }
0xa5: {  	s4 =	sld [smem:$0x0]  }
0xa6: {  	s5 =	sand.u32 $0xFFFFFFFE, s1  }
0xa7: {  	p0 =	sne.s32 s1, s5  }
0xa8: {  	s5 =	sshll.u32 @p0 s5, $0xE  }
0xa9: {  	s5 =	sadd.s32 @p0 $0x11B8D, s5;
	s6 =	sshll.u32 @p0 s4, $0x11  }
0xaa: {  	s5 =	sor.u32 @p0 s6, s5  }
0xab: {  	[sflag:s5] =	ssyncadd.remote.s32 @p0 $0x1;
	_ =	sdelay $0x1  }
0xac: {  	s5 =	simm.s32 @p0 $0x1B8D  }
0xad: {  	_ =	swait.eq @p0 [sflag:s5], $0x1  }
0xae: {  	[sflag:s5] =	ssyncadd.s32 @p0 $0xFFFFFFFF  }
0xaf: {  	s6 =	sshll.u32 @!p0 s1, $0xE  }
0xb0: {  	s6 =	sor.u32 @!p0 $0x4000, s6;
	s5 =	simm.s32 @!p0 $0x1B8D  }
0xb1: {  	s4 =	sshll.u32 @!p0 s4, $0x11;
	s6 =	sadd.s32 @!p0 $0x11B8D, s6;
	_ =	swait.eq @!p0 [sflag:s5], $0x1  }
0xb2: {  	s4 =	sor.u32 @!p0 s4, s6;
	[sflag:s5] =	ssyncadd.s32 @!p0 $0xFFFFFFFF  }
0xb3: {  	s25 =	simm.s32 $0x1B8E;
	s24 =	sld [smem:$0x3FFE];
	[sflag:s4] =	ssyncadd.remote.s32 @!p0 $0x1  }
0xb4: {  	s26 =	simm.s32 $execute0_lowered;
	[smem:$0x3FD2] =	sst s25  }
0xb5: {  	s5 =	sshll.u32 s26, $0x1;
	_ =	strace $0x80000049;
	[dreg:$0x1] =	wrdreg $0xFFFFFFFF  }
0xb6: {  	s28 =	simm.s32 $_size_execute0_lowered;
	s3 =	sadd.s32 s3, s5;
	[dreg:$0x0] =	wrdreg $0x0  }
0xb7: {  	s5 =	sshll.u32 s28, $0x1;
	[dreg:$0x2] =	wrdreg s3  }
0xb8: {  	[dreg:$0x3] =	wrdreg s5  }
0xb9: {  	[dreg:$0x4] =	wrdreg $0xC0  }
0xba: {  	_ =	task [dreg:s22], $0x5FFFF  }
0xbb: {  	[dreg:$0x1] =	wrdreg $0xFFFFFFFF  }
0xbc: {  	[dreg:$0x0] =	wrdreg $0x60  }
0xbd: {  	[dreg:$0x2] =	wrdreg s24  }
0xbe: {  	[dreg:$0x3] =	wrdreg $0xA  }
0xbf: {  	_ =	task.clear_ibuf [dreg:s22], $0x4FFFF;
	_ =	strace $0x90000049  }
0xc0: {  	s29 =	simm.s32 $0xA;
	_ =	strace $0x8000004B  }
0xc1: {  	_ =	swait.ge [sflag:s29], $0x1  }
0xc2: {  	[sflag:s29] =	ssyncadd.s32 $0xFFFFFFFF  }
0xc3: {  	_ =	strace $0x9000004B  }
0xc4: {  	_ =	sfence  }
0xc5: {  	s30 =	sld [smem:$0x0];
	_ =	sdelay $0x2  }
0xc6: {  	s31 =	sshll.u32 s1, $0xD;
	s1 =	sshrl.u32 s1, $0x2  }
0xc7: {  	s4 =	sand.u32 $0x4000, s31;
	s1 =	sadd.s32 s1, s30  }
0xc8: {  	s0 =	sor.u32 s4, s0;
	s1 =	sshll.u32 s1, $0x11  }
0xc9: {  	s0 =	sor.u32 s1, s0  }
0xca: {  	s0 =	sadd.s32 $0x8F2B, s0  }
0xcb: {  	[sflag:s0] =	ssyncadd.remote.s32 $0x1  }
0xcc: {  	_ =	sfence.sel $0xFFFF  }
0xcd: {  	[dreg:$0x0] =	wrdreg $0xFFFFFFFF;
	(pc) =	sbr.abs _section_cstart, $3  }
0xce: {  	[dreg:$0x1] =	wrdreg $0xFFFFFFFF  }
0xcf: {  	_ =	task.clear_ibuf [dreg:s22], $0x2FFFF;
	_ =	strace $0x9FFFFFFF  }
0xd0: {  	(tm) =	ssettm $0x7FFFFFFF  }
0xd1: {  	_ =	shalt  }
tec
execute0_lowered:
.L_overlay_start_1:
0x0: {  	(tag) =	ssettag $0x1  }
0x1: {  	s0 =	srdreg.scid;
	s5 =	rddreg [dreg:$0x0]  }
0x2: {  	s1 =	stileid.u32;
	s6 =	simm.s32 $0x1;
	s9 =	simm.s32 $0x1  }
0x3: {  	s10 =	simm.s32 $0x3;
	s13 =	simm.s32 $0x0;
	s2 =	sshll.u32 s0, $0xC  }
0x4: {  	s12 =	simm.s32 $0x0;
	s3 =	sshll.u32 s1, $0xD;
	s2 =	sand.u32 $0x1000, s2  }
0x5: {  	s0 =	rddreg [dreg:$0x1];
	_ =	strace $0x8000004A;
	s2 =	sor.u32 s3, s2  }
0x6: {  	s4 =	sadd.s32 $0x2C00, s5;
	[sflag:s6] =	ssyncpa.u1 $0x0;
	s8 =	ssub.s32 $0x28000, s2  }
.Ltmp0:
0x7: {  	s3 =	sadd.s32 $0x11A00, s5;
	s7 =	sand.u32 $0x1F000, s8;
	(pc) =	sbr.rel .LBB2_1-.Ltmp0, $4  }
0x8: {  	s5 =	sadd.s32 $0x2A600, s5;
	s11 =	smov.u32 s2;
	p0 =	sne.s32 s7, $0x0  }
0x9: {  	s8 =	sshrl.u32 s8, $0x11;
	s7 =	simm.s32 $0x2;
	s9 =	simm.s32 @!p0 $0x0  }
0xa: {  	[sflag:s7] =	ssyncpa.u1 $0x0;
	p0 =	por $0x0, $0x0;
	s8 =	sadd.s32 s9, s8  }
0xb: {  	vm0 =	vmmov $0xffff;
	[sflag:s10] =	ssyncpa.u1 $0x0;
	s10 =	simm.s32 $0x0;
	s9 =	sadd.s32 $0x1, s8  }
.LBB2_4:
0xc: {  	v2 =	vnsel vm1, $0x0, v2  }
0xd: {  	vm1 =	vgt.s32 v0, $0x0;
	v2 =	vmin.u32 v2, $0x4E1FF  }
0xe: {  	v0 =	vnsel vm1, $0x0, v0  }
0xf: {  	v0 =	vmin.u32 v0, $0x4E1FF  }
0x10: {  	[tilespmem:s15], [sflag:$0x1] =	stream.indirect_vreg.gather [hbm4b:s3+s10], $0x1, v1, vm0, $0x4038;
	[tilespmem:$0x4000] =	vst v63  }
0x11: {  	(ifvalue) =	ssetifvalue $0x7FFFFFFF  }
0x12: {  	[tilespmem:s16], [sflag:$0x1] =	stream.indirect_vreg.gather [hbm4b:s3+s10], $0x1, v2, vm0, $0x4038;
	[tilespmem:$0x4000] =	vst v63  }
0x13: {  	s29 =	sadd.s32 $0x10, s16;
	(ifvalue) =	ssetifvalue $0x7FFFFFFF  }
0x14: {  	[tilespmem:s29], [sflag:$0x1] =	stream.indirect_vreg.gather [hbm4b:s3+s10], $0x1, v0, vm0, $0x4038;
	[tilespmem:$0x4000] =	vst v63  }
0x15: {  	_ =	swait.ge [sflag:s6], $0x1000  }
0x16: {  	s30 =	sshrl.u32 s13, $0x3;
	[sflag:s6] =	ssyncset.done $0x0  }
0x17: {  	s31 =	sand.u32 $0x7, s13;
	s15 =	sadd.s32 s5, s30;
	[sflag:s6] =	ssyncadd.s32 $0xFFFFF000  }
0x18: {  	[hbm4b:s15+s31] =	stream.linear.scatter [tilespmem:s14], [sflag:$0x3], $0x1000, $0x38;
	[tilespmem:$0x4000] =	vst v63  }
.LBB2_5:
0x19: {  	s15 =	sadd.s32 $0x20000, s11  }
0x1a: {  	p2 =	sgt.s32 s15, $0x27FFF  }
0x1b: {  	s15 =	smov.u32 @p2 s2;
	p2 =	sne.s32 s12, s9  }
.Ltmp1:
0x1c: {  	p1 =	slt.u32 s12, $0x2;
	(pc) =	sbr.rel @!p2 .LBB2_6-.Ltmp1, $4  }
0x1d: {  	s14 =	simm.s32 @!p1 $0x3  }
0x1e: {  	s16 =	sadd.s32 $0x1, s12;
	_ =	swait.ge @!p1 [sflag:s14], $0x1000  }
0x1f: {  	s13 =	smov.u32 s11;
	p0 =	por !p0, !p0;
	[sflag:s14] =	ssyncset.done @!p1 $0x0  }
0x20: {  	s12 =	smov.u32 s16;
	s11 =	smov.u32 s15;
	[sflag:s14] =	ssyncadd.s32 @!p1 $0xFFFFF000  }
.LBB2_1:
0x21: {  	p1 =	sge.u32 s12, s8  }
0x22: {  	s14 =	sxor.u32 @!p1 $0xFFFFFFFF, s12  }
0x23: {  	s31 =	sadd.s32 $0xFFFFFFFF, s12;
	s15 =	sshrl.u32 @!p1 s11, $0x3;
	s14 =	sshll.u32 @!p1 s14, $0xC  }
0x24: {  	s16 =	sand.u32 @!p1 $0x7, s11;
	s15 =	sadd.s32 @!p1 s4, s15;
	s14 =	sand.u32 @!p1 $0x1000, s14  }
0x25: {  	[tilespmem:s14], [sflag:$0x2] =	stream.linear.gather @!p1 [hbm4b:s15+s16], $0x1000, $0x38;
	[tilespmem:$0x4000] =	vst v63  }
0x26: {  	p1 =	sge.u32 s31, s8  }
.Ltmp2:
0x27: {  	_ = 	snop;
	(pc) =	sbr.rel @p1 .LBB2_5-.Ltmp2, $1  }
0x28: {  	_ =	sdelay $0x3  }
0x29: {  	s14 =	simm.s32 $0x1  }
0x2a: {  	_ =	swait.ge [sflag:s7], $0x1000;
	s14 =	simm.s32 @!p0 $0x0  }
0x2b: {  	[sflag:s7] =	ssyncset.done $0x0;
	s14 =	sshll.u32 s14, $0xC  }
0x2c: {  	[sflag:s7] =	ssyncadd.s32 $0xFFFFF000;
	(ifvalue) =	ssetifvalue $0x7FFFFFFF;
	v0 =	vld.msk [tilespmem:s14+$0x0 ss:$0x1], $0xffff;
	_ =	sdelay $0x4  }
0x2d: {  	s15 =	sadd.s32 $0x10, s14;
	vm1 =	vgt.s32 v0, $0x0  }
0x2e: {  	v2 =	vld.msk [tilespmem:s15+$0x0 ss:$0x1], $0xffff;
	v1 =	vnsel vm1, $0x0, v0  }
0x2f: {  	v1 =	vmin.u32 v1, $0x4E1FF;
	_ =	sdelay $0x1  }
0x30: {  	s16 =	sshll.u32 s12, $0xC;
	s18 =	simm.s32 $0x20  }
0x31: {  	s16 =	sand.u32 $0x1000, s16;
	s17 =	sadd.s32 $0x10, s15;
	s15 =	sor.u32 $0x2000, s14  }
0x32: {  	s14 =	sor.u32 $0x2000, s16;
	s16 =	sadd.s32 $0x10, s15;
	v0 =	vld.msk [tilespmem:s17+$0x0 ss:$0x1], $0xffff;
	vm1 =	vgt.s32 v2, $0x0;
	(ifvalue) =	ssetifvalue $0x7FFFFFFF  }
.LBB2_3:
0x33: {  	[tilespmem:s15], [sflag:$0x1] =	stream.indirect_vreg.gather [hbm4b:s3+s10], $0x1, v1, vm0, $0x4038;
	[tilespmem:$0x4000] =	vst v63  }
0x34: {  	s18 =	sadd.s32 $0x10, s18  }
0x35: {  	v2 =	vnsel vm1, $0x0, v2;
	p1 =	slt.u32 s18, $0xFF0  }
.Ltmp3:
0x36: {  	s15 =	smov.u32 s16;
	v1 =	vmin.u32 v2, $0x4E1FF;
	(pc) =	sbr.rel @p1 .LBB2_3-.Ltmp3, $3  }
0x37: {  	_ =	sdelay $0x1  }
0x38: {  	s17 =	sadd.s32 $0x10, s17  }
0x39: {  	vm1 =	vgt.s32 v0, $0x0;
	s16 =	sadd.s32 $0x10, s16;
	v2 =	vmov v0;
	(ifvalue) =	ssetifvalue $0x7FFFFFFF;
	v0 =	vld.msk [tilespmem:s17+$0x0 ss:$0x1], $0xffff  }
.Ltmp4:
0x3a: {  	_ = 	snop;
	(pc) =	sbr.rel .LBB2_4-.Ltmp4, $1  }
0x3b: {  	_ =	sdelay $0x3  }
.LBB2_6:
0x3c: {  	_ =	sfence.sel $0x180000  }
0x3d: {  	s2 =	simm.s32 $0x2;
	[bflag:$0x0] =	sbarrier.arrive $0xFFFF  }
0x3e: {  	s30 =	simm.s32 $0x3;
	[sflag:s2] =	ssyncpa.u1 $0x1  }
0x3f: {  	s31 =	simm.s32 $0x1;
	[sflag:s30] =	ssyncpa.u1 $0x1  }
0x40: {  	[sflag:s31] =	ssyncpa.u1 $0x1  }
0x41: {  	p0 =	sne.s32 s1, $0x0;
	_ =	strace $0x9000004A  }
0x42: {  	s0 =	sadd.s32 @!p0 $0x100000, s0;
	[bflag:$0x2] =	sbarrier.arrive $0xFFFF  }
0x43: {  	[sflag:s0] =	ssyncadd.tile.s32 @!p0 $0x1;
	_ =	shalt  }
.Lfunc_end2:
_tile_overlayer_lowered:
.L_overlay_start_2:
0x44: {  	(tag) =	ssettag $0x2  }
0x45: {  	s0 =	rddreg [dreg:$0x0];
	s2 =	stileid.u32  }
0x46: {  	s1 =	rddreg [dreg:$0x1];
	p0 =	sne.s32 s2, $0x0  }
0x47: {  	s3 =	rddreg [dreg:$0x2];
	[bflag:$0x3] =	sbarrier.arrive $0xFFFF;
	s2 =	simm.s32 @!p0 $0x1C01  }
0x48: {  	[timem:s3], [sflag:s2] =	dma.local @!p0 [hbm:s0], s1  }
0x49: {  	s0 =	simm.s32 @!p0 $0x1  }
0x4a: {  	_ =	swait.ge @!p0 [sflag:s0], s1  }
0x4b: {  	s1 =	ssub.s32 @!p0 $0x0, s1;
	[sflag:s0] =	ssyncset.done @!p0 $0x0  }
0x4c: {  	[sflag:s0] =	ssyncadd.s32 @!p0 s1  }
0x4d: {  	[bflag:$0x3] =	sbarrier.arrive $0xFFFF  }
0x4e: {  	_ =	shalt  }

// kernel: gather_offload_async_start.2
scs
__scs_entry_jumppad:
0x0: {  	(pc) =	sbr.rel $0x88, $3  }
0x1: {  	(tag) =	ssettag $0x0;
	lr =	simm.s32 $0x1  }
0x2: {  	[smem:$0x3F99] =	sst lr;
	_ =	strace $0xD0000000  }
0x3: {  	_ = 	snop  }
0x4: {  	_ = 	snop  }
0x5: {  	_ = 	snop  }
0x6: {  	_ = 	snop  }
0x7: {  	_ = 	snop  }
__scs_overlays_trampoline_lowered:
0x8: {  	[smem:$0x3FA8] =	sst s0  }
0x9: {  	[smem:$0x3FA9] =	sst s1  }
0xa: {  	[smem:$0x3FAA] =	sst s2  }
0xb: {  	[smem:$0x3FAB] =	sst s3  }
0xc: {  	[smem:$0x3FAC] =	sst s4  }
0xd: {  	[smem:$0x3FAD] =	sst s5  }
0xe: {  	[smem:$0x3FAE] =	sst s6  }
0xf: {  	[smem:$0x3FAF] =	sst s7  }
0x10: {  	[smem:$0x3FB0] =	sst s8  }
0x11: {  	[smem:$0x3FB1] =	sst s9;
	s0 =	simm.s32 @!p0 $0x0  }
0x12: {  	s1 =	sld [smem:$0x3F97];
	s0 =	simm.s32 @p0 $0x1  }
0x13: {  	[smem:$0x3FB2] =	sst s0;
	s0 =	simm.s32 @!p1 $0x0  }
0x14: {  	s2 =	sld [smem:$0x3F96];
	s0 =	simm.s32 @p1 $0x1  }
0x15: {  	[smem:$0x3FB3] =	sst s0;
	s0 =	simm.s32 @!p2 $0x0  }
0x16: {  	s3 =	sld [smem:$0x3FDB];
	s0 =	simm.s32 @p2 $0x1  }
0x17: {  	s4 =	simm.s32 $0x1BF5;
	[smem:$0x3FB5] =	sst s0  }
0x18: {  	s0 =	sld [smem:$0x3F98];
	_ =	swait.ge [sflag:s4], $0x0  }
0x19: {  	s7 =	sld [smem:$0x3F99]  }
0x1a: {  	s8 =	sadd.s32 $0xFFFFE003, lr  }
0x1b: {  	s9 =	sadd.s32 $0xFFFFFEF7, lr;
	s5 =	simm.s32 $0xFFFFFFFF;
	p2 =	slt.u32 s8, $0xFFFFF086  }
0x1c: {  	p1 =	slt.u32 s9, $0xF7A;
	s5 =	simm.s32 @!p2 $0x0  }
0x1d: {  	s5 =	simm.s32 @p1 $0x1;
	p0 =	seq.s32 s7, s2  }
0x1e: {  	s7 =	smul.u32 @!p0 $0xF7A, s2;
	p2 =	seq.s32 @!p0 s5, $0x0  }
0x1f: {  	s9 =	smul.u32 $0xF7A, s1;
	s8 =	simm.s32 @!p0 $0x1BF5;
	p2 =	por !p2, p0  }
0x20: {  	[sflag:s8] =	ssyncset.s32 @!p0 $0xFFFFF086;
	s6 =	sadd.s32 @!p0 s3, s7;
	s7 =	simm.s32 @!p0 $0x108  }
0x21: {  	s3 =	sadd.s32 s3, s9;
	s6 =	sadd.s32 @!p0 $0x88, s6;
	s7 =	simm.s32 @p2 $0x1082  }
0x22: {  	[simem:s7], [sflag:s8] =	dma.local @!p0 [hbm:s6], $0xF7A  }
0x23: {  	s9 =	sor.u32 $0xD0000000, s2;
	s6 =	simm.s32 $0x108;
	_ =	swait.ge @!p0 [sflag:s8], $0x0  }
0x24: {  	s3 =	sadd.s32 $0x88, s3;
	s6 =	simm.s32 @!p1 $0x1082;
	[sflag:s4] =	ssyncset.s32 $0xFFFFF086  }
0x25: {  	[simem:s6], [sflag:s4] =	dma.local [hbm:s3], $0xF7A  }
0x26: {  	[smem:$0x3F99] =	sst s1;
	(tag) =	ssettag s2;
	_ =	strace s9  }
0x27: {  	s1 =	sld [smem:$0x3FA9]  }
0x28: {  	s2 =	sld [smem:$0x3FAA]  }
0x29: {  	s4 =	sld [smem:$0x3FAC]  }
0x2a: {  	p0 =	seq.s32 s5, $0x0;
	s5 =	sld [smem:$0x3FAD]  }
0x2b: {  	s6 =	sld [smem:$0x3FAE]  }
0x2c: {  	s7 =	sld [smem:$0x3FAF]  }
0x2d: {  	s3 =	simm.s32 $0x108;
	s8 =	sld [smem:$0x3FB0]  }
0x2e: {  	s3 =	simm.s32 @!p0 $0x1082;
	s9 =	sld [smem:$0x3FB1]  }
0x2f: {  	lr =	sadd.s32 s0, s3;
	s0 =	sld [smem:$0x3FA8]  }
0x30: {  	s3 =	sld [smem:$0x3FAB]  }
0x31: {  	[smem:$0x3FB4] =	sst s10  }
0x32: {  	s10 =	sld [smem:$0x3FB2];
	_ =	sdelay $0x3  }
0x33: {  	p0 =	seq.s32 s10, $0x1;
	s10 =	sld [smem:$0x3FB4];
	_ =	sdelay $0x3  }
0x34: {  	[smem:$0x3FB4] =	sst s10  }
0x35: {  	s10 =	sld [smem:$0x3FB3];
	_ =	sdelay $0x3  }
0x36: {  	p1 =	seq.s32 s10, $0x1;
	s10 =	sld [smem:$0x3FB4];
	_ =	sdelay $0x3  }
0x37: {  	[smem:$0x3FB4] =	sst s10  }
0x38: {  	s10 =	sld [smem:$0x3FB5]  }
0x39: {  	_ = 	snop;
	(pc) =	sbr.ind lr, $3  }
0x3a: {  	_ = 	snop  }
0x3b: {  	_ = 	snop  }
0x3c: {  	p2 =	seq.s32 s10, $0x1;
	s10 =	sld [smem:$0x3FB4]  }
0x3d: {  	_ =	shalt  }
0x3e: {  	_ =	shalt  }
0x3f: {  	_ =	shalt  }
0x40: {  	_ =	shalt  }
0x41: {  	_ =	shalt  }
0x42: {  	_ =	shalt  }
0x43: {  	_ =	shalt  }
0x44: {  	_ =	shalt  }
0x45: {  	_ =	shalt  }
0x46: {  	_ =	shalt  }
0x47: {  	_ =	shalt  }
0x48: {  	_ =	shalt  }
0x49: {  	_ =	shalt  }
0x4a: {  	_ =	shalt  }
0x4b: {  	_ =	shalt  }
0x4c: {  	_ =	shalt  }
0x4d: {  	_ =	shalt  }
0x4e: {  	_ =	shalt  }
0x4f: {  	_ =	shalt  }
0x50: {  	_ =	shalt  }
0x51: {  	_ =	shalt  }
0x52: {  	_ =	shalt  }
0x53: {  	_ =	shalt  }
0x54: {  	_ =	shalt  }
0x55: {  	_ =	shalt  }
0x56: {  	_ =	shalt  }
0x57: {  	_ =	shalt  }
0x58: {  	_ =	shalt  }
0x59: {  	_ =	shalt  }
0x5a: {  	_ =	shalt  }
0x5b: {  	_ =	shalt  }
0x5c: {  	_ =	shalt  }
0x5d: {  	_ =	shalt  }
0x5e: {  	_ =	shalt  }
0x5f: {  	_ =	shalt  }
0x60: {  	_ =	shalt  }
0x61: {  	_ =	shalt  }
0x62: {  	_ =	shalt  }
0x63: {  	_ =	shalt  }
0x64: {  	_ =	shalt  }
0x65: {  	_ =	shalt  }
0x66: {  	_ =	shalt  }
0x67: {  	_ =	shalt  }
0x68: {  	_ =	shalt  }
0x69: {  	_ =	shalt  }
0x6a: {  	_ =	shalt  }
0x6b: {  	_ =	shalt  }
0x6c: {  	_ =	shalt  }
0x6d: {  	_ =	shalt  }
0x6e: {  	_ =	shalt  }
0x6f: {  	_ =	shalt  }
0x70: {  	_ =	shalt  }
0x71: {  	_ =	shalt  }
0x72: {  	_ =	shalt  }
0x73: {  	_ =	shalt  }
0x74: {  	_ =	shalt  }
0x75: {  	_ =	shalt  }
0x76: {  	_ =	shalt  }
0x77: {  	_ =	shalt  }
0x78: {  	_ =	shalt  }
0x79: {  	_ =	shalt  }
0x7a: {  	_ =	shalt  }
0x7b: {  	_ =	shalt  }
0x7c: {  	_ =	shalt  }
0x7d: {  	_ =	shalt  }
0x7e: {  	_ =	shalt  }
0x7f: {  	_ =	shalt  }
0x80: {  	_ =	shalt  }
0x81: {  	_ =	shalt  }
0x82: {  	_ =	shalt  }
0x83: {  	_ =	shalt  }
0x84: {  	_ =	shalt  }
0x85: {  	_ =	shalt  }
0x86: {  	_ =	shalt  }
0x87: {  	_ =	shalt  }
.Lfunc_end0:
.L_simem_size_0:
called_computation.2_lowered:
.L_overlay_start_0:
0x88: {  	s2 =	sld [smem:$0x3FD9]  }
0x89: {  	s3 =	sld [smem:$0x3FFE];
	_ =	sdelay $0x1  }
0x8a: {  	s1 =	srdreg.scid  }
0x8b: {  	s0 =	sand.u32 $0x1, s1  }
0x8c: {  	s16 =	sshll.u32 s0, $0xA;
	s2 =	sadd.s32 s3, s2  }
0x8d: {  	s2 =	sadd.s32 s2, s16  }
0x8e: {  	[smem:$0x3FC0] =	sst s2  }
0x8f: {  	_ = 	snop  }
0x90: {  	(tm) =	ssettm $0x1  }
0x91: {  	s17 =	sld [smem:$0x3FFB];
	_ =	sdelay $0x3  }
0x92: {  	_ =	strace s17  }
0x93: {  	s2 =	sld [smem:$0x3FFC];
	_ =	sdelay $0x3  }
0x94: {  	_ =	strace s2  }
0x95: {  	s2 =	sld [smem:$0x3FFD];
	_ =	sdelay $0x3  }
0x96: {  	_ =	strace s2  }
0x97: {  	_ =	strace $0x8FFFFFFF  }
0x98: {  	s18 =	sld [smem:$0x3FDB];
	_ =	sdelay $0x1  }
0x99: {  	s19 =	simm.s32 $_scs_section_size  }
0x9a: {  	s4 =	simm.s32 $_size__tile_overlayer_lowered;
	s5 =	simm.s32 $_tile_overlayer_lowered  }
0x9b: {  	s22 =	simm.s32 $0x1BFF;
	s21 =	sshll.u32 s5, $0x1;
	s2 =	sadd.s32 s19, s18  }
0x9c: {  	s6 =	simm.s32 $0x0;
	s20 =	sshll.u32 s4, $0x1;
	s4 =	sadd.s32 s21, s2  }
0x9d: {  	[timem:s6], [sflag:s22] =	dma.local [hbm:s4], s20  }
0x9e: {  	_ =	swait.ge [sflag:s22], s20  }
0x9f: {  	s3 =	ssub.s32 $0x0, s20;
	[sflag:s22] =	ssyncset.done $0x0  }
0xa0: {  	[sflag:s22] =	ssyncadd.s32 s3;
	_ =	sdelay $0x1  }
0xa1: {  	s23 =	simm.s32 $0x1B8B  }
0xa2: {  	_ =	swait.ge [sflag:s23], $0x1  }
0xa3: {  	[sflag:s23] =	ssyncset.done $0x0  }
0xa4: {  	s25 =	simm.s32 $0x1B8E;
	s24 =	sld [smem:$0x3FFE];
	[sflag:s23] =	ssyncadd.s32 $0xFFFFFFFF  }
0xa5: {  	s26 =	simm.s32 $execute0_lowered;
	[smem:$0x3FD2] =	sst s25  }
0xa6: {  	s4 =	sshll.u32 s26, $0x1;
	_ =	strace $0x8000004F;
	[dreg:$0x1] =	wrdreg $0xFFFFFFFF  }
0xa7: {  	s28 =	simm.s32 $_size_execute0_lowered;
	s2 =	sadd.s32 s2, s4;
	[dreg:$0x0] =	wrdreg $0x0  }
0xa8: {  	s4 =	sshll.u32 s28, $0x1;
	[dreg:$0x2] =	wrdreg s2  }
0xa9: {  	[dreg:$0x3] =	wrdreg s4  }
0xaa: {  	[dreg:$0x4] =	wrdreg $0xC0  }
0xab: {  	_ =	task [dreg:s6], $0x5FFFF  }
0xac: {  	[dreg:$0x1] =	wrdreg $0xFFFFFFFF  }
0xad: {  	[dreg:$0x0] =	wrdreg $0x60  }
0xae: {  	[dreg:$0x2] =	wrdreg s24  }
0xaf: {  	[dreg:$0x3] =	wrdreg $0x9  }
0xb0: {  	_ =	task.clear_ibuf [dreg:s6], $0x4FFFF;
	_ =	strace $0x9000004F  }
0xb1: {  	s29 =	simm.s32 $0x9;
	_ =	strace $0x80000051  }
0xb2: {  	_ =	swait.ge [sflag:s29], $0x1  }
0xb3: {  	[sflag:s29] =	ssyncadd.s32 $0xFFFFFFFF  }
0xb4: {  	_ =	strace $0x90000051  }
0xb5: {  	_ =	sfence  }
0xb6: {  	s30 =	sld [smem:$0x0];
	_ =	sdelay $0x2  }
0xb7: {  	s31 =	sshll.u32 s1, $0xD;
	s1 =	sshrl.u32 s1, $0x2  }
0xb8: {  	s3 =	sand.u32 $0x4000, s31;
	s1 =	sadd.s32 s1, s30  }
0xb9: {  	s0 =	sor.u32 s3, s0;
	s1 =	sshll.u32 s1, $0x11  }
0xba: {  	s0 =	sor.u32 s1, s0  }
0xbb: {  	s0 =	sadd.s32 $0x8F2B, s0  }
0xbc: {  	[sflag:s0] =	ssyncadd.remote.s32 $0x1  }
0xbd: {  	_ =	sfence.sel $0xFFFF  }
0xbe: {  	[dreg:$0x0] =	wrdreg $0xFFFFFFFF;
	(pc) =	sbr.abs _section_cstart, $3  }
0xbf: {  	[dreg:$0x1] =	wrdreg $0xFFFFFFFF  }
0xc0: {  	_ =	task.clear_ibuf [dreg:s6], $0x2FFFF;
	_ =	strace $0x9FFFFFFF  }
0xc1: {  	(tm) =	ssettm $0x7FFFFFFF  }
tec
execute0_lowered:
.L_overlay_start_1:
0x0: {  	(tag) =	ssettag $0x1  }
0x1: {  	s0 =	srdreg.scid;
	s5 =	rddreg [dreg:$0x0]  }
0x2: {  	s1 =	stileid.u32;
	s6 =	simm.s32 $0x1;
	s9 =	simm.s32 $0x1  }
0x3: {  	s10 =	simm.s32 $0x3;
	s13 =	simm.s32 $0x0;
	s2 =	sshll.u32 s0, $0xC  }
0x4: {  	s12 =	simm.s32 $0x0;
	s3 =	sshll.u32 s1, $0xD;
	s2 =	sand.u32 $0x1000, s2  }
0x5: {  	s0 =	rddreg [dreg:$0x1];
	_ =	strace $0x80000050;
	s2 =	sor.u32 s3, s2  }
0x6: {  	s4 =	sadd.s32 $0x82E00, s5;
	[sflag:s6] =	ssyncpa.u1 $0x0;
	s8 =	ssub.s32 $0x28000, s2  }
.Ltmp0:
0x7: {  	s3 =	sadd.s32 $0x7C00, s5;
	s7 =	sand.u32 $0x1F000, s8;
	(pc) =	sbr.rel .LBB2_1-.Ltmp0, $4  }
0x8: {  	s5 =	sadd.s32 $0x2400, s5;
	s11 =	smov.u32 s2;
	p0 =	sne.s32 s7, $0x0  }
0x9: {  	s8 =	sshrl.u32 s8, $0x11;
	s7 =	simm.s32 $0x2;
	s9 =	simm.s32 @!p0 $0x0  }
0xa: {  	[sflag:s7] =	ssyncpa.u1 $0x0;
	p0 =	por $0x0, $0x0;
	s8 =	sadd.s32 s9, s8  }
0xb: {  	vm0 =	vmmov $0xffff;
	[sflag:s10] =	ssyncpa.u1 $0x0;
	s10 =	simm.s32 $0x0;
	s9 =	sadd.s32 $0x1, s8  }
.LBB2_4:
0xc: {  	v2 =	vnsel vm1, $0x0, v2  }
0xd: {  	vm1 =	vgt.s32 v0, $0x0;
	v2 =	vmin.u32 v2, $0x4E1FF  }
0xe: {  	v0 =	vnsel vm1, $0x0, v0  }
0xf: {  	v0 =	vmin.u32 v0, $0x4E1FF  }
0x10: {  	[tilespmem:s15], [sflag:$0x1] =	stream.indirect_vreg.gather [hbm4b:s3+s10], $0x1, v1, vm0, $0x4038;
	[tilespmem:$0x4000] =	vst v63  }
0x11: {  	(ifvalue) =	ssetifvalue $0x7FFFFFFF  }
0x12: {  	[tilespmem:s16], [sflag:$0x1] =	stream.indirect_vreg.gather [hbm4b:s3+s10], $0x1, v2, vm0, $0x4038;
	[tilespmem:$0x4000] =	vst v63  }
0x13: {  	s29 =	sadd.s32 $0x10, s16;
	(ifvalue) =	ssetifvalue $0x7FFFFFFF  }
0x14: {  	[tilespmem:s29], [sflag:$0x1] =	stream.indirect_vreg.gather [hbm4b:s3+s10], $0x1, v0, vm0, $0x4038;
	[tilespmem:$0x4000] =	vst v63  }
0x15: {  	_ =	swait.ge [sflag:s6], $0x1000  }
0x16: {  	s30 =	sshrl.u32 s13, $0x3;
	[sflag:s6] =	ssyncset.done $0x0  }
0x17: {  	s31 =	sand.u32 $0x7, s13;
	s15 =	sadd.s32 s5, s30;
	[sflag:s6] =	ssyncadd.s32 $0xFFFFF000  }
0x18: {  	[hbm4b:s15+s31] =	stream.linear.scatter [tilespmem:s14], [sflag:$0x3], $0x1000, $0x38;
	[tilespmem:$0x4000] =	vst v63  }
.LBB2_5:
0x19: {  	s15 =	sadd.s32 $0x20000, s11  }
0x1a: {  	p2 =	sgt.s32 s15, $0x27FFF  }
0x1b: {  	s15 =	smov.u32 @p2 s2;
	p2 =	sne.s32 s12, s9  }
.Ltmp1:
0x1c: {  	p1 =	slt.u32 s12, $0x2;
	(pc) =	sbr.rel @!p2 .LBB2_6-.Ltmp1, $4  }
0x1d: {  	s14 =	simm.s32 @!p1 $0x3  }
0x1e: {  	s16 =	sadd.s32 $0x1, s12;
	_ =	swait.ge @!p1 [sflag:s14], $0x1000  }
0x1f: {  	s13 =	smov.u32 s11;
	p0 =	por !p0, !p0;
	[sflag:s14] =	ssyncset.done @!p1 $0x0  }
0x20: {  	s12 =	smov.u32 s16;
	s11 =	smov.u32 s15;
	[sflag:s14] =	ssyncadd.s32 @!p1 $0xFFFFF000  }
.LBB2_1:
0x21: {  	p1 =	sge.u32 s12, s8  }
0x22: {  	s14 =	sxor.u32 @!p1 $0xFFFFFFFF, s12  }
0x23: {  	s31 =	sadd.s32 $0xFFFFFFFF, s12;
	s15 =	sshrl.u32 @!p1 s11, $0x3;
	s14 =	sshll.u32 @!p1 s14, $0xC  }
0x24: {  	s16 =	sand.u32 @!p1 $0x7, s11;
	s15 =	sadd.s32 @!p1 s4, s15;
	s14 =	sand.u32 @!p1 $0x1000, s14  }
0x25: {  	[tilespmem:s14], [sflag:$0x2] =	stream.linear.gather @!p1 [hbm4b:s15+s16], $0x1000, $0x38;
	[tilespmem:$0x4000] =	vst v63  }
0x26: {  	p1 =	sge.u32 s31, s8  }
.Ltmp2:
0x27: {  	_ = 	snop;
	(pc) =	sbr.rel @p1 .LBB2_5-.Ltmp2, $1  }
0x28: {  	_ =	sdelay $0x3  }
0x29: {  	s14 =	simm.s32 $0x1  }
0x2a: {  	_ =	swait.ge [sflag:s7], $0x1000;
	s14 =	simm.s32 @!p0 $0x0  }
0x2b: {  	[sflag:s7] =	ssyncset.done $0x0;
	s14 =	sshll.u32 s14, $0xC  }
0x2c: {  	[sflag:s7] =	ssyncadd.s32 $0xFFFFF000;
	(ifvalue) =	ssetifvalue $0x7FFFFFFF;
	v0 =	vld.msk [tilespmem:s14+$0x0 ss:$0x1], $0xffff;
	_ =	sdelay $0x4  }
0x2d: {  	s15 =	sadd.s32 $0x10, s14;
	vm1 =	vgt.s32 v0, $0x0  }
0x2e: {  	v2 =	vld.msk [tilespmem:s15+$0x0 ss:$0x1], $0xffff;
	v1 =	vnsel vm1, $0x0, v0  }
0x2f: {  	v1 =	vmin.u32 v1, $0x4E1FF;
	_ =	sdelay $0x1  }
0x30: {  	s16 =	sshll.u32 s12, $0xC;
	s18 =	simm.s32 $0x20  }
0x31: {  	s16 =	sand.u32 $0x1000, s16;
	s17 =	sadd.s32 $0x10, s15;
	s15 =	sor.u32 $0x2000, s14  }
0x32: {  	s14 =	sor.u32 $0x2000, s16;
	s16 =	sadd.s32 $0x10, s15;
	v0 =	vld.msk [tilespmem:s17+$0x0 ss:$0x1], $0xffff;
	vm1 =	vgt.s32 v2, $0x0;
	(ifvalue) =	ssetifvalue $0x7FFFFFFF  }
.LBB2_3:
0x33: {  	[tilespmem:s15], [sflag:$0x1] =	stream.indirect_vreg.gather [hbm4b:s3+s10], $0x1, v1, vm0, $0x4038;
	[tilespmem:$0x4000] =	vst v63  }
0x34: {  	s18 =	sadd.s32 $0x10, s18  }
0x35: {  	v2 =	vnsel vm1, $0x0, v2;
	p1 =	slt.u32 s18, $0xFF0  }
.Ltmp3:
0x36: {  	s15 =	smov.u32 s16;
	v1 =	vmin.u32 v2, $0x4E1FF;
	(pc) =	sbr.rel @p1 .LBB2_3-.Ltmp3, $3  }
0x37: {  	_ =	sdelay $0x1  }
0x38: {  	s17 =	sadd.s32 $0x10, s17  }
0x39: {  	vm1 =	vgt.s32 v0, $0x0;
	s16 =	sadd.s32 $0x10, s16;
	v2 =	vmov v0;
	(ifvalue) =	ssetifvalue $0x7FFFFFFF;
	v0 =	vld.msk [tilespmem:s17+$0x0 ss:$0x1], $0xffff  }
.Ltmp4:
0x3a: {  	_ = 	snop;
	(pc) =	sbr.rel .LBB2_4-.Ltmp4, $1  }
0x3b: {  	_ =	sdelay $0x3  }
.LBB2_6:
0x3c: {  	_ =	sfence.sel $0x180000  }
0x3d: {  	s2 =	simm.s32 $0x2;
	[bflag:$0x0] =	sbarrier.arrive $0xFFFF  }
0x3e: {  	s30 =	simm.s32 $0x3;
	[sflag:s2] =	ssyncpa.u1 $0x1  }
0x3f: {  	s31 =	simm.s32 $0x1;
	[sflag:s30] =	ssyncpa.u1 $0x1  }
0x40: {  	[sflag:s31] =	ssyncpa.u1 $0x1  }
0x41: {  	p0 =	sne.s32 s1, $0x0;
	_ =	strace $0x90000050  }
0x42: {  	s0 =	sadd.s32 @!p0 $0x100000, s0;
	[bflag:$0x2] =	sbarrier.arrive $0xFFFF  }
0x43: {  	[sflag:s0] =	ssyncadd.tile.s32 @!p0 $0x1;
	_ =	shalt  }
.Lfunc_end2:
_tile_overlayer_lowered:
.L_overlay_start_2:
0x44: {  	(tag) =	ssettag $0x2  }
0x45: {  	s0 =	rddreg [dreg:$0x0];
	s2 =	stileid.u32  }
0x46: {  	s1 =	rddreg [dreg:$0x1];
	p0 =	sne.s32 s2, $0x0  }
0x47: {  	s3 =	rddreg [dreg:$0x2];
	[bflag:$0x3] =	sbarrier.arrive $0xFFFF;
	s2 =	simm.s32 @!p0 $0x1C01  }
0x48: {  	[timem:s3], [sflag:s2] =	dma.local @!p0 [hbm:s0], s1  }
0x49: {  	s0 =	simm.s32 @!p0 $0x1  }
0x4a: {  	_ =	swait.ge @!p0 [sflag:s0], s1  }
0x4b: {  	s1 =	ssub.s32 @!p0 $0x0, s1;
	[sflag:s0] =	ssyncset.done @!p0 $0x0  }
0x4c: {  	[sflag:s0] =	ssyncadd.s32 @!p0 s1  }
0x4d: {  	[bflag:$0x3] =	sbarrier.arrive $0xFFFF  }
0x4e: {  	_ =	shalt  }

// kernel: gather_offload_async_start.3
scs
__scs_entry_jumppad:
0x0: {  	(pc) =	sbr.rel $0x88, $3  }
0x1: {  	(tag) =	ssettag $0x0;
	lr =	simm.s32 $0x1  }
0x2: {  	[smem:$0x3F99] =	sst lr;
	_ =	strace $0xD0000000  }
0x3: {  	_ = 	snop  }
0x4: {  	_ = 	snop  }
0x5: {  	_ = 	snop  }
0x6: {  	_ = 	snop  }
0x7: {  	_ = 	snop  }
__scs_overlays_trampoline_lowered:
0x8: {  	[smem:$0x3FA8] =	sst s0  }
0x9: {  	[smem:$0x3FA9] =	sst s1  }
0xa: {  	[smem:$0x3FAA] =	sst s2  }
0xb: {  	[smem:$0x3FAB] =	sst s3  }
0xc: {  	[smem:$0x3FAC] =	sst s4  }
0xd: {  	[smem:$0x3FAD] =	sst s5  }
0xe: {  	[smem:$0x3FAE] =	sst s6  }
0xf: {  	[smem:$0x3FAF] =	sst s7  }
0x10: {  	[smem:$0x3FB0] =	sst s8  }
0x11: {  	[smem:$0x3FB1] =	sst s9;
	s0 =	simm.s32 @!p0 $0x0  }
0x12: {  	s1 =	sld [smem:$0x3F97];
	s0 =	simm.s32 @p0 $0x1  }
0x13: {  	[smem:$0x3FB2] =	sst s0;
	s0 =	simm.s32 @!p1 $0x0  }
0x14: {  	s2 =	sld [smem:$0x3F96];
	s0 =	simm.s32 @p1 $0x1  }
0x15: {  	[smem:$0x3FB3] =	sst s0;
	s0 =	simm.s32 @!p2 $0x0  }
0x16: {  	s3 =	sld [smem:$0x3FDB];
	s0 =	simm.s32 @p2 $0x1  }
0x17: {  	s4 =	simm.s32 $0x1BF5;
	[smem:$0x3FB5] =	sst s0  }
0x18: {  	s0 =	sld [smem:$0x3F98];
	_ =	swait.ge [sflag:s4], $0x0  }
0x19: {  	s7 =	sld [smem:$0x3F99]  }
0x1a: {  	s8 =	sadd.s32 $0xFFFFE003, lr  }
0x1b: {  	s9 =	sadd.s32 $0xFFFFFEF7, lr;
	s5 =	simm.s32 $0xFFFFFFFF;
	p2 =	slt.u32 s8, $0xFFFFF086  }
0x1c: {  	p1 =	slt.u32 s9, $0xF7A;
	s5 =	simm.s32 @!p2 $0x0  }
0x1d: {  	s5 =	simm.s32 @p1 $0x1;
	p0 =	seq.s32 s7, s2  }
0x1e: {  	s7 =	smul.u32 @!p0 $0xF7A, s2;
	p2 =	seq.s32 @!p0 s5, $0x0  }
0x1f: {  	s9 =	smul.u32 $0xF7A, s1;
	s8 =	simm.s32 @!p0 $0x1BF5;
	p2 =	por !p2, p0  }
0x20: {  	[sflag:s8] =	ssyncset.s32 @!p0 $0xFFFFF086;
	s6 =	sadd.s32 @!p0 s3, s7;
	s7 =	simm.s32 @!p0 $0x108  }
0x21: {  	s3 =	sadd.s32 s3, s9;
	s6 =	sadd.s32 @!p0 $0x88, s6;
	s7 =	simm.s32 @p2 $0x1082  }
0x22: {  	[simem:s7], [sflag:s8] =	dma.local @!p0 [hbm:s6], $0xF7A  }
0x23: {  	s9 =	sor.u32 $0xD0000000, s2;
	s6 =	simm.s32 $0x108;
	_ =	swait.ge @!p0 [sflag:s8], $0x0  }
0x24: {  	s3 =	sadd.s32 $0x88, s3;
	s6 =	simm.s32 @!p1 $0x1082;
	[sflag:s4] =	ssyncset.s32 $0xFFFFF086  }
0x25: {  	[simem:s6], [sflag:s4] =	dma.local [hbm:s3], $0xF7A  }
0x26: {  	[smem:$0x3F99] =	sst s1;
	(tag) =	ssettag s2;
	_ =	strace s9  }
0x27: {  	s1 =	sld [smem:$0x3FA9]  }
0x28: {  	s2 =	sld [smem:$0x3FAA]  }
0x29: {  	s4 =	sld [smem:$0x3FAC]  }
0x2a: {  	p0 =	seq.s32 s5, $0x0;
	s5 =	sld [smem:$0x3FAD]  }
0x2b: {  	s6 =	sld [smem:$0x3FAE]  }
0x2c: {  	s7 =	sld [smem:$0x3FAF]  }
0x2d: {  	s3 =	simm.s32 $0x108;
	s8 =	sld [smem:$0x3FB0]  }
0x2e: {  	s3 =	simm.s32 @!p0 $0x1082;
	s9 =	sld [smem:$0x3FB1]  }
0x2f: {  	lr =	sadd.s32 s0, s3;
	s0 =	sld [smem:$0x3FA8]  }
0x30: {  	s3 =	sld [smem:$0x3FAB]  }
0x31: {  	[smem:$0x3FB4] =	sst s10  }
0x32: {  	s10 =	sld [smem:$0x3FB2];
	_ =	sdelay $0x3  }
0x33: {  	p0 =	seq.s32 s10, $0x1;
	s10 =	sld [smem:$0x3FB4];
	_ =	sdelay $0x3  }
0x34: {  	[smem:$0x3FB4] =	sst s10  }
0x35: {  	s10 =	sld [smem:$0x3FB3];
	_ =	sdelay $0x3  }
0x36: {  	p1 =	seq.s32 s10, $0x1;
	s10 =	sld [smem:$0x3FB4];
	_ =	sdelay $0x3  }
0x37: {  	[smem:$0x3FB4] =	sst s10  }
0x38: {  	s10 =	sld [smem:$0x3FB5]  }
0x39: {  	_ = 	snop;
	(pc) =	sbr.ind lr, $3  }
0x3a: {  	_ = 	snop  }
0x3b: {  	_ = 	snop  }
0x3c: {  	p2 =	seq.s32 s10, $0x1;
	s10 =	sld [smem:$0x3FB4]  }
0x3d: {  	_ =	shalt  }
0x3e: {  	_ =	shalt  }
0x3f: {  	_ =	shalt  }
0x40: {  	_ =	shalt  }
0x41: {  	_ =	shalt  }
0x42: {  	_ =	shalt  }
0x43: {  	_ =	shalt  }
0x44: {  	_ =	shalt  }
0x45: {  	_ =	shalt  }
0x46: {  	_ =	shalt  }
0x47: {  	_ =	shalt  }
0x48: {  	_ =	shalt  }
0x49: {  	_ =	shalt  }
0x4a: {  	_ =	shalt  }
0x4b: {  	_ =	shalt  }
0x4c: {  	_ =	shalt  }
0x4d: {  	_ =	shalt  }
0x4e: {  	_ =	shalt  }
0x4f: {  	_ =	shalt  }
0x50: {  	_ =	shalt  }
0x51: {  	_ =	shalt  }
0x52: {  	_ =	shalt  }
0x53: {  	_ =	shalt  }
0x54: {  	_ =	shalt  }
0x55: {  	_ =	shalt  }
0x56: {  	_ =	shalt  }
0x57: {  	_ =	shalt  }
0x58: {  	_ =	shalt  }
0x59: {  	_ =	shalt  }
0x5a: {  	_ =	shalt  }
0x5b: {  	_ =	shalt  }
0x5c: {  	_ =	shalt  }
0x5d: {  	_ =	shalt  }
0x5e: {  	_ =	shalt  }
0x5f: {  	_ =	shalt  }
0x60: {  	_ =	shalt  }
0x61: {  	_ =	shalt  }
0x62: {  	_ =	shalt  }
0x63: {  	_ =	shalt  }
0x64: {  	_ =	shalt  }
0x65: {  	_ =	shalt  }
0x66: {  	_ =	shalt  }
0x67: {  	_ =	shalt  }
0x68: {  	_ =	shalt  }
0x69: {  	_ =	shalt  }
0x6a: {  	_ =	shalt  }
0x6b: {  	_ =	shalt  }
0x6c: {  	_ =	shalt  }
0x6d: {  	_ =	shalt  }
0x6e: {  	_ =	shalt  }
0x6f: {  	_ =	shalt  }
0x70: {  	_ =	shalt  }
0x71: {  	_ =	shalt  }
0x72: {  	_ =	shalt  }
0x73: {  	_ =	shalt  }
0x74: {  	_ =	shalt  }
0x75: {  	_ =	shalt  }
0x76: {  	_ =	shalt  }
0x77: {  	_ =	shalt  }
0x78: {  	_ =	shalt  }
0x79: {  	_ =	shalt  }
0x7a: {  	_ =	shalt  }
0x7b: {  	_ =	shalt  }
0x7c: {  	_ =	shalt  }
0x7d: {  	_ =	shalt  }
0x7e: {  	_ =	shalt  }
0x7f: {  	_ =	shalt  }
0x80: {  	_ =	shalt  }
0x81: {  	_ =	shalt  }
0x82: {  	_ =	shalt  }
0x83: {  	_ =	shalt  }
0x84: {  	_ =	shalt  }
0x85: {  	_ =	shalt  }
0x86: {  	_ =	shalt  }
0x87: {  	_ =	shalt  }
.Lfunc_end0:
.L_simem_size_0:
called_computation.3_lowered:
.L_overlay_start_0:
0x88: {  	s2 =	sld [smem:$0x3FD9]  }
0x89: {  	s3 =	sld [smem:$0x3FFE];
	_ =	sdelay $0x1  }
0x8a: {  	s1 =	srdreg.scid  }
0x8b: {  	s0 =	sand.u32 $0x1, s1  }
0x8c: {  	s17 =	sshll.u32 s0, $0xA;
	s2 =	sadd.s32 s3, s2  }
0x8d: {  	s2 =	sadd.s32 s2, s17  }
0x8e: {  	[smem:$0x3FC0] =	sst s2  }
0x8f: {  	_ = 	snop  }
0x90: {  	(tm) =	ssettm $0x1  }
0x91: {  	s18 =	sld [smem:$0x3FFB];
	_ =	sdelay $0x3  }
0x92: {  	_ =	strace s18  }
0x93: {  	s2 =	sld [smem:$0x3FFC];
	_ =	sdelay $0x3  }
0x94: {  	_ =	strace s2  }
0x95: {  	s2 =	sld [smem:$0x3FFD];
	_ =	sdelay $0x3  }
0x96: {  	_ =	strace s2  }
0x97: {  	_ =	strace $0x8FFFFFFF  }
0x98: {  	s19 =	sld [smem:$0x3FDB];
	_ =	sdelay $0x1  }
0x99: {  	s20 =	simm.s32 $_scs_section_size  }
0x9a: {  	s4 =	simm.s32 $_size__tile_overlayer_lowered;
	s5 =	simm.s32 $_tile_overlayer_lowered  }
0x9b: {  	s6 =	simm.s32 $0x1BFF;
	s21 =	sshll.u32 s5, $0x1;
	s3 =	sadd.s32 s20, s19  }
0x9c: {  	s22 =	simm.s32 $0x0;
	s4 =	sshll.u32 s4, $0x1;
	s5 =	sadd.s32 s21, s3  }
0x9d: {  	[timem:s22], [sflag:s6] =	dma.local [hbm:s5], s4  }
0x9e: {  	_ =	swait.ge [sflag:s6], s4  }
0x9f: {  	s4 =	ssub.s32 $0x0, s4;
	[sflag:s6] =	ssyncset.done $0x0  }
0xa0: {  	[sflag:s6] =	ssyncadd.s32 s4;
	_ =	sdelay $0x1  }
0xa1: {  	s23 =	simm.s32 $0x1B8B  }
0xa2: {  	_ =	swait.ge [sflag:s23], $0x1  }
0xa3: {  	[sflag:s23] =	ssyncset.done $0x0  }
0xa4: {  	[sflag:s23] =	ssyncadd.s32 $0xFFFFFFFF  }
0xa5: {  	s4 =	sld [smem:$0x0]  }
0xa6: {  	s5 =	sand.u32 $0xFFFFFFFE, s1  }
0xa7: {  	p0 =	sne.s32 s1, s5  }
0xa8: {  	s5 =	sshll.u32 @p0 s5, $0xE  }
0xa9: {  	s5 =	sadd.s32 @p0 $0x11B8D, s5;
	s6 =	sshll.u32 @p0 s4, $0x11  }
0xaa: {  	s5 =	sor.u32 @p0 s6, s5  }
0xab: {  	[sflag:s5] =	ssyncadd.remote.s32 @p0 $0x1;
	_ =	sdelay $0x1  }
0xac: {  	s5 =	simm.s32 @p0 $0x1B8D  }
0xad: {  	_ =	swait.eq @p0 [sflag:s5], $0x1  }
0xae: {  	[sflag:s5] =	ssyncadd.s32 @p0 $0xFFFFFFFF  }
0xaf: {  	s6 =	sshll.u32 @!p0 s1, $0xE  }
0xb0: {  	s6 =	sor.u32 @!p0 $0x4000, s6;
	s5 =	simm.s32 @!p0 $0x1B8D  }
0xb1: {  	s4 =	sshll.u32 @!p0 s4, $0x11;
	s6 =	sadd.s32 @!p0 $0x11B8D, s6;
	_ =	swait.eq @!p0 [sflag:s5], $0x1  }
0xb2: {  	s4 =	sor.u32 @!p0 s4, s6;
	[sflag:s5] =	ssyncadd.s32 @!p0 $0xFFFFFFFF  }
0xb3: {  	s25 =	simm.s32 $0x1B8E;
	s24 =	sld [smem:$0x3FFE];
	[sflag:s4] =	ssyncadd.remote.s32 @!p0 $0x1  }
0xb4: {  	s26 =	simm.s32 $execute0_lowered;
	[smem:$0x3FD2] =	sst s25  }
0xb5: {  	s5 =	sshll.u32 s26, $0x1;
	_ =	strace $0x80000052;
	[dreg:$0x1] =	wrdreg $0xFFFFFFFF  }
0xb6: {  	s28 =	simm.s32 $_size_execute0_lowered;
	s3 =	sadd.s32 s3, s5;
	[dreg:$0x0] =	wrdreg $0x0  }
0xb7: {  	s5 =	sshll.u32 s28, $0x1;
	[dreg:$0x2] =	wrdreg s3  }
0xb8: {  	[dreg:$0x3] =	wrdreg s5  }
0xb9: {  	[dreg:$0x4] =	wrdreg $0xC0  }
0xba: {  	_ =	task [dreg:s22], $0x5FFFF  }
0xbb: {  	[dreg:$0x1] =	wrdreg $0xFFFFFFFF  }
0xbc: {  	[dreg:$0x0] =	wrdreg $0x60  }
0xbd: {  	[dreg:$0x2] =	wrdreg s24  }
0xbe: {  	[dreg:$0x3] =	wrdreg $0xA  }
0xbf: {  	_ =	task.clear_ibuf [dreg:s22], $0x4FFFF;
	_ =	strace $0x90000052  }
0xc0: {  	s29 =	simm.s32 $0xA;
	_ =	strace $0x80000054  }
0xc1: {  	_ =	swait.ge [sflag:s29], $0x1  }
0xc2: {  	[sflag:s29] =	ssyncadd.s32 $0xFFFFFFFF  }
0xc3: {  	_ =	strace $0x90000054  }
0xc4: {  	_ =	sfence  }
0xc5: {  	s30 =	sld [smem:$0x0];
	_ =	sdelay $0x2  }
0xc6: {  	s31 =	sshll.u32 s1, $0xD;
	s1 =	sshrl.u32 s1, $0x2  }
0xc7: {  	s4 =	sand.u32 $0x4000, s31;
	s1 =	sadd.s32 s1, s30  }
0xc8: {  	s0 =	sor.u32 s4, s0;
	s1 =	sshll.u32 s1, $0x11  }
0xc9: {  	s0 =	sor.u32 s1, s0  }
0xca: {  	s0 =	sadd.s32 $0x8F2B, s0  }
0xcb: {  	[sflag:s0] =	ssyncadd.remote.s32 $0x1  }
0xcc: {  	_ =	sfence.sel $0xFFFF  }
0xcd: {  	[dreg:$0x0] =	wrdreg $0xFFFFFFFF;
	(pc) =	sbr.abs _section_cstart, $3  }
0xce: {  	[dreg:$0x1] =	wrdreg $0xFFFFFFFF  }
0xcf: {  	_ =	task.clear_ibuf [dreg:s22], $0x2FFFF;
	_ =	strace $0x9FFFFFFF  }
0xd0: {  	(tm) =	ssettm $0x7FFFFFFF  }
0xd1: {  	_ =	shalt  }
tec
execute0_lowered:
.L_overlay_start_1:
0x0: {  	(tag) =	ssettag $0x1  }
0x1: {  	s0 =	srdreg.scid;
	s5 =	rddreg [dreg:$0x0]  }
0x2: {  	s1 =	stileid.u32;
	s6 =	simm.s32 $0x1;
	s9 =	simm.s32 $0x1  }
0x3: {  	s10 =	simm.s32 $0x3;
	s13 =	simm.s32 $0x0;
	s2 =	sshll.u32 s0, $0xC  }
0x4: {  	s12 =	simm.s32 $0x0;
	s3 =	sshll.u32 s1, $0xD;
	s2 =	sand.u32 $0x1000, s2  }
0x5: {  	s0 =	rddreg [dreg:$0x1];
	_ =	strace $0x80000053;
	s2 =	sor.u32 s3, s2  }
0x6: {  	s4 =	sadd.s32 $0x82E00, s5;
	[sflag:s6] =	ssyncpa.u1 $0x0;
	s8 =	ssub.s32 $0x28000, s2  }
.Ltmp0:
0x7: {  	s3 =	sadd.s32 $0x1B800, s5;
	s7 =	sand.u32 $0x1F000, s8;
	(pc) =	sbr.rel .LBB2_1-.Ltmp0, $4  }
0x8: {  	s5 =	sadd.s32 $0x11A00, s5;
	s11 =	smov.u32 s2;
	p0 =	sne.s32 s7, $0x0  }
0x9: {  	s8 =	sshrl.u32 s8, $0x11;
	s7 =	simm.s32 $0x2;
	s9 =	simm.s32 @!p0 $0x0  }
0xa: {  	[sflag:s7] =	ssyncpa.u1 $0x0;
	p0 =	por $0x0, $0x0;
	s8 =	sadd.s32 s9, s8  }
0xb: {  	vm0 =	vmmov $0xffff;
	[sflag:s10] =	ssyncpa.u1 $0x0;
	s10 =	simm.s32 $0x0;
	s9 =	sadd.s32 $0x1, s8  }
.LBB2_4:
0xc: {  	v2 =	vnsel vm1, $0x0, v2  }
0xd: {  	vm1 =	vgt.s32 v0, $0x0;
	v2 =	vmin.u32 v2, $0x4E1FF  }
0xe: {  	v0 =	vnsel vm1, $0x0, v0  }
0xf: {  	v0 =	vmin.u32 v0, $0x4E1FF  }
0x10: {  	[tilespmem:s15], [sflag:$0x1] =	stream.indirect_vreg.gather [hbm4b:s3+s10], $0x1, v1, vm0, $0x4038;
	[tilespmem:$0x4000] =	vst v63  }
0x11: {  	(ifvalue) =	ssetifvalue $0x7FFFFFFF  }
0x12: {  	[tilespmem:s16], [sflag:$0x1] =	stream.indirect_vreg.gather [hbm4b:s3+s10], $0x1, v2, vm0, $0x4038;
	[tilespmem:$0x4000] =	vst v63  }
0x13: {  	s29 =	sadd.s32 $0x10, s16;
	(ifvalue) =	ssetifvalue $0x7FFFFFFF  }
0x14: {  	[tilespmem:s29], [sflag:$0x1] =	stream.indirect_vreg.gather [hbm4b:s3+s10], $0x1, v0, vm0, $0x4038;
	[tilespmem:$0x4000] =	vst v63  }
0x15: {  	_ =	swait.ge [sflag:s6], $0x1000  }
0x16: {  	s30 =	sshrl.u32 s13, $0x3;
	[sflag:s6] =	ssyncset.done $0x0  }
0x17: {  	s31 =	sand.u32 $0x7, s13;
	s15 =	sadd.s32 s5, s30;
	[sflag:s6] =	ssyncadd.s32 $0xFFFFF000  }
0x18: {  	[hbm4b:s15+s31] =	stream.linear.scatter [tilespmem:s14], [sflag:$0x3], $0x1000, $0x38;
	[tilespmem:$0x4000] =	vst v63  }
.LBB2_5:
0x19: {  	s15 =	sadd.s32 $0x20000, s11  }
0x1a: {  	p2 =	sgt.s32 s15, $0x27FFF  }
0x1b: {  	s15 =	smov.u32 @p2 s2;
	p2 =	sne.s32 s12, s9  }
.Ltmp1:
0x1c: {  	p1 =	slt.u32 s12, $0x2;
	(pc) =	sbr.rel @!p2 .LBB2_6-.Ltmp1, $4  }
0x1d: {  	s14 =	simm.s32 @!p1 $0x3  }
0x1e: {  	s16 =	sadd.s32 $0x1, s12;
	_ =	swait.ge @!p1 [sflag:s14], $0x1000  }
0x1f: {  	s13 =	smov.u32 s11;
	p0 =	por !p0, !p0;
	[sflag:s14] =	ssyncset.done @!p1 $0x0  }
0x20: {  	s12 =	smov.u32 s16;
	s11 =	smov.u32 s15;
	[sflag:s14] =	ssyncadd.s32 @!p1 $0xFFFFF000  }
.LBB2_1:
0x21: {  	p1 =	sge.u32 s12, s8  }
0x22: {  	s14 =	sxor.u32 @!p1 $0xFFFFFFFF, s12  }
0x23: {  	s31 =	sadd.s32 $0xFFFFFFFF, s12;
	s15 =	sshrl.u32 @!p1 s11, $0x3;
	s14 =	sshll.u32 @!p1 s14, $0xC  }
0x24: {  	s16 =	sand.u32 @!p1 $0x7, s11;
	s15 =	sadd.s32 @!p1 s4, s15;
	s14 =	sand.u32 @!p1 $0x1000, s14  }
0x25: {  	[tilespmem:s14], [sflag:$0x2] =	stream.linear.gather @!p1 [hbm4b:s15+s16], $0x1000, $0x38;
	[tilespmem:$0x4000] =	vst v63  }
0x26: {  	p1 =	sge.u32 s31, s8  }
.Ltmp2:
0x27: {  	_ = 	snop;
	(pc) =	sbr.rel @p1 .LBB2_5-.Ltmp2, $1  }
0x28: {  	_ =	sdelay $0x3  }
0x29: {  	s14 =	simm.s32 $0x1  }
0x2a: {  	_ =	swait.ge [sflag:s7], $0x1000;
	s14 =	simm.s32 @!p0 $0x0  }
0x2b: {  	[sflag:s7] =	ssyncset.done $0x0;
	s14 =	sshll.u32 s14, $0xC  }
0x2c: {  	[sflag:s7] =	ssyncadd.s32 $0xFFFFF000;
	(ifvalue) =	ssetifvalue $0x7FFFFFFF;
	v0 =	vld.msk [tilespmem:s14+$0x0 ss:$0x1], $0xffff;
	_ =	sdelay $0x4  }
0x2d: {  	s15 =	sadd.s32 $0x10, s14;
	vm1 =	vgt.s32 v0, $0x0  }
0x2e: {  	v2 =	vld.msk [tilespmem:s15+$0x0 ss:$0x1], $0xffff;
	v1 =	vnsel vm1, $0x0, v0  }
0x2f: {  	v1 =	vmin.u32 v1, $0x4E1FF;
	_ =	sdelay $0x1  }
0x30: {  	s16 =	sshll.u32 s12, $0xC;
	s18 =	simm.s32 $0x20  }
0x31: {  	s16 =	sand.u32 $0x1000, s16;
	s17 =	sadd.s32 $0x10, s15;
	s15 =	sor.u32 $0x2000, s14  }
0x32: {  	s14 =	sor.u32 $0x2000, s16;
	s16 =	sadd.s32 $0x10, s15;
	v0 =	vld.msk [tilespmem:s17+$0x0 ss:$0x1], $0xffff;
	vm1 =	vgt.s32 v2, $0x0;
	(ifvalue) =	ssetifvalue $0x7FFFFFFF  }
.LBB2_3:
0x33: {  	[tilespmem:s15], [sflag:$0x1] =	stream.indirect_vreg.gather [hbm4b:s3+s10], $0x1, v1, vm0, $0x4038;
	[tilespmem:$0x4000] =	vst v63  }
0x34: {  	s18 =	sadd.s32 $0x10, s18  }
0x35: {  	v2 =	vnsel vm1, $0x0, v2;
	p1 =	slt.u32 s18, $0xFF0  }
.Ltmp3:
0x36: {  	s15 =	smov.u32 s16;
	v1 =	vmin.u32 v2, $0x4E1FF;
	(pc) =	sbr.rel @p1 .LBB2_3-.Ltmp3, $3  }
0x37: {  	_ =	sdelay $0x1  }
0x38: {  	s17 =	sadd.s32 $0x10, s17  }
0x39: {  	vm1 =	vgt.s32 v0, $0x0;
	s16 =	sadd.s32 $0x10, s16;
	v2 =	vmov v0;
	(ifvalue) =	ssetifvalue $0x7FFFFFFF;
	v0 =	vld.msk [tilespmem:s17+$0x0 ss:$0x1], $0xffff  }
.Ltmp4:
0x3a: {  	_ = 	snop;
	(pc) =	sbr.rel .LBB2_4-.Ltmp4, $1  }
0x3b: {  	_ =	sdelay $0x3  }
.LBB2_6:
0x3c: {  	_ =	sfence.sel $0x180000  }
0x3d: {  	s2 =	simm.s32 $0x2;
	[bflag:$0x0] =	sbarrier.arrive $0xFFFF  }
0x3e: {  	s30 =	simm.s32 $0x3;
	[sflag:s2] =	ssyncpa.u1 $0x1  }
0x3f: {  	s31 =	simm.s32 $0x1;
	[sflag:s30] =	ssyncpa.u1 $0x1  }
0x40: {  	[sflag:s31] =	ssyncpa.u1 $0x1  }
0x41: {  	p0 =	sne.s32 s1, $0x0;
	_ =	strace $0x90000053  }
0x42: {  	s0 =	sadd.s32 @!p0 $0x100000, s0;
	[bflag:$0x2] =	sbarrier.arrive $0xFFFF  }
0x43: {  	[sflag:s0] =	ssyncadd.tile.s32 @!p0 $0x1;
	_ =	shalt  }
.Lfunc_end2:
_tile_overlayer_lowered:
.L_overlay_start_2:
0x44: {  	(tag) =	ssettag $0x2  }
0x45: {  	s0 =	rddreg [dreg:$0x0];
	s2 =	stileid.u32  }
0x46: {  	s1 =	rddreg [dreg:$0x1];
	p0 =	sne.s32 s2, $0x0  }
0x47: {  	s3 =	rddreg [dreg:$0x2];
	[bflag:$0x3] =	sbarrier.arrive $0xFFFF;
	s2 =	simm.s32 @!p0 $0x1C01  }
0x48: {  	[timem:s3], [sflag:s2] =	dma.local @!p0 [hbm:s0], s1  }
0x49: {  	s0 =	simm.s32 @!p0 $0x1  }
0x4a: {  	_ =	swait.ge @!p0 [sflag:s0], s1  }
0x4b: {  	s1 =	ssub.s32 @!p0 $0x0, s1;
	[sflag:s0] =	ssyncset.done @!p0 $0x0  }
0x4c: {  	[sflag:s0] =	ssyncadd.s32 @!p0 s1  }
0x4d: {  	[bflag:$0x3] =	sbarrier.arrive $0xFFFF  }
0x4e: {  	_ =	shalt  }

// kernel: gather_offload_async_start
scs
__scs_entry_jumppad:
0x0: {  	(pc) =	sbr.rel $0x88, $3  }
0x1: {  	(tag) =	ssettag $0x0;
	lr =	simm.s32 $0x1  }
0x2: {  	[smem:$0x3F99] =	sst lr;
	_ =	strace $0xD0000000  }
0x3: {  	_ = 	snop  }
0x4: {  	_ = 	snop  }
0x5: {  	_ = 	snop  }
0x6: {  	_ = 	snop  }
0x7: {  	_ = 	snop  }
__scs_overlays_trampoline_lowered:
0x8: {  	[smem:$0x3FA8] =	sst s0  }
0x9: {  	[smem:$0x3FA9] =	sst s1  }
0xa: {  	[smem:$0x3FAA] =	sst s2  }
0xb: {  	[smem:$0x3FAB] =	sst s3  }
0xc: {  	[smem:$0x3FAC] =	sst s4  }
0xd: {  	[smem:$0x3FAD] =	sst s5  }
0xe: {  	[smem:$0x3FAE] =	sst s6  }
0xf: {  	[smem:$0x3FAF] =	sst s7  }
0x10: {  	[smem:$0x3FB0] =	sst s8  }
0x11: {  	[smem:$0x3FB1] =	sst s9;
	s0 =	simm.s32 @!p0 $0x0  }
0x12: {  	s1 =	sld [smem:$0x3F97];
	s0 =	simm.s32 @p0 $0x1  }
0x13: {  	[smem:$0x3FB2] =	sst s0;
	s0 =	simm.s32 @!p1 $0x0  }
0x14: {  	s2 =	sld [smem:$0x3F96];
	s0 =	simm.s32 @p1 $0x1  }
0x15: {  	[smem:$0x3FB3] =	sst s0;
	s0 =	simm.s32 @!p2 $0x0  }
0x16: {  	s3 =	sld [smem:$0x3FDB];
	s0 =	simm.s32 @p2 $0x1  }
0x17: {  	s4 =	simm.s32 $0x1BF5;
	[smem:$0x3FB5] =	sst s0  }
0x18: {  	s0 =	sld [smem:$0x3F98];
	_ =	swait.ge [sflag:s4], $0x0  }
0x19: {  	s7 =	sld [smem:$0x3F99]  }
0x1a: {  	s8 =	sadd.s32 $0xFFFFE003, lr  }
0x1b: {  	s9 =	sadd.s32 $0xFFFFFEF7, lr;
	s5 =	simm.s32 $0xFFFFFFFF;
	p2 =	slt.u32 s8, $0xFFFFF086  }
0x1c: {  	p1 =	slt.u32 s9, $0xF7A;
	s5 =	simm.s32 @!p2 $0x0  }
0x1d: {  	s5 =	simm.s32 @p1 $0x1;
	p0 =	seq.s32 s7, s2  }
0x1e: {  	s7 =	smul.u32 @!p0 $0xF7A, s2;
	p2 =	seq.s32 @!p0 s5, $0x0  }
0x1f: {  	s9 =	smul.u32 $0xF7A, s1;
	s8 =	simm.s32 @!p0 $0x1BF5;
	p2 =	por !p2, p0  }
0x20: {  	[sflag:s8] =	ssyncset.s32 @!p0 $0xFFFFF086;
	s6 =	sadd.s32 @!p0 s3, s7;
	s7 =	simm.s32 @!p0 $0x108  }
0x21: {  	s3 =	sadd.s32 s3, s9;
	s6 =	sadd.s32 @!p0 $0x88, s6;
	s7 =	simm.s32 @p2 $0x1082  }
0x22: {  	[simem:s7], [sflag:s8] =	dma.local @!p0 [hbm:s6], $0xF7A  }
0x23: {  	s9 =	sor.u32 $0xD0000000, s2;
	s6 =	simm.s32 $0x108;
	_ =	swait.ge @!p0 [sflag:s8], $0x0  }
0x24: {  	s3 =	sadd.s32 $0x88, s3;
	s6 =	simm.s32 @!p1 $0x1082;
	[sflag:s4] =	ssyncset.s32 $0xFFFFF086  }
0x25: {  	[simem:s6], [sflag:s4] =	dma.local [hbm:s3], $0xF7A  }
0x26: {  	[smem:$0x3F99] =	sst s1;
	(tag) =	ssettag s2;
	_ =	strace s9  }
0x27: {  	s1 =	sld [smem:$0x3FA9]  }
0x28: {  	s2 =	sld [smem:$0x3FAA]  }
0x29: {  	s4 =	sld [smem:$0x3FAC]  }
0x2a: {  	p0 =	seq.s32 s5, $0x0;
	s5 =	sld [smem:$0x3FAD]  }
0x2b: {  	s6 =	sld [smem:$0x3FAE]  }
0x2c: {  	s7 =	sld [smem:$0x3FAF]  }
0x2d: {  	s3 =	simm.s32 $0x108;
	s8 =	sld [smem:$0x3FB0]  }
0x2e: {  	s3 =	simm.s32 @!p0 $0x1082;
	s9 =	sld [smem:$0x3FB1]  }
0x2f: {  	lr =	sadd.s32 s0, s3;
	s0 =	sld [smem:$0x3FA8]  }
0x30: {  	s3 =	sld [smem:$0x3FAB]  }
0x31: {  	[smem:$0x3FB4] =	sst s10  }
0x32: {  	s10 =	sld [smem:$0x3FB2];
	_ =	sdelay $0x3  }
0x33: {  	p0 =	seq.s32 s10, $0x1;
	s10 =	sld [smem:$0x3FB4];
	_ =	sdelay $0x3  }
0x34: {  	[smem:$0x3FB4] =	sst s10  }
0x35: {  	s10 =	sld [smem:$0x3FB3];
	_ =	sdelay $0x3  }
0x36: {  	p1 =	seq.s32 s10, $0x1;
	s10 =	sld [smem:$0x3FB4];
	_ =	sdelay $0x3  }
0x37: {  	[smem:$0x3FB4] =	sst s10  }
0x38: {  	s10 =	sld [smem:$0x3FB5]  }
0x39: {  	_ = 	snop;
	(pc) =	sbr.ind lr, $3  }
0x3a: {  	_ = 	snop  }
0x3b: {  	_ = 	snop  }
0x3c: {  	p2 =	seq.s32 s10, $0x1;
	s10 =	sld [smem:$0x3FB4]  }
0x3d: {  	_ =	shalt  }
0x3e: {  	_ =	shalt  }
0x3f: {  	_ =	shalt  }
0x40: {  	_ =	shalt  }
0x41: {  	_ =	shalt  }
0x42: {  	_ =	shalt  }
0x43: {  	_ =	shalt  }
0x44: {  	_ =	shalt  }
0x45: {  	_ =	shalt  }
0x46: {  	_ =	shalt  }
0x47: {  	_ =	shalt  }
0x48: {  	_ =	shalt  }
0x49: {  	_ =	shalt  }
0x4a: {  	_ =	shalt  }
0x4b: {  	_ =	shalt  }
0x4c: {  	_ =	shalt  }
0x4d: {  	_ =	shalt  }
0x4e: {  	_ =	shalt  }
0x4f: {  	_ =	shalt  }
0x50: {  	_ =	shalt  }
0x51: {  	_ =	shalt  }
0x52: {  	_ =	shalt  }
0x53: {  	_ =	shalt  }
0x54: {  	_ =	shalt  }
0x55: {  	_ =	shalt  }
0x56: {  	_ =	shalt  }
0x57: {  	_ =	shalt  }
0x58: {  	_ =	shalt  }
0x59: {  	_ =	shalt  }
0x5a: {  	_ =	shalt  }
0x5b: {  	_ =	shalt  }
0x5c: {  	_ =	shalt  }
0x5d: {  	_ =	shalt  }
0x5e: {  	_ =	shalt  }
0x5f: {  	_ =	shalt  }
0x60: {  	_ =	shalt  }
0x61: {  	_ =	shalt  }
0x62: {  	_ =	shalt  }
0x63: {  	_ =	shalt  }
0x64: {  	_ =	shalt  }
0x65: {  	_ =	shalt  }
0x66: {  	_ =	shalt  }
0x67: {  	_ =	shalt  }
0x68: {  	_ =	shalt  }
0x69: {  	_ =	shalt  }
0x6a: {  	_ =	shalt  }
0x6b: {  	_ =	shalt  }
0x6c: {  	_ =	shalt  }
0x6d: {  	_ =	shalt  }
0x6e: {  	_ =	shalt  }
0x6f: {  	_ =	shalt  }
0x70: {  	_ =	shalt  }
0x71: {  	_ =	shalt  }
0x72: {  	_ =	shalt  }
0x73: {  	_ =	shalt  }
0x74: {  	_ =	shalt  }
0x75: {  	_ =	shalt  }
0x76: {  	_ =	shalt  }
0x77: {  	_ =	shalt  }
0x78: {  	_ =	shalt  }
0x79: {  	_ =	shalt  }
0x7a: {  	_ =	shalt  }
0x7b: {  	_ =	shalt  }
0x7c: {  	_ =	shalt  }
0x7d: {  	_ =	shalt  }
0x7e: {  	_ =	shalt  }
0x7f: {  	_ =	shalt  }
0x80: {  	_ =	shalt  }
0x81: {  	_ =	shalt  }
0x82: {  	_ =	shalt  }
0x83: {  	_ =	shalt  }
0x84: {  	_ =	shalt  }
0x85: {  	_ =	shalt  }
0x86: {  	_ =	shalt  }
0x87: {  	_ =	shalt  }
.Lfunc_end0:
.L_simem_size_0:
called_computation_lowered:
.L_overlay_start_0:
0x88: {  	s2 =	sld [smem:$0x3FD9]  }
0x89: {  	s3 =	sld [smem:$0x3FFE];
	_ =	sdelay $0x1  }
0x8a: {  	s1 =	srdreg.scid  }
0x8b: {  	s0 =	sand.u32 $0x1, s1  }
0x8c: {  	s16 =	sshll.u32 s0, $0xA;
	s2 =	sadd.s32 s3, s2  }
0x8d: {  	s2 =	sadd.s32 s2, s16  }
0x8e: {  	[smem:$0x3FC0] =	sst s2  }
0x8f: {  	_ = 	snop  }
0x90: {  	(tm) =	ssettm $0x1  }
0x91: {  	s17 =	sld [smem:$0x3FFB];
	_ =	sdelay $0x3  }
0x92: {  	_ =	strace s17  }
0x93: {  	s2 =	sld [smem:$0x3FFC];
	_ =	sdelay $0x3  }
0x94: {  	_ =	strace s2  }
0x95: {  	s2 =	sld [smem:$0x3FFD];
	_ =	sdelay $0x3  }
0x96: {  	_ =	strace s2  }
0x97: {  	_ =	strace $0x8FFFFFFF  }
0x98: {  	s18 =	sld [smem:$0x3FDB];
	_ =	sdelay $0x1  }
0x99: {  	s19 =	simm.s32 $_scs_section_size  }
0x9a: {  	s4 =	simm.s32 $_size__tile_overlayer_lowered;
	s5 =	simm.s32 $_tile_overlayer_lowered  }
0x9b: {  	s22 =	simm.s32 $0x1BFF;
	s21 =	sshll.u32 s5, $0x1;
	s2 =	sadd.s32 s19, s18  }
0x9c: {  	s6 =	simm.s32 $0x0;
	s20 =	sshll.u32 s4, $0x1;
	s4 =	sadd.s32 s21, s2  }
0x9d: {  	[timem:s6], [sflag:s22] =	dma.local [hbm:s4], s20  }
0x9e: {  	_ =	swait.ge [sflag:s22], s20  }
0x9f: {  	s3 =	ssub.s32 $0x0, s20;
	[sflag:s22] =	ssyncset.done $0x0  }
0xa0: {  	[sflag:s22] =	ssyncadd.s32 s3;
	_ =	sdelay $0x1  }
0xa1: {  	s23 =	simm.s32 $0x1B8B  }
0xa2: {  	_ =	swait.ge [sflag:s23], $0x1  }
0xa3: {  	[sflag:s23] =	ssyncset.done $0x0  }
0xa4: {  	s25 =	simm.s32 $0x1B8E;
	s24 =	sld [smem:$0x3FFE];
	[sflag:s23] =	ssyncadd.s32 $0xFFFFFFFF  }
0xa5: {  	s26 =	simm.s32 $execute0_lowered;
	[smem:$0x3FD2] =	sst s25  }
0xa6: {  	s4 =	sshll.u32 s26, $0x1;
	_ =	strace $0x80000046;
	[dreg:$0x1] =	wrdreg $0xFFFFFFFF  }
0xa7: {  	s28 =	simm.s32 $_size_execute0_lowered;
	s2 =	sadd.s32 s2, s4;
	[dreg:$0x0] =	wrdreg $0x0  }
0xa8: {  	s4 =	sshll.u32 s28, $0x1;
	[dreg:$0x2] =	wrdreg s2  }
0xa9: {  	[dreg:$0x3] =	wrdreg s4  }
0xaa: {  	[dreg:$0x4] =	wrdreg $0xC0  }
0xab: {  	_ =	task [dreg:s6], $0x5FFFF  }
0xac: {  	[dreg:$0x1] =	wrdreg $0xFFFFFFFF  }
0xad: {  	[dreg:$0x0] =	wrdreg $0x60  }
0xae: {  	[dreg:$0x2] =	wrdreg s24  }
0xaf: {  	[dreg:$0x3] =	wrdreg $0x9  }
0xb0: {  	_ =	task.clear_ibuf [dreg:s6], $0x4FFFF;
	_ =	strace $0x90000046  }
0xb1: {  	s29 =	simm.s32 $0x9;
	_ =	strace $0x80000048  }
0xb2: {  	_ =	swait.ge [sflag:s29], $0x1  }
0xb3: {  	[sflag:s29] =	ssyncadd.s32 $0xFFFFFFFF  }
0xb4: {  	_ =	strace $0x90000048  }
0xb5: {  	_ =	sfence  }
0xb6: {  	s30 =	sld [smem:$0x0];
	_ =	sdelay $0x2  }
0xb7: {  	s31 =	sshll.u32 s1, $0xD;
	s1 =	sshrl.u32 s1, $0x2  }
0xb8: {  	s3 =	sand.u32 $0x4000, s31;
	s1 =	sadd.s32 s1, s30  }
0xb9: {  	s0 =	sor.u32 s3, s0;
	s1 =	sshll.u32 s1, $0x11  }
0xba: {  	s0 =	sor.u32 s1, s0  }
0xbb: {  	s0 =	sadd.s32 $0x8F2B, s0  }
0xbc: {  	[sflag:s0] =	ssyncadd.remote.s32 $0x1  }
0xbd: {  	_ =	sfence.sel $0xFFFF  }
0xbe: {  	[dreg:$0x0] =	wrdreg $0xFFFFFFFF;
	(pc) =	sbr.abs _section_cstart, $3  }
0xbf: {  	[dreg:$0x1] =	wrdreg $0xFFFFFFFF  }
0xc0: {  	_ =	task.clear_ibuf [dreg:s6], $0x2FFFF;
	_ =	strace $0x9FFFFFFF  }
0xc1: {  	(tm) =	ssettm $0x7FFFFFFF  }
tec
execute0_lowered:
.L_overlay_start_1:
0x0: {  	(tag) =	ssettag $0x1  }
0x1: {  	s0 =	srdreg.scid;
	s5 =	rddreg [dreg:$0x0]  }
0x2: {  	s1 =	stileid.u32;
	s6 =	simm.s32 $0x1;
	s9 =	simm.s32 $0x1  }
0x3: {  	s10 =	simm.s32 $0x3;
	s13 =	simm.s32 $0x0;
	s2 =	sshll.u32 s0, $0xC  }
0x4: {  	s12 =	simm.s32 $0x0;
	s3 =	sshll.u32 s1, $0xD;
	s2 =	sand.u32 $0x1000, s2  }
0x5: {  	s0 =	rddreg [dreg:$0x1];
	_ =	strace $0x80000047;
	s2 =	sor.u32 s3, s2  }
0x6: {  	s4 =	sadd.s32 $0x2C00, s5;
	[sflag:s6] =	ssyncpa.u1 $0x0;
	s8 =	ssub.s32 $0x28000, s2  }
.Ltmp0:
0x7: {  	s3 =	sadd.s32 $0x7C00, s5;
	s7 =	sand.u32 $0x1F000, s8;
	(pc) =	sbr.rel .LBB2_1-.Ltmp0, $4  }
0x8: {  	s5 =	sadd.s32 $0x25600, s5;
	s11 =	smov.u32 s2;
	p0 =	sne.s32 s7, $0x0  }
0x9: {  	s8 =	sshrl.u32 s8, $0x11;
	s7 =	simm.s32 $0x2;
	s9 =	simm.s32 @!p0 $0x0  }
0xa: {  	[sflag:s7] =	ssyncpa.u1 $0x0;
	p0 =	por $0x0, $0x0;
	s8 =	sadd.s32 s9, s8  }
0xb: {  	vm0 =	vmmov $0xffff;
	[sflag:s10] =	ssyncpa.u1 $0x0;
	s10 =	simm.s32 $0x0;
	s9 =	sadd.s32 $0x1, s8  }
.LBB2_4:
0xc: {  	v2 =	vnsel vm1, $0x0, v2  }
0xd: {  	vm1 =	vgt.s32 v0, $0x0;
	v2 =	vmin.u32 v2, $0x4E1FF  }
0xe: {  	v0 =	vnsel vm1, $0x0, v0  }
0xf: {  	v0 =	vmin.u32 v0, $0x4E1FF  }
0x10: {  	[tilespmem:s15], [sflag:$0x1] =	stream.indirect_vreg.gather [hbm4b:s3+s10], $0x1, v1, vm0, $0x4038;
	[tilespmem:$0x4000] =	vst v63  }
0x11: {  	(ifvalue) =	ssetifvalue $0x7FFFFFFF  }
0x12: {  	[tilespmem:s16], [sflag:$0x1] =	stream.indirect_vreg.gather [hbm4b:s3+s10], $0x1, v2, vm0, $0x4038;
	[tilespmem:$0x4000] =	vst v63  }
0x13: {  	s29 =	sadd.s32 $0x10, s16;
	(ifvalue) =	ssetifvalue $0x7FFFFFFF  }
0x14: {  	[tilespmem:s29], [sflag:$0x1] =	stream.indirect_vreg.gather [hbm4b:s3+s10], $0x1, v0, vm0, $0x4038;
	[tilespmem:$0x4000] =	vst v63  }
0x15: {  	_ =	swait.ge [sflag:s6], $0x1000  }
0x16: {  	s30 =	sshrl.u32 s13, $0x3;
	[sflag:s6] =	ssyncset.done $0x0  }
0x17: {  	s31 =	sand.u32 $0x7, s13;
	s15 =	sadd.s32 s5, s30;
	[sflag:s6] =	ssyncadd.s32 $0xFFFFF000  }
0x18: {  	[hbm4b:s15+s31] =	stream.linear.scatter [tilespmem:s14], [sflag:$0x3], $0x1000, $0x38;
	[tilespmem:$0x4000] =	vst v63  }
.LBB2_5:
0x19: {  	s15 =	sadd.s32 $0x20000, s11  }
0x1a: {  	p2 =	sgt.s32 s15, $0x27FFF  }
0x1b: {  	s15 =	smov.u32 @p2 s2;
	p2 =	sne.s32 s12, s9  }
.Ltmp1:
0x1c: {  	p1 =	slt.u32 s12, $0x2;
	(pc) =	sbr.rel @!p2 .LBB2_6-.Ltmp1, $4  }
0x1d: {  	s14 =	simm.s32 @!p1 $0x3  }
0x1e: {  	s16 =	sadd.s32 $0x1, s12;
	_ =	swait.ge @!p1 [sflag:s14], $0x1000  }
0x1f: {  	s13 =	smov.u32 s11;
	p0 =	por !p0, !p0;
	[sflag:s14] =	ssyncset.done @!p1 $0x0  }
0x20: {  	s12 =	smov.u32 s16;
	s11 =	smov.u32 s15;
	[sflag:s14] =	ssyncadd.s32 @!p1 $0xFFFFF000  }
.LBB2_1:
0x21: {  	p1 =	sge.u32 s12, s8  }
0x22: {  	s14 =	sxor.u32 @!p1 $0xFFFFFFFF, s12  }
0x23: {  	s31 =	sadd.s32 $0xFFFFFFFF, s12;
	s15 =	sshrl.u32 @!p1 s11, $0x3;
	s14 =	sshll.u32 @!p1 s14, $0xC  }
0x24: {  	s16 =	sand.u32 @!p1 $0x7, s11;
	s15 =	sadd.s32 @!p1 s4, s15;
	s14 =	sand.u32 @!p1 $0x1000, s14  }
0x25: {  	[tilespmem:s14], [sflag:$0x2] =	stream.linear.gather @!p1 [hbm4b:s15+s16], $0x1000, $0x38;
	[tilespmem:$0x4000] =	vst v63  }
0x26: {  	p1 =	sge.u32 s31, s8  }
.Ltmp2:
0x27: {  	_ = 	snop;
	(pc) =	sbr.rel @p1 .LBB2_5-.Ltmp2, $1  }
0x28: {  	_ =	sdelay $0x3  }
0x29: {  	s14 =	simm.s32 $0x1  }
0x2a: {  	_ =	swait.ge [sflag:s7], $0x1000;
	s14 =	simm.s32 @!p0 $0x0  }
0x2b: {  	[sflag:s7] =	ssyncset.done $0x0;
	s14 =	sshll.u32 s14, $0xC  }
0x2c: {  	[sflag:s7] =	ssyncadd.s32 $0xFFFFF000;
	(ifvalue) =	ssetifvalue $0x7FFFFFFF;
	v0 =	vld.msk [tilespmem:s14+$0x0 ss:$0x1], $0xffff;
	_ =	sdelay $0x4  }
0x2d: {  	s15 =	sadd.s32 $0x10, s14;
	vm1 =	vgt.s32 v0, $0x0  }
0x2e: {  	v2 =	vld.msk [tilespmem:s15+$0x0 ss:$0x1], $0xffff;
	v1 =	vnsel vm1, $0x0, v0  }
0x2f: {  	v1 =	vmin.u32 v1, $0x4E1FF;
	_ =	sdelay $0x1  }
0x30: {  	s16 =	sshll.u32 s12, $0xC;
	s18 =	simm.s32 $0x20  }
0x31: {  	s16 =	sand.u32 $0x1000, s16;
	s17 =	sadd.s32 $0x10, s15;
	s15 =	sor.u32 $0x2000, s14  }
0x32: {  	s14 =	sor.u32 $0x2000, s16;
	s16 =	sadd.s32 $0x10, s15;
	v0 =	vld.msk [tilespmem:s17+$0x0 ss:$0x1], $0xffff;
	vm1 =	vgt.s32 v2, $0x0;
	(ifvalue) =	ssetifvalue $0x7FFFFFFF  }
.LBB2_3:
0x33: {  	[tilespmem:s15], [sflag:$0x1] =	stream.indirect_vreg.gather [hbm4b:s3+s10], $0x1, v1, vm0, $0x4038;
	[tilespmem:$0x4000] =	vst v63  }
0x34: {  	s18 =	sadd.s32 $0x10, s18  }
0x35: {  	v2 =	vnsel vm1, $0x0, v2;
	p1 =	slt.u32 s18, $0xFF0  }
.Ltmp3:
0x36: {  	s15 =	smov.u32 s16;
	v1 =	vmin.u32 v2, $0x4E1FF;
	(pc) =	sbr.rel @p1 .LBB2_3-.Ltmp3, $3  }
0x37: {  	_ =	sdelay $0x1  }
0x38: {  	s17 =	sadd.s32 $0x10, s17  }
0x39: {  	vm1 =	vgt.s32 v0, $0x0;
	s16 =	sadd.s32 $0x10, s16;
	v2 =	vmov v0;
	(ifvalue) =	ssetifvalue $0x7FFFFFFF;
	v0 =	vld.msk [tilespmem:s17+$0x0 ss:$0x1], $0xffff  }
.Ltmp4:
0x3a: {  	_ = 	snop;
	(pc) =	sbr.rel .LBB2_4-.Ltmp4, $1  }
0x3b: {  	_ =	sdelay $0x3  }
.LBB2_6:
0x3c: {  	_ =	sfence.sel $0x180000  }
0x3d: {  	s2 =	simm.s32 $0x2;
	[bflag:$0x0] =	sbarrier.arrive $0xFFFF  }
0x3e: {  	s30 =	simm.s32 $0x3;
	[sflag:s2] =	ssyncpa.u1 $0x1  }
0x3f: {  	s31 =	simm.s32 $0x1;
	[sflag:s30] =	ssyncpa.u1 $0x1  }
0x40: {  	[sflag:s31] =	ssyncpa.u1 $0x1  }
0x41: {  	p0 =	sne.s32 s1, $0x0;
	_ =	strace $0x90000047  }
0x42: {  	s0 =	sadd.s32 @!p0 $0x100000, s0;
	[bflag:$0x2] =	sbarrier.arrive $0xFFFF  }
0x43: {  	[sflag:s0] =	ssyncadd.tile.s32 @!p0 $0x1;
	_ =	shalt  }
.Lfunc_end2:
_tile_overlayer_lowered:
.L_overlay_start_2:
0x44: {  	(tag) =	ssettag $0x2  }
0x45: {  	s0 =	rddreg [dreg:$0x0];
	s2 =	stileid.u32  }
0x46: {  	s1 =	rddreg [dreg:$0x1];
	p0 =	sne.s32 s2, $0x0  }
0x47: {  	s3 =	rddreg [dreg:$0x2];
	[bflag:$0x3] =	sbarrier.arrive $0xFFFF;
	s2 =	simm.s32 @!p0 $0x1C01  }
0x48: {  	[timem:s3], [sflag:s2] =	dma.local @!p0 [hbm:s0], s1  }
0x49: {  	s0 =	simm.s32 @!p0 $0x1  }
0x4a: {  	_ =	swait.ge @!p0 [sflag:s0], s1  }
0x4b: {  	s1 =	ssub.s32 @!p0 $0x0, s1;
	[sflag:s0] =	ssyncset.done @!p0 $0x0  }
0x4c: {  	[sflag:s0] =	ssyncadd.s32 @!p0 s1  }
0x4d: {  	[bflag:$0x3] =	sbarrier.arrive $0xFFFF  }
0x4e: {  	_ =	shalt  }

// kernel: kernel.11.cloned.1.call-start
scs
__scs_entry_jumppad:
0x0: {  	(pc) =	sbr.rel $0x88, $3  }
0x1: {  	(tag) =	ssettag $0x0;
	lr =	simm.s32 $0x1  }
0x2: {  	[smem:$0x3F99] =	sst lr;
	_ =	strace $0xD0000000  }
0x3: {  	_ = 	snop  }
0x4: {  	_ = 	snop  }
0x5: {  	_ = 	snop  }
0x6: {  	_ = 	snop  }
0x7: {  	_ = 	snop  }
__scs_overlays_trampoline_lowered:
0x8: {  	[smem:$0x3FA8] =	sst s0  }
0x9: {  	[smem:$0x3FA9] =	sst s1  }
0xa: {  	[smem:$0x3FAA] =	sst s2  }
0xb: {  	[smem:$0x3FAB] =	sst s3  }
0xc: {  	[smem:$0x3FAC] =	sst s4  }
0xd: {  	[smem:$0x3FAD] =	sst s5  }
0xe: {  	[smem:$0x3FAE] =	sst s6  }
0xf: {  	[smem:$0x3FAF] =	sst s7  }
0x10: {  	[smem:$0x3FB0] =	sst s8  }
0x11: {  	[smem:$0x3FB1] =	sst s9;
	s0 =	simm.s32 @!p0 $0x0  }
0x12: {  	s1 =	sld [smem:$0x3F97];
	s0 =	simm.s32 @p0 $0x1  }
0x13: {  	[smem:$0x3FB2] =	sst s0;
	s0 =	simm.s32 @!p1 $0x0  }
0x14: {  	s2 =	sld [smem:$0x3F96];
	s0 =	simm.s32 @p1 $0x1  }
0x15: {  	[smem:$0x3FB3] =	sst s0;
	s0 =	simm.s32 @!p2 $0x0  }
0x16: {  	s3 =	sld [smem:$0x3FDB];
	s0 =	simm.s32 @p2 $0x1  }
0x17: {  	s4 =	simm.s32 $0x1BF5;
	[smem:$0x3FB5] =	sst s0  }
0x18: {  	s0 =	sld [smem:$0x3F98];
	_ =	swait.ge [sflag:s4], $0x0  }
0x19: {  	s7 =	sld [smem:$0x3F99]  }
0x1a: {  	s8 =	sadd.s32 $0xFFFFE003, lr  }
0x1b: {  	s9 =	sadd.s32 $0xFFFFFEF7, lr;
	s5 =	simm.s32 $0xFFFFFFFF;
	p2 =	slt.u32 s8, $0xFFFFF086  }
0x1c: {  	p1 =	slt.u32 s9, $0xF7A;
	s5 =	simm.s32 @!p2 $0x0  }
0x1d: {  	s5 =	simm.s32 @p1 $0x1;
	p0 =	seq.s32 s7, s2  }
0x1e: {  	s7 =	smul.u32 @!p0 $0xF7A, s2;
	p2 =	seq.s32 @!p0 s5, $0x0  }
0x1f: {  	s9 =	smul.u32 $0xF7A, s1;
	s8 =	simm.s32 @!p0 $0x1BF5;
	p2 =	por !p2, p0  }
0x20: {  	[sflag:s8] =	ssyncset.s32 @!p0 $0xFFFFF086;
	s6 =	sadd.s32 @!p0 s3, s7;
	s7 =	simm.s32 @!p0 $0x108  }
0x21: {  	s3 =	sadd.s32 s3, s9;
	s6 =	sadd.s32 @!p0 $0x88, s6;
	s7 =	simm.s32 @p2 $0x1082  }
0x22: {  	[simem:s7], [sflag:s8] =	dma.local @!p0 [hbm:s6], $0xF7A  }
0x23: {  	s9 =	sor.u32 $0xD0000000, s2;
	s6 =	simm.s32 $0x108;
	_ =	swait.ge @!p0 [sflag:s8], $0x0  }
0x24: {  	s3 =	sadd.s32 $0x88, s3;
	s6 =	simm.s32 @!p1 $0x1082;
	[sflag:s4] =	ssyncset.s32 $0xFFFFF086  }
0x25: {  	[simem:s6], [sflag:s4] =	dma.local [hbm:s3], $0xF7A  }
0x26: {  	[smem:$0x3F99] =	sst s1;
	(tag) =	ssettag s2;
	_ =	strace s9  }
0x27: {  	s1 =	sld [smem:$0x3FA9]  }
0x28: {  	s2 =	sld [smem:$0x3FAA]  }
0x29: {  	s4 =	sld [smem:$0x3FAC]  }
0x2a: {  	p0 =	seq.s32 s5, $0x0;
	s5 =	sld [smem:$0x3FAD]  }
0x2b: {  	s6 =	sld [smem:$0x3FAE]  }
0x2c: {  	s7 =	sld [smem:$0x3FAF]  }
0x2d: {  	s3 =	simm.s32 $0x108;
	s8 =	sld [smem:$0x3FB0]  }
0x2e: {  	s3 =	simm.s32 @!p0 $0x1082;
	s9 =	sld [smem:$0x3FB1]  }
0x2f: {  	lr =	sadd.s32 s0, s3;
	s0 =	sld [smem:$0x3FA8]  }
0x30: {  	s3 =	sld [smem:$0x3FAB]  }
0x31: {  	[smem:$0x3FB4] =	sst s10  }
0x32: {  	s10 =	sld [smem:$0x3FB2];
	_ =	sdelay $0x3  }
0x33: {  	p0 =	seq.s32 s10, $0x1;
	s10 =	sld [smem:$0x3FB4];
	_ =	sdelay $0x3  }
0x34: {  	[smem:$0x3FB4] =	sst s10  }
0x35: {  	s10 =	sld [smem:$0x3FB3];
	_ =	sdelay $0x3  }
0x36: {  	p1 =	seq.s32 s10, $0x1;
	s10 =	sld [smem:$0x3FB4];
	_ =	sdelay $0x3  }
0x37: {  	[smem:$0x3FB4] =	sst s10  }
0x38: {  	s10 =	sld [smem:$0x3FB5]  }
0x39: {  	_ = 	snop;
	(pc) =	sbr.ind lr, $3  }
0x3a: {  	_ = 	snop  }
0x3b: {  	_ = 	snop  }
0x3c: {  	p2 =	seq.s32 s10, $0x1;
	s10 =	sld [smem:$0x3FB4]  }
0x3d: {  	_ =	shalt  }
0x3e: {  	_ =	shalt  }
0x3f: {  	_ =	shalt  }
0x40: {  	_ =	shalt  }
0x41: {  	_ =	shalt  }
0x42: {  	_ =	shalt  }
0x43: {  	_ =	shalt  }
0x44: {  	_ =	shalt  }
0x45: {  	_ =	shalt  }
0x46: {  	_ =	shalt  }
0x47: {  	_ =	shalt  }
0x48: {  	_ =	shalt  }
0x49: {  	_ =	shalt  }
0x4a: {  	_ =	shalt  }
0x4b: {  	_ =	shalt  }
0x4c: {  	_ =	shalt  }
0x4d: {  	_ =	shalt  }
0x4e: {  	_ =	shalt  }
0x4f: {  	_ =	shalt  }
0x50: {  	_ =	shalt  }
0x51: {  	_ =	shalt  }
0x52: {  	_ =	shalt  }
0x53: {  	_ =	shalt  }
0x54: {  	_ =	shalt  }
0x55: {  	_ =	shalt  }
0x56: {  	_ =	shalt  }
0x57: {  	_ =	shalt  }
0x58: {  	_ =	shalt  }
0x59: {  	_ =	shalt  }
0x5a: {  	_ =	shalt  }
0x5b: {  	_ =	shalt  }
0x5c: {  	_ =	shalt  }
0x5d: {  	_ =	shalt  }
0x5e: {  	_ =	shalt  }
0x5f: {  	_ =	shalt  }
0x60: {  	_ =	shalt  }
0x61: {  	_ =	shalt  }
0x62: {  	_ =	shalt  }
0x63: {  	_ =	shalt  }
0x64: {  	_ =	shalt  }
0x65: {  	_ =	shalt  }
0x66: {  	_ =	shalt  }
0x67: {  	_ =	shalt  }
0x68: {  	_ =	shalt  }
0x69: {  	_ =	shalt  }
0x6a: {  	_ =	shalt  }
0x6b: {  	_ =	shalt  }
0x6c: {  	_ =	shalt  }
0x6d: {  	_ =	shalt  }
0x6e: {  	_ =	shalt  }
0x6f: {  	_ =	shalt  }
0x70: {  	_ =	shalt  }
0x71: {  	_ =	shalt  }
0x72: {  	_ =	shalt  }
0x73: {  	_ =	shalt  }
0x74: {  	_ =	shalt  }
0x75: {  	_ =	shalt  }
0x76: {  	_ =	shalt  }
0x77: {  	_ =	shalt  }
0x78: {  	_ =	shalt  }
0x79: {  	_ =	shalt  }
0x7a: {  	_ =	shalt  }
0x7b: {  	_ =	shalt  }
0x7c: {  	_ =	shalt  }
0x7d: {  	_ =	shalt  }
0x7e: {  	_ =	shalt  }
0x7f: {  	_ =	shalt  }
0x80: {  	_ =	shalt  }
0x81: {  	_ =	shalt  }
0x82: {  	_ =	shalt  }
0x83: {  	_ =	shalt  }
0x84: {  	_ =	shalt  }
0x85: {  	_ =	shalt  }
0x86: {  	_ =	shalt  }
0x87: {  	_ =	shalt  }
.Lfunc_end0:
.L_simem_size_0:
called_computation.5_lowered:
.L_overlay_start_0:
0x88: {  	s2 =	sld [smem:$0x3FD9]  }
0x89: {  	s3 =	sld [smem:$0x3FFE];
	_ =	sdelay $0x1  }
0x8a: {  	s1 =	srdreg.scid  }
0x8b: {  	s0 =	sand.u32 $0x1, s1  }
0x8c: {  	s17 =	sshll.u32 s0, $0xA;
	s2 =	sadd.s32 s3, s2  }
0x8d: {  	s2 =	sadd.s32 s2, s17  }
0x8e: {  	[smem:$0x3FC0] =	sst s2  }
0x8f: {  	_ = 	snop  }
0x90: {  	(tm) =	ssettm $0x1  }
0x91: {  	s18 =	sld [smem:$0x3FFB];
	_ =	sdelay $0x3  }
0x92: {  	_ =	strace s18  }
0x93: {  	s2 =	sld [smem:$0x3FFC];
	_ =	sdelay $0x3  }
0x94: {  	_ =	strace s2  }
0x95: {  	s2 =	sld [smem:$0x3FFD];
	_ =	sdelay $0x3  }
0x96: {  	_ =	strace s2  }
0x97: {  	_ =	strace $0x8FFFFFFF  }
0x98: {  	s19 =	sld [smem:$0x3FDB];
	_ =	sdelay $0x1  }
0x99: {  	s20 =	simm.s32 $_scs_section_size  }
0x9a: {  	s4 =	simm.s32 $_size__tile_overlayer_lowered;
	s5 =	simm.s32 $_tile_overlayer_lowered  }
0x9b: {  	s6 =	simm.s32 $0x1BFF;
	s21 =	sshll.u32 s5, $0x1;
	s3 =	sadd.s32 s20, s19  }
0x9c: {  	s22 =	simm.s32 $0x0;
	s4 =	sshll.u32 s4, $0x1;
	s5 =	sadd.s32 s21, s3  }
0x9d: {  	[timem:s22], [sflag:s6] =	dma.local [hbm:s5], s4  }
0x9e: {  	_ =	swait.ge [sflag:s6], s4  }
0x9f: {  	s4 =	ssub.s32 $0x0, s4;
	[sflag:s6] =	ssyncset.done $0x0  }
0xa0: {  	[sflag:s6] =	ssyncadd.s32 s4;
	_ =	sdelay $0x1  }
0xa1: {  	s23 =	simm.s32 $0x1B8B  }
0xa2: {  	_ =	swait.ge [sflag:s23], $0x1  }
0xa3: {  	[sflag:s23] =	ssyncset.done $0x0  }
0xa4: {  	[sflag:s23] =	ssyncadd.s32 $0xFFFFFFFF  }
0xa5: {  	s4 =	sld [smem:$0x0]  }
0xa6: {  	s5 =	sand.u32 $0xFFFFFFFE, s1  }
0xa7: {  	p0 =	sne.s32 s1, s5  }
0xa8: {  	s5 =	sshll.u32 @p0 s5, $0xE  }
0xa9: {  	s5 =	sadd.s32 @p0 $0x11B8D, s5;
	s6 =	sshll.u32 @p0 s4, $0x11  }
0xaa: {  	s5 =	sor.u32 @p0 s6, s5  }
0xab: {  	[sflag:s5] =	ssyncadd.remote.s32 @p0 $0x1;
	_ =	sdelay $0x1  }
0xac: {  	s5 =	simm.s32 @p0 $0x1B8D  }
0xad: {  	_ =	swait.eq @p0 [sflag:s5], $0x1  }
0xae: {  	[sflag:s5] =	ssyncadd.s32 @p0 $0xFFFFFFFF  }
0xaf: {  	s6 =	sshll.u32 @!p0 s1, $0xE  }
0xb0: {  	s6 =	sor.u32 @!p0 $0x4000, s6;
	s5 =	simm.s32 @!p0 $0x1B8D  }
0xb1: {  	s4 =	sshll.u32 @!p0 s4, $0x11;
	s6 =	sadd.s32 @!p0 $0x11B8D, s6;
	_ =	swait.eq @!p0 [sflag:s5], $0x1  }
0xb2: {  	s4 =	sor.u32 @!p0 s4, s6;
	[sflag:s5] =	ssyncadd.s32 @!p0 $0xFFFFFFFF  }
0xb3: {  	s25 =	simm.s32 $0x1B8E;
	s24 =	sld [smem:$0x3FFE];
	[sflag:s4] =	ssyncadd.remote.s32 @!p0 $0x1  }
0xb4: {  	s26 =	simm.s32 $execute0_lowered;
	[smem:$0x3FD2] =	sst s25  }
0xb5: {  	s5 =	sshll.u32 s26, $0x1;
	_ =	strace $0x80000055;
	[dreg:$0x1] =	wrdreg $0xFFFFFFFF  }
0xb6: {  	s28 =	simm.s32 $_size_execute0_lowered;
	s3 =	sadd.s32 s3, s5;
	[dreg:$0x0] =	wrdreg $0x0  }
0xb7: {  	s5 =	sshll.u32 s28, $0x1;
	[dreg:$0x2] =	wrdreg s3  }
0xb8: {  	[dreg:$0x3] =	wrdreg s5  }
0xb9: {  	[dreg:$0x4] =	wrdreg $0xC0  }
0xba: {  	_ =	task [dreg:s22], $0x5FFFF  }
0xbb: {  	[dreg:$0x1] =	wrdreg $0xFFFFFFFF  }
0xbc: {  	[dreg:$0x0] =	wrdreg $0x60  }
0xbd: {  	[dreg:$0x2] =	wrdreg s24  }
0xbe: {  	[dreg:$0x3] =	wrdreg $0x0  }
0xbf: {  	[dreg:$0x4] =	wrdreg $0xB  }
0xc0: {  	_ =	task.clear_ibuf [dreg:s22], $0x5FFFF;
	_ =	strace $0x90000055  }
0xc1: {  	s29 =	simm.s32 $0xB;
	_ =	strace $0x80000057  }
0xc2: {  	_ =	swait.ge [sflag:s29], $0x1  }
0xc3: {  	[sflag:s29] =	ssyncadd.s32 $0xFFFFFFFF  }
0xc4: {  	_ =	strace $0x90000057  }
0xc5: {  	_ =	sfence  }
0xc6: {  	s30 =	sld [smem:$0x0];
	_ =	sdelay $0x2  }
0xc7: {  	s31 =	sshll.u32 s1, $0xD;
	s1 =	sshrl.u32 s1, $0x2  }
0xc8: {  	s4 =	sand.u32 $0x4000, s31;
	s1 =	sadd.s32 s1, s30  }
0xc9: {  	s0 =	sor.u32 s4, s0;
	s1 =	sshll.u32 s1, $0x11  }
0xca: {  	s0 =	sor.u32 s1, s0  }
0xcb: {  	s0 =	sadd.s32 $0x8F2B, s0  }
0xcc: {  	[sflag:s0] =	ssyncadd.remote.s32 $0x1  }
0xcd: {  	_ =	sfence.sel $0xFFFF  }
0xce: {  	[dreg:$0x0] =	wrdreg $0xFFFFFFFF;
	(pc) =	sbr.abs _section_cstart, $3  }
0xcf: {  	[dreg:$0x1] =	wrdreg $0xFFFFFFFF  }
0xd0: {  	_ =	task.clear_ibuf [dreg:s22], $0x2FFFF;
	_ =	strace $0x9FFFFFFF  }
0xd1: {  	(tm) =	ssettm $0x7FFFFFFF  }
tec
execute0_lowered:
.L_overlay_start_1:
0x0: {  	(tag) =	ssettag $0x1  }
0x1: {  	s7 =	rddreg [dreg:$0x0]  }
0x2: {  	s1 =	rddreg [dreg:$0x1]  }
0x3: {  	s0 =	rddreg [dreg:$0x2];
	s3 =	simm.s32 $0x0  }
0x4: {  	s4 =	srdreg.scid;
	s2 =	stileid.u32;
	s18 =	simm.s32 $0x14200  }
0x5: {  	s19 =	simm.s32 $0x14100;
	s20 =	simm.s32 $0x18200;
	s21 =	simm.s32 $0x1  }
0x6: {  	s22 =	simm.s32 $0x14080;
	s23 =	simm.s32 $0x2;
	s9 =	smul.u32 $0x2800, s2  }
0x7: {  	s24 =	simm.s32 $0x14180;
	s25 =	simm.s32 $0x0;
	s12 =	smul.u32 $0x50000, s2  }
0x8: {  	[smem:$0x7FF] =	sst s3;
	s8 =	sand.u32 $0x1, s4;
	s14 =	smul.u32 $0xA00, s2  }
0x9: {  	s4 =	sadd.s32 $0x91E00, s7;
	s6 =	sshll.u32 s2, $0x1;
	s15 =	smul.u32 $0x5000, s2  }
0xa: {  	s5 =	sadd.s32 $0x87E00, s7;
	s31 =	sshll.u32 s2, $0x6;
	s10 =	smul.u32 $0x28000, s8  }
0xb: {  	_ =	strace $0x80000056;
	s11 =	sor.u32 s8, s6;
	s29 =	smul.u32 $0x500, s8  }
0xc: {  	s6 =	sadd.s32 $0x30600, s7;
	s13 =	ssub.s32 $0x2, s8;
	s17 =	smul.u32 $0x2800, s8  }
0xd: {  	s11 =	smul.u32 $0x500, s11;
	s28 =	sshrl.u32 s13, $0x1;
	s30 =	sshrl.u32 s12, $0x2  }
0xe: {  	s9 =	sadd.s32 s9, s10;
	s10 =	ssub.s32 s13, s28;
	s16 =	sadd.s32 s30, s1  }
0xf: {  	s12 =	sadd.s32 s29, s14;
	s13 =	sadd.s32 s17, s15;
	s15 =	simm.s32 $0x3  }
0x10: {  	s17 =	simm.s32 $0x80;
	s9 =	sadd.s32 s9, s7;
	s7 =	sor.u32 $0x1C03, s31  }
0x11: {  	s8 =	sadd.s32 s5, s11;
	s10 =	smax.u32 s10, $0x1;
	s14 =	sshrl.u32 s16, $0x3  }
0x12: {  	s16 =	simm.s32 $0x14000;
	s9 =	sadd.s32 $0xB9E00, s9;
	s11 =	sadd.s32 $0x4E0, s8  }
.LBB2_1:
0x13: {  	[spmem:s14], [sflag:s7] =	dma.local [hbm:s6], $0x2800  }
0x14: {  	_ =	swait.ge [sflag:s15], $0x2800  }
0x15: {  	[sflag:s15] =	ssyncset.done $0x0  }
0x16: {  	[sflag:s15] =	ssyncadd.s32 $0xFFFFD800  }
0x17: {  	[bflag:$0x0] =	sbarrier.arrive $0xFFFF  }
0x18: {  	[tilespmem:s16], [sflag:$0x3] =	stream.linear.gather [hbm4b:s8+s3], $0x100, $0x38;
	[tilespmem:$0x1C200] =	vst v63  }
0x19: {  	s26 =	sadd.s32 $0x0, s12;
	s28 =	sand.u32 $0x40, s3;
	_ =	swait.ge [sflag:s15], $0x100  }
0x1a: {  	s26 =	sand.u32 $0xFFFFF80, s26;
	s28 =	sadd.s32 s28, s5;
	[sflag:s15] =	ssyncset.done $0x0  }
0x1b: {  	s26 =	sadd.s32 s26, s28;
	[sflag:s15] =	ssyncadd.s32 $0xFFFFFF00  }
0x1c: {  	[tilespmem:s18], [sflag:$0x1] =	stream.indirect.gather [hbm4b:s4+s17], $0x80, s16, s17, $0xb8;
	[tilespmem:$0x1C200] =	vst v63  }
0x1d: {  	s26 =	sadd.s32 $0x20, s26  }
0x1e: {  	[tilespmem:s19], [sflag:$0x3] =	stream.linear.gather [hbm4b:s26+s3], $0x100, $0x38;
	[tilespmem:$0x1C200] =	vst v63  }
0x1f: {  	_ =	swait.ge [sflag:s15], $0x100  }
0x20: {  	[sflag:s15] =	ssyncset.done $0x0  }
0x21: {  	[sflag:s15] =	ssyncadd.s32 $0xFFFFFF00  }
0x22: {  	[tilespmem:s20], [sflag:$0x2] =	stream.indirect.gather [hbm4b:s4+s17], $0x80, s19, s17, $0xb8;
	[tilespmem:$0x1C200] =	vst v63  }
0x23: {  	_ =	swait.ge [sflag:s21], $0x4000  }
0x24: {  	s30 =	simm.s32 $0x200;
	s28 =	sadd.s32 $0x200, s13;
	[sflag:s21] =	ssyncset.done $0x0  }
0x25: {  	s28 =	sand.u32 $0xFFC00, s28;
	s26 =	sand.u32 $0x200, s30;
	[sflag:s21] =	ssyncadd.s32 $0xFFFFC000  }
0x26: {  	[spmem:s1] =	stream.indirect.scatter.add.f32 [tilespmem:s18], [sflag:$0x3], $0x80, s22, s17, $0xb8;
	[tilespmem:$0x1C200] =	vst v63  }
0x27: {  	s26 =	sor.u32 s26, s28;
	_ =	swait.ge [sflag:s15], $0x4000  }
0x28: {  	s26 =	sshrl.u32 s26, $0x3;
	[sflag:s15] =	ssyncset.done $0x0  }
0x29: {  	s26 =	sadd.s32 s5, s26;
	[sflag:s15] =	ssyncadd.s32 $0xFFFFC000  }
0x2a: {  	[tilespmem:s16], [sflag:$0x3] =	stream.linear.gather [hbm4b:s26+s3], $0x100, $0x38;
	[tilespmem:$0x1C200] =	vst v63  }
0x2b: {  	_ =	swait.ge [sflag:s15], $0x100  }
0x2c: {  	[sflag:s15] =	ssyncset.done $0x0  }
0x2d: {  	[sflag:s15] =	ssyncadd.s32 $0xFFFFFF00  }
0x2e: {  	[tilespmem:s18], [sflag:$0x1] =	stream.indirect.gather [hbm4b:s4+s17], $0x80, s16, s17, $0xb8;
	[tilespmem:$0x1C200] =	vst v63  }
0x2f: {  	s31 =	simm.s32 $0x40;
	s29 =	sadd.s32 $0x40, s12;
	_ =	swait.ge [sflag:s23], $0x4000  }
0x30: {  	s29 =	sand.u32 $0xFFFFF80, s29;
	s26 =	sand.u32 $0x40, s31;
	[sflag:s23] =	ssyncset.done $0x0  }
0x31: {  	s28 =	simm.s32 $0x80;
	s26 =	sadd.s32 s26, s5;
	[sflag:s23] =	ssyncadd.s32 $0xFFFFC000  }
0x32: {  	[spmem:s1] =	stream.indirect.scatter.add.f32 [tilespmem:s20], [sflag:$0x3], $0x80, s24, s17, $0xb8;
	[tilespmem:$0x1C200] =	vst v63  }
0x33: {  	s29 =	sadd.s32 s29, s26;
	s26 =	simm.s32 $0x400;
	_ =	swait.ge [sflag:s15], $0x4000  }
.LBB2_2:
0x34: {  	s29 =	sadd.s32 $0x20, s29  }
0x35: {  	[sflag:s15] =	ssyncset.done $0x0;
	s30 =	smov.u32 s28;
	s31 =	sadd.s32 $0x40, s28  }
0x36: {  	p0 =	sne.s32 s28, $0x480;
	[sflag:s15] =	ssyncadd.s32 $0xFFFFC000  }
0x37: {  	[tilespmem:s19], [sflag:$0x3] =	stream.linear.gather [hbm4b:s29+s3], $0x100, $0x38;
	[tilespmem:$0x1C200] =	vst v63  }
0x38: {  	_ =	swait.ge [sflag:s15], $0x100  }
0x39: {  	[sflag:s15] =	ssyncset.done $0x0  }
0x3a: {  	[sflag:s15] =	ssyncadd.s32 $0xFFFFFF00  }
0x3b: {  	[tilespmem:s20], [sflag:$0x2] =	stream.indirect.gather [hbm4b:s4+s17], $0x80, s19, s17, $0xb8;
	[tilespmem:$0x1C200] =	vst v63  }
0x3c: {  	_ =	swait.ge [sflag:s21], $0x4000  }
0x3d: {  	s28 =	sadd.s32 s26, s13;
	[sflag:s21] =	ssyncset.done $0x0  }
0x3e: {  	s28 =	sand.u32 $0xFFC00, s28;
	s29 =	sand.u32 $0x200, s26;
	[sflag:s21] =	ssyncadd.s32 $0xFFFFC000  }
0x3f: {  	[spmem:s1] =	stream.indirect.scatter.add.f32 [tilespmem:s18], [sflag:$0x3], $0x80, s22, s17, $0xb8;
	[tilespmem:$0x1C200] =	vst v63  }
0x40: {  	s28 =	sor.u32 s29, s28;
	_ =	swait.ge [sflag:s15], $0x4000  }
0x41: {  	s28 =	sshrl.u32 s28, $0x3;
	[sflag:s15] =	ssyncset.done $0x0  }
0x42: {  	s28 =	sadd.s32 s5, s28;
	[sflag:s15] =	ssyncadd.s32 $0xFFFFC000  }
0x43: {  	[tilespmem:s16], [sflag:$0x3] =	stream.linear.gather [hbm4b:s28+s3], $0x100, $0x38;
	[tilespmem:$0x1C200] =	vst v63  }
0x44: {  	_ =	swait.ge [sflag:s15], $0x100  }
0x45: {  	[sflag:s15] =	ssyncset.done $0x0  }
0x46: {  	[sflag:s15] =	ssyncadd.s32 $0xFFFFFF00  }
0x47: {  	[tilespmem:s18], [sflag:$0x1] =	stream.indirect.gather [hbm4b:s4+s17], $0x80, s16, s17, $0xb8;
	[tilespmem:$0x1C200] =	vst v63  }
.Ltmp0:
0x48: {  	s26 =	sadd.s32 $0x200, s26;
	_ =	swait.ge [sflag:s23], $0x4000;
	(pc) =	sbr.rel @p0 .LBB2_2-.Ltmp0, $4  }
0x49: {  	s29 =	sand.u32 $0x40, s30;
	s28 =	sadd.s32 s30, s12;
	[sflag:s23] =	ssyncset.done $0x0  }
0x4a: {  	s29 =	sadd.s32 s29, s5;
	s28 =	sand.u32 $0xFFFFF80, s28;
	[sflag:s23] =	ssyncadd.s32 $0xFFFFC000  }
0x4b: {  	[spmem:s1] =	stream.indirect.scatter.add.f32 [tilespmem:s20], [sflag:$0x3], $0x80, s24, s17, $0xb8;
	[tilespmem:$0x1C200] =	vst v63  }
0x4c: {  	s29 =	sadd.s32 s28, s29;
	s28 =	smov.u32 s31;
	_ =	swait.ge [sflag:s15], $0x4000  }
0x4d: {  	[sflag:s15] =	ssyncset.done $0x0  }
0x4e: {  	s28 =	sadd.s32 $0x20, s29;
	[sflag:s15] =	ssyncadd.s32 $0xFFFFC000  }
0x4f: {  	[tilespmem:s19], [sflag:$0x3] =	stream.linear.gather [hbm4b:s28+s3], $0x100, $0x38;
	[tilespmem:$0x1C200] =	vst v63  }
0x50: {  	_ =	swait.ge [sflag:s15], $0x100  }
0x51: {  	[sflag:s15] =	ssyncset.done $0x0  }
0x52: {  	[sflag:s15] =	ssyncadd.s32 $0xFFFFFF00  }
0x53: {  	[tilespmem:s20], [sflag:$0x2] =	stream.indirect.gather [hbm4b:s4+s17], $0x80, s19, s17, $0xb8;
	[tilespmem:$0x1C200] =	vst v63  }
0x54: {  	_ =	swait.ge [sflag:s21], $0x4000  }
0x55: {  	s30 =	sadd.s32 s26, s13;
	[sflag:s21] =	ssyncset.done $0x0  }
0x56: {  	s31 =	sand.u32 $0x200, s26;
	s28 =	sand.u32 $0xFFC00, s30;
	[sflag:s21] =	ssyncadd.s32 $0xFFFFC000  }
0x57: {  	[spmem:s1] =	stream.indirect.scatter.add.f32 [tilespmem:s18], [sflag:$0x3], $0x80, s22, s17, $0xb8;
	[tilespmem:$0x1C200] =	vst v63  }
0x58: {  	s26 =	sor.u32 s31, s28;
	_ =	swait.ge [sflag:s15], $0x4000  }
0x59: {  	s26 =	sshrl.u32 s26, $0x3;
	[sflag:s15] =	ssyncset.done $0x0  }
0x5a: {  	s26 =	sadd.s32 s5, s26;
	[sflag:s15] =	ssyncadd.s32 $0xFFFFC000  }
0x5b: {  	[tilespmem:s16], [sflag:$0x3] =	stream.linear.gather [hbm4b:s26+s3], $0x100, $0x38;
	[tilespmem:$0x1C200] =	vst v63  }
0x5c: {  	_ =	swait.ge [sflag:s15], $0x100  }
0x5d: {  	[sflag:s15] =	ssyncset.done $0x0  }
0x5e: {  	[sflag:s15] =	ssyncadd.s32 $0xFFFFFF00  }
0x5f: {  	[tilespmem:s18], [sflag:$0x1] =	stream.indirect.gather [hbm4b:s4+s17], $0x80, s16, s17, $0xb8;
	[tilespmem:$0x1C200] =	vst v63  }
0x60: {  	_ =	swait.ge [sflag:s23], $0x4000  }
0x61: {  	[sflag:s23] =	ssyncset.done $0x0  }
0x62: {  	[sflag:s23] =	ssyncadd.s32 $0xFFFFC000  }
0x63: {  	[spmem:s1] =	stream.indirect.scatter.add.f32 [tilespmem:s20], [sflag:$0x3], $0x80, s24, s17, $0xb8;
	[tilespmem:$0x1C200] =	vst v63  }
0x64: {  	_ =	swait.ge [sflag:s15], $0x4000  }
0x65: {  	[sflag:s15] =	ssyncset.done $0x0  }
0x66: {  	[sflag:s15] =	ssyncadd.s32 $0xFFFFC000  }
0x67: {  	[tilespmem:s19], [sflag:$0x3] =	stream.linear.gather [hbm4b:s11+s3], $0x100, $0x38;
	[tilespmem:$0x1C200] =	vst v63  }
0x68: {  	_ =	swait.ge [sflag:s15], $0x100  }
0x69: {  	[sflag:s15] =	ssyncset.done $0x0  }
0x6a: {  	[sflag:s15] =	ssyncadd.s32 $0xFFFFFF00  }
0x6b: {  	[tilespmem:s20], [sflag:$0x2] =	stream.indirect.gather [hbm4b:s4+s17], $0x80, s19, s17, $0xb8;
	[tilespmem:$0x1C200] =	vst v63  }
0x6c: {  	_ =	swait.ge [sflag:s21], $0x4000  }
0x6d: {  	[sflag:s21] =	ssyncset.done $0x0  }
0x6e: {  	[sflag:s21] =	ssyncadd.s32 $0xFFFFC000  }
0x6f: {  	[spmem:s1] =	stream.indirect.scatter.add.f32 [tilespmem:s18], [sflag:$0x3], $0x80, s22, s17, $0xb8;
	[tilespmem:$0x1C200] =	vst v63  }
0x70: {  	_ =	swait.ge [sflag:s15], $0x4000  }
0x71: {  	[sflag:s15] =	ssyncset.done $0x0  }
0x72: {  	[sflag:s15] =	ssyncadd.s32 $0xFFFFC000  }
0x73: {  	_ =	swait.ge [sflag:s23], $0x4000  }
0x74: {  	[sflag:s23] =	ssyncset.done $0x0  }
0x75: {  	[sflag:s23] =	ssyncadd.s32 $0xFFFFC000  }
0x76: {  	[spmem:s1] =	stream.indirect.scatter.add.f32 [tilespmem:s20], [sflag:$0x3], $0x80, s24, s17, $0xb8;
	[tilespmem:$0x1C200] =	vst v63  }
0x77: {  	_ =	swait.ge [sflag:s15], $0x4000  }
0x78: {  	s25 =	sadd.s32 $0x1, s25;
	[sflag:s15] =	ssyncset.done $0x0  }
0x79: {  	p0 =	sne.s32 s25, s10;
	[sflag:s15] =	ssyncadd.s32 $0xFFFFC000  }
.Ltmp1:
0x7a: {  	[bflag:$0x0] =	sbarrier.arrive $0xFFFF;
	(pc) =	sbr.rel @p0 .LBB2_1-.Ltmp1, $4  }
0x7b: {  	[hbm:s9], [sflag:s7] =	dma.local [spmem:s14], $0x2800  }
0x7c: {  	_ =	swait.ge [sflag:s15], $0x2800  }
0x7d: {  	[sflag:s15] =	ssyncset.done $0x0  }
0x7e: {  	[sflag:s15] =	ssyncadd.s32 $0xFFFFD800  }
0x7f: {  	_ =	sfence.sel $0x180000  }
0x80: {  	[bflag:$0x0] =	sbarrier.arrive $0xFFFF  }
0x81: {  	p0 =	sne.s32 s2, $0x0;
	_ =	strace $0x90000056  }
0x82: {  	s0 =	sadd.s32 @!p0 $0x100000, s0;
	[bflag:$0x2] =	sbarrier.arrive $0xFFFF  }
0x83: {  	[sflag:s0] =	ssyncadd.tile.s32 @!p0 $0x1;
	_ =	shalt  }
.Lfunc_end2:
_tile_overlayer_lowered:
.L_overlay_start_2:
0x84: {  	(tag) =	ssettag $0x2  }
0x85: {  	s0 =	rddreg [dreg:$0x0];
	s2 =	stileid.u32  }
0x86: {  	s1 =	rddreg [dreg:$0x1];
	p0 =	sne.s32 s2, $0x0  }
0x87: {  	s3 =	rddreg [dreg:$0x2];
	[bflag:$0x3] =	sbarrier.arrive $0xFFFF;
	s2 =	simm.s32 @!p0 $0x1C03  }
0x88: {  	[timem:s3], [sflag:s2] =	dma.local @!p0 [hbm:s0], s1  }
0x89: {  	s0 =	simm.s32 @!p0 $0x3  }
0x8a: {  	_ =	swait.ge @!p0 [sflag:s0], s1  }
0x8b: {  	s1 =	ssub.s32 @!p0 $0x0, s1;
	[sflag:s0] =	ssyncset.done @!p0 $0x0  }
0x8c: {  	[sflag:s0] =	ssyncadd.s32 @!p0 s1  }
0x8d: {  	[bflag:$0x3] =	sbarrier.arrive $0xFFFF  }
0x8e: {  	_ =	shalt  }

// kernel: kernel.14.cloned.1.call-start
scs
__scs_entry_jumppad:
0x0: {  	(pc) =	sbr.rel $0x88, $3  }
0x1: {  	(tag) =	ssettag $0x0;
	lr =	simm.s32 $0x1  }
0x2: {  	[smem:$0x3F99] =	sst lr;
	_ =	strace $0xD0000000  }
0x3: {  	_ = 	snop  }
0x4: {  	_ = 	snop  }
0x5: {  	_ = 	snop  }
0x6: {  	_ = 	snop  }
0x7: {  	_ = 	snop  }
__scs_overlays_trampoline_lowered:
0x8: {  	[smem:$0x3FA8] =	sst s0  }
0x9: {  	[smem:$0x3FA9] =	sst s1  }
0xa: {  	[smem:$0x3FAA] =	sst s2  }
0xb: {  	[smem:$0x3FAB] =	sst s3  }
0xc: {  	[smem:$0x3FAC] =	sst s4  }
0xd: {  	[smem:$0x3FAD] =	sst s5  }
0xe: {  	[smem:$0x3FAE] =	sst s6  }
0xf: {  	[smem:$0x3FAF] =	sst s7  }
0x10: {  	[smem:$0x3FB0] =	sst s8  }
0x11: {  	[smem:$0x3FB1] =	sst s9;
	s0 =	simm.s32 @!p0 $0x0  }
0x12: {  	s1 =	sld [smem:$0x3F97];
	s0 =	simm.s32 @p0 $0x1  }
0x13: {  	[smem:$0x3FB2] =	sst s0;
	s0 =	simm.s32 @!p1 $0x0  }
0x14: {  	s2 =	sld [smem:$0x3F96];
	s0 =	simm.s32 @p1 $0x1  }
0x15: {  	[smem:$0x3FB3] =	sst s0;
	s0 =	simm.s32 @!p2 $0x0  }
0x16: {  	s3 =	sld [smem:$0x3FDB];
	s0 =	simm.s32 @p2 $0x1  }
0x17: {  	s4 =	simm.s32 $0x1BF5;
	[smem:$0x3FB5] =	sst s0  }
0x18: {  	s0 =	sld [smem:$0x3F98];
	_ =	swait.ge [sflag:s4], $0x0  }
0x19: {  	s7 =	sld [smem:$0x3F99]  }
0x1a: {  	s8 =	sadd.s32 $0xFFFFE003, lr  }
0x1b: {  	s9 =	sadd.s32 $0xFFFFFEF7, lr;
	s5 =	simm.s32 $0xFFFFFFFF;
	p2 =	slt.u32 s8, $0xFFFFF086  }
0x1c: {  	p1 =	slt.u32 s9, $0xF7A;
	s5 =	simm.s32 @!p2 $0x0  }
0x1d: {  	s5 =	simm.s32 @p1 $0x1;
	p0 =	seq.s32 s7, s2  }
0x1e: {  	s7 =	smul.u32 @!p0 $0xF7A, s2;
	p2 =	seq.s32 @!p0 s5, $0x0  }
0x1f: {  	s9 =	smul.u32 $0xF7A, s1;
	s8 =	simm.s32 @!p0 $0x1BF5;
	p2 =	por !p2, p0  }
0x20: {  	[sflag:s8] =	ssyncset.s32 @!p0 $0xFFFFF086;
	s6 =	sadd.s32 @!p0 s3, s7;
	s7 =	simm.s32 @!p0 $0x108  }
0x21: {  	s3 =	sadd.s32 s3, s9;
	s6 =	sadd.s32 @!p0 $0x88, s6;
	s7 =	simm.s32 @p2 $0x1082  }
0x22: {  	[simem:s7], [sflag:s8] =	dma.local @!p0 [hbm:s6], $0xF7A  }
0x23: {  	s9 =	sor.u32 $0xD0000000, s2;
	s6 =	simm.s32 $0x108;
	_ =	swait.ge @!p0 [sflag:s8], $0x0  }
0x24: {  	s3 =	sadd.s32 $0x88, s3;
	s6 =	simm.s32 @!p1 $0x1082;
	[sflag:s4] =	ssyncset.s32 $0xFFFFF086  }
0x25: {  	[simem:s6], [sflag:s4] =	dma.local [hbm:s3], $0xF7A  }
0x26: {  	[smem:$0x3F99] =	sst s1;
	(tag) =	ssettag s2;
	_ =	strace s9  }
0x27: {  	s1 =	sld [smem:$0x3FA9]  }
0x28: {  	s2 =	sld [smem:$0x3FAA]  }
0x29: {  	s4 =	sld [smem:$0x3FAC]  }
0x2a: {  	p0 =	seq.s32 s5, $0x0;
	s5 =	sld [smem:$0x3FAD]  }
0x2b: {  	s6 =	sld [smem:$0x3FAE]  }
0x2c: {  	s7 =	sld [smem:$0x3FAF]  }
0x2d: {  	s3 =	simm.s32 $0x108;
	s8 =	sld [smem:$0x3FB0]  }
0x2e: {  	s3 =	simm.s32 @!p0 $0x1082;
	s9 =	sld [smem:$0x3FB1]  }
0x2f: {  	lr =	sadd.s32 s0, s3;
	s0 =	sld [smem:$0x3FA8]  }
0x30: {  	s3 =	sld [smem:$0x3FAB]  }
0x31: {  	[smem:$0x3FB4] =	sst s10  }
0x32: {  	s10 =	sld [smem:$0x3FB2];
	_ =	sdelay $0x3  }
0x33: {  	p0 =	seq.s32 s10, $0x1;
	s10 =	sld [smem:$0x3FB4];
	_ =	sdelay $0x3  }
0x34: {  	[smem:$0x3FB4] =	sst s10  }
0x35: {  	s10 =	sld [smem:$0x3FB3];
	_ =	sdelay $0x3  }
0x36: {  	p1 =	seq.s32 s10, $0x1;
	s10 =	sld [smem:$0x3FB4];
	_ =	sdelay $0x3  }
0x37: {  	[smem:$0x3FB4] =	sst s10  }
0x38: {  	s10 =	sld [smem:$0x3FB5]  }
0x39: {  	_ = 	snop;
	(pc) =	sbr.ind lr, $3  }
0x3a: {  	_ = 	snop  }
0x3b: {  	_ = 	snop  }
0x3c: {  	p2 =	seq.s32 s10, $0x1;
	s10 =	sld [smem:$0x3FB4]  }
0x3d: {  	_ =	shalt  }
0x3e: {  	_ =	shalt  }
0x3f: {  	_ =	shalt  }
0x40: {  	_ =	shalt  }
0x41: {  	_ =	shalt  }
0x42: {  	_ =	shalt  }
0x43: {  	_ =	shalt  }
0x44: {  	_ =	shalt  }
0x45: {  	_ =	shalt  }
0x46: {  	_ =	shalt  }
0x47: {  	_ =	shalt  }
0x48: {  	_ =	shalt  }
0x49: {  	_ =	shalt  }
0x4a: {  	_ =	shalt  }
0x4b: {  	_ =	shalt  }
0x4c: {  	_ =	shalt  }
0x4d: {  	_ =	shalt  }
0x4e: {  	_ =	shalt  }
0x4f: {  	_ =	shalt  }
0x50: {  	_ =	shalt  }
0x51: {  	_ =	shalt  }
0x52: {  	_ =	shalt  }
0x53: {  	_ =	shalt  }
0x54: {  	_ =	shalt  }
0x55: {  	_ =	shalt  }
0x56: {  	_ =	shalt  }
0x57: {  	_ =	shalt  }
0x58: {  	_ =	shalt  }
0x59: {  	_ =	shalt  }
0x5a: {  	_ =	shalt  }
0x5b: {  	_ =	shalt  }
0x5c: {  	_ =	shalt  }
0x5d: {  	_ =	shalt  }
0x5e: {  	_ =	shalt  }
0x5f: {  	_ =	shalt  }
0x60: {  	_ =	shalt  }
0x61: {  	_ =	shalt  }
0x62: {  	_ =	shalt  }
0x63: {  	_ =	shalt  }
0x64: {  	_ =	shalt  }
0x65: {  	_ =	shalt  }
0x66: {  	_ =	shalt  }
0x67: {  	_ =	shalt  }
0x68: {  	_ =	shalt  }
0x69: {  	_ =	shalt  }
0x6a: {  	_ =	shalt  }
0x6b: {  	_ =	shalt  }
0x6c: {  	_ =	shalt  }
0x6d: {  	_ =	shalt  }
0x6e: {  	_ =	shalt  }
0x6f: {  	_ =	shalt  }
0x70: {  	_ =	shalt  }
0x71: {  	_ =	shalt  }
0x72: {  	_ =	shalt  }
0x73: {  	_ =	shalt  }
0x74: {  	_ =	shalt  }
0x75: {  	_ =	shalt  }
0x76: {  	_ =	shalt  }
0x77: {  	_ =	shalt  }
0x78: {  	_ =	shalt  }
0x79: {  	_ =	shalt  }
0x7a: {  	_ =	shalt  }
0x7b: {  	_ =	shalt  }
0x7c: {  	_ =	shalt  }
0x7d: {  	_ =	shalt  }
0x7e: {  	_ =	shalt  }
0x7f: {  	_ =	shalt  }
0x80: {  	_ =	shalt  }
0x81: {  	_ =	shalt  }
0x82: {  	_ =	shalt  }
0x83: {  	_ =	shalt  }
0x84: {  	_ =	shalt  }
0x85: {  	_ =	shalt  }
0x86: {  	_ =	shalt  }
0x87: {  	_ =	shalt  }
.Lfunc_end0:
.L_simem_size_0:
called_computation.6_lowered:
.L_overlay_start_0:
0x88: {  	s2 =	sld [smem:$0x3FD9]  }
0x89: {  	s3 =	sld [smem:$0x3FFE];
	_ =	sdelay $0x1  }
0x8a: {  	s1 =	srdreg.scid  }
0x8b: {  	s0 =	sand.u32 $0x1, s1  }
0x8c: {  	s17 =	sshll.u32 s0, $0xA;
	s2 =	sadd.s32 s3, s2  }
0x8d: {  	s2 =	sadd.s32 s2, s17  }
0x8e: {  	[smem:$0x3FC0] =	sst s2  }
0x8f: {  	_ = 	snop  }
0x90: {  	s2 =	sld [smem:$0x3FD0];
	(tm) =	ssettm $0x1  }
0x91: {  	s18 =	sld [smem:$0x3FFB];
	_ =	sdelay $0x3  }
0x92: {  	_ =	strace s18  }
0x93: {  	s3 =	sld [smem:$0x3FFC];
	_ =	sdelay $0x3  }
0x94: {  	_ =	strace s3  }
0x95: {  	s3 =	sld [smem:$0x3FFD];
	_ =	sdelay $0x3  }
0x96: {  	_ =	strace s3  }
0x97: {  	_ =	strace $0x8FFFFFFF  }
0x98: {  	s19 =	sld [smem:$0x3FDB];
	_ =	sdelay $0x1  }
0x99: {  	s4 =	simm.s32 $_scs_section_size  }
0x9a: {  	s5 =	simm.s32 $_size__tile_overlayer_lowered;
	s6 =	simm.s32 $_tile_overlayer_lowered  }
0x9b: {  	s22 =	simm.s32 $0x1BFF;
	s21 =	sshll.u32 s6, $0x1;
	s3 =	sadd.s32 s4, s19  }
0x9c: {  	s7 =	simm.s32 $0x0;
	s20 =	sshll.u32 s5, $0x1;
	s5 =	sadd.s32 s21, s3  }
0x9d: {  	[timem:s7], [sflag:s22] =	dma.local [hbm:s5], s20  }
0x9e: {  	_ =	swait.ge [sflag:s22], s20  }
0x9f: {  	s4 =	ssub.s32 $0x0, s20;
	[sflag:s22] =	ssyncset.done $0x0  }
0xa0: {  	[sflag:s22] =	ssyncadd.s32 s4;
	_ =	sdelay $0x1  }
0xa1: {  	s23 =	simm.s32 $0x1B8B  }
0xa2: {  	_ =	swait.ge [sflag:s23], $0x1  }
0xa3: {  	[sflag:s23] =	ssyncset.done $0x0  }
0xa4: {  	s25 =	simm.s32 $0x1B8E;
	s24 =	sld [smem:$0x3FFE];
	[sflag:s23] =	ssyncadd.s32 $0xFFFFFFFF  }
0xa5: {  	s26 =	simm.s32 $execute0_lowered;
	[smem:$0x3FD2] =	sst s25  }
0xa6: {  	s5 =	sshll.u32 s26, $0x1;
	_ =	strace $0x80000058;
	[dreg:$0x1] =	wrdreg $0xFFFFFFFF  }
0xa7: {  	s28 =	simm.s32 $_size_execute0_lowered;
	s3 =	sadd.s32 s3, s5;
	[dreg:$0x0] =	wrdreg $0x0  }
0xa8: {  	s5 =	sshll.u32 s28, $0x1;
	[dreg:$0x2] =	wrdreg s3  }
0xa9: {  	[dreg:$0x3] =	wrdreg s5  }
0xaa: {  	[dreg:$0x4] =	wrdreg $0xC0  }
0xab: {  	_ =	task [dreg:s7], $0x5FFFF  }
0xac: {  	[dreg:$0x1] =	wrdreg $0xFFFFFFFF  }
0xad: {  	[dreg:$0x0] =	wrdreg $0x60  }
0xae: {  	[dreg:$0x2] =	wrdreg s24  }
0xaf: {  	[dreg:$0x3] =	wrdreg s2  }
0xb0: {  	[dreg:$0x4] =	wrdreg $0x0  }
0xb1: {  	[dreg:$0x5] =	wrdreg $0x9  }
0xb2: {  	_ =	task.clear_ibuf [dreg:s7], $0x6FFFF;
	_ =	strace $0x90000058  }
0xb3: {  	s29 =	simm.s32 $0x9;
	_ =	strace $0x8000005A  }
0xb4: {  	_ =	swait.ge [sflag:s29], $0x1  }
0xb5: {  	[sflag:s29] =	ssyncadd.s32 $0xFFFFFFFF  }
0xb6: {  	_ =	strace $0x9000005A  }
0xb7: {  	_ =	sfence  }
0xb8: {  	s30 =	sld [smem:$0x0];
	_ =	sdelay $0x2  }
0xb9: {  	s31 =	sshll.u32 s1, $0xD;
	s1 =	sshrl.u32 s1, $0x2  }
0xba: {  	s3 =	sand.u32 $0x4000, s31;
	s1 =	sadd.s32 s1, s30  }
0xbb: {  	s0 =	sor.u32 s3, s0;
	s1 =	sshll.u32 s1, $0x11  }
0xbc: {  	s0 =	sor.u32 s1, s0  }
0xbd: {  	s0 =	sadd.s32 $0x8F2B, s0  }
0xbe: {  	[sflag:s0] =	ssyncadd.remote.s32 $0x1  }
0xbf: {  	_ =	sfence.sel $0xFFFF  }
0xc0: {  	[dreg:$0x0] =	wrdreg $0xFFFFFFFF;
	(pc) =	sbr.abs _section_cstart, $3  }
0xc1: {  	[dreg:$0x1] =	wrdreg $0xFFFFFFFF  }
0xc2: {  	_ =	task.clear_ibuf [dreg:s7], $0x2FFFF;
	_ =	strace $0x9FFFFFFF  }
0xc3: {  	(tm) =	ssettm $0x7FFFFFFF  }
tec
execute0_lowered:
.L_overlay_start_1:
0x0: {  	(tag) =	ssettag $0x1  }
0x1: {  	s7 =	rddreg [dreg:$0x0]  }
0x2: {  	s1 =	rddreg [dreg:$0x1]  }
0x3: {  	s3 =	rddreg [dreg:$0x2]  }
0x4: {  	s0 =	rddreg [dreg:$0x3]  }
0x5: {  	s4 =	simm.s32 $0x0;
	s5 =	srdreg.scid;
	s2 =	stileid.u32  }
0x6: {  	s18 =	simm.s32 $0x14200;
	s19 =	simm.s32 $0x14100;
	s20 =	simm.s32 $0x18200  }
0x7: {  	s21 =	simm.s32 $0x1;
	s22 =	simm.s32 $0x14080;
	s9 =	smul.u32 $0x2800, s2  }
0x8: {  	s23 =	simm.s32 $0x2;
	s24 =	simm.s32 $0x14180;
	s12 =	smul.u32 $0x50000, s2  }
0x9: {  	s25 =	simm.s32 $0x0;
	[smem:$0x7FF] =	sst s4;
	s14 =	smul.u32 $0xA00, s2  }
0xa: {  	s8 =	sand.u32 $0x1, s5;
	s6 =	sshll.u32 s2, $0x1;
	s15 =	smul.u32 $0x5000, s2  }
0xb: {  	s5 =	sadd.s32 $0x2400, s7;
	s31 =	sshll.u32 s2, $0x6;
	s10 =	smul.u32 $0x28000, s8  }
0xc: {  	_ =	strace $0x80000059;
	s11 =	sor.u32 s8, s6;
	s29 =	smul.u32 $0x500, s8  }
0xd: {  	s6 =	sadd.s32 $0x30600, s7;
	s13 =	ssub.s32 $0x2, s8;
	s17 =	smul.u32 $0x2800, s8  }
0xe: {  	s11 =	smul.u32 $0x500, s11;
	s28 =	sshrl.u32 s13, $0x1;
	s30 =	sshrl.u32 s12, $0x2  }
0xf: {  	s9 =	sadd.s32 s9, s10;
	s10 =	ssub.s32 s13, s28;
	s16 =	sadd.s32 s30, s3  }
0x10: {  	s12 =	sadd.s32 s29, s14;
	s13 =	sadd.s32 s17, s15;
	s15 =	simm.s32 $0x3  }
0x11: {  	s17 =	simm.s32 $0x80;
	s9 =	sadd.s32 s9, s7;
	s7 =	sor.u32 $0x1C03, s31  }
0x12: {  	s8 =	sadd.s32 s1, s11;
	s10 =	smax.u32 s10, $0x1;
	s14 =	sshrl.u32 s16, $0x3  }
0x13: {  	s16 =	simm.s32 $0x14000;
	s9 =	sadd.s32 $0x82E00, s9;
	s11 =	sadd.s32 $0x4E0, s8  }
.LBB2_1:
0x14: {  	[spmem:s14], [sflag:s7] =	dma.local [hbm:s6], $0x2800  }
0x15: {  	_ =	swait.ge [sflag:s15], $0x2800  }
0x16: {  	[sflag:s15] =	ssyncset.done $0x0  }
0x17: {  	[sflag:s15] =	ssyncadd.s32 $0xFFFFD800  }
0x18: {  	[bflag:$0x0] =	sbarrier.arrive $0xFFFF  }
0x19: {  	[tilespmem:s16], [sflag:$0x3] =	stream.linear.gather [hbm4b:s8+s4], $0x100, $0x38;
	[tilespmem:$0x1C200] =	vst v63  }
0x1a: {  	s26 =	sadd.s32 $0x0, s12;
	s28 =	sand.u32 $0x40, s4;
	_ =	swait.ge [sflag:s15], $0x100  }
0x1b: {  	s26 =	sand.u32 $0xFFFFF80, s26;
	s28 =	sadd.s32 s28, s1;
	[sflag:s15] =	ssyncset.done $0x0  }
0x1c: {  	s26 =	sadd.s32 s26, s28;
	[sflag:s15] =	ssyncadd.s32 $0xFFFFFF00  }
0x1d: {  	[tilespmem:s18], [sflag:$0x1] =	stream.indirect.gather [hbm4b:s5+s17], $0x80, s16, s17, $0xb8;
	[tilespmem:$0x1C200] =	vst v63  }
0x1e: {  	s26 =	sadd.s32 $0x20, s26  }
0x1f: {  	[tilespmem:s19], [sflag:$0x3] =	stream.linear.gather [hbm4b:s26+s4], $0x100, $0x38;
	[tilespmem:$0x1C200] =	vst v63  }
0x20: {  	_ =	swait.ge [sflag:s15], $0x100  }
0x21: {  	[sflag:s15] =	ssyncset.done $0x0  }
0x22: {  	[sflag:s15] =	ssyncadd.s32 $0xFFFFFF00  }
0x23: {  	[tilespmem:s20], [sflag:$0x2] =	stream.indirect.gather [hbm4b:s5+s17], $0x80, s19, s17, $0xb8;
	[tilespmem:$0x1C200] =	vst v63  }
0x24: {  	_ =	swait.ge [sflag:s21], $0x4000  }
0x25: {  	s30 =	simm.s32 $0x200;
	s28 =	sadd.s32 $0x200, s13;
	[sflag:s21] =	ssyncset.done $0x0  }
0x26: {  	s28 =	sand.u32 $0xFFC00, s28;
	s26 =	sand.u32 $0x200, s30;
	[sflag:s21] =	ssyncadd.s32 $0xFFFFC000  }
0x27: {  	[spmem:s3] =	stream.indirect.scatter.add.f32 [tilespmem:s18], [sflag:$0x3], $0x80, s22, s17, $0xb8;
	[tilespmem:$0x1C200] =	vst v63  }
0x28: {  	s26 =	sor.u32 s26, s28;
	_ =	swait.ge [sflag:s15], $0x4000  }
0x29: {  	s26 =	sshrl.u32 s26, $0x3;
	[sflag:s15] =	ssyncset.done $0x0  }
0x2a: {  	s26 =	sadd.s32 s1, s26;
	[sflag:s15] =	ssyncadd.s32 $0xFFFFC000  }
0x2b: {  	[tilespmem:s16], [sflag:$0x3] =	stream.linear.gather [hbm4b:s26+s4], $0x100, $0x38;
	[tilespmem:$0x1C200] =	vst v63  }
0x2c: {  	_ =	swait.ge [sflag:s15], $0x100  }
0x2d: {  	[sflag:s15] =	ssyncset.done $0x0  }
0x2e: {  	[sflag:s15] =	ssyncadd.s32 $0xFFFFFF00  }
0x2f: {  	[tilespmem:s18], [sflag:$0x1] =	stream.indirect.gather [hbm4b:s5+s17], $0x80, s16, s17, $0xb8;
	[tilespmem:$0x1C200] =	vst v63  }
0x30: {  	s31 =	simm.s32 $0x40;
	s29 =	sadd.s32 $0x40, s12;
	_ =	swait.ge [sflag:s23], $0x4000  }
0x31: {  	s29 =	sand.u32 $0xFFFFF80, s29;
	s26 =	sand.u32 $0x40, s31;
	[sflag:s23] =	ssyncset.done $0x0  }
0x32: {  	s28 =	simm.s32 $0x80;
	s26 =	sadd.s32 s26, s1;
	[sflag:s23] =	ssyncadd.s32 $0xFFFFC000  }
0x33: {  	[spmem:s3] =	stream.indirect.scatter.add.f32 [tilespmem:s20], [sflag:$0x3], $0x80, s24, s17, $0xb8;
	[tilespmem:$0x1C200] =	vst v63  }
0x34: {  	s29 =	sadd.s32 s29, s26;
	s26 =	simm.s32 $0x400;
	_ =	swait.ge [sflag:s15], $0x4000  }
.LBB2_2:
0x35: {  	s29 =	sadd.s32 $0x20, s29  }
0x36: {  	[sflag:s15] =	ssyncset.done $0x0;
	s30 =	smov.u32 s28;
	s31 =	sadd.s32 $0x40, s28  }
0x37: {  	p0 =	sne.s32 s28, $0x480;
	[sflag:s15] =	ssyncadd.s32 $0xFFFFC000  }
0x38: {  	[tilespmem:s19], [sflag:$0x3] =	stream.linear.gather [hbm4b:s29+s4], $0x100, $0x38;
	[tilespmem:$0x1C200] =	vst v63  }
0x39: {  	_ =	swait.ge [sflag:s15], $0x100  }
0x3a: {  	[sflag:s15] =	ssyncset.done $0x0  }
0x3b: {  	[sflag:s15] =	ssyncadd.s32 $0xFFFFFF00  }
0x3c: {  	[tilespmem:s20], [sflag:$0x2] =	stream.indirect.gather [hbm4b:s5+s17], $0x80, s19, s17, $0xb8;
	[tilespmem:$0x1C200] =	vst v63  }
0x3d: {  	_ =	swait.ge [sflag:s21], $0x4000  }
0x3e: {  	s28 =	sadd.s32 s26, s13;
	[sflag:s21] =	ssyncset.done $0x0  }
0x3f: {  	s28 =	sand.u32 $0xFFC00, s28;
	s29 =	sand.u32 $0x200, s26;
	[sflag:s21] =	ssyncadd.s32 $0xFFFFC000  }
0x40: {  	[spmem:s3] =	stream.indirect.scatter.add.f32 [tilespmem:s18], [sflag:$0x3], $0x80, s22, s17, $0xb8;
	[tilespmem:$0x1C200] =	vst v63  }
0x41: {  	s28 =	sor.u32 s29, s28;
	_ =	swait.ge [sflag:s15], $0x4000  }
0x42: {  	s28 =	sshrl.u32 s28, $0x3;
	[sflag:s15] =	ssyncset.done $0x0  }
0x43: {  	s28 =	sadd.s32 s1, s28;
	[sflag:s15] =	ssyncadd.s32 $0xFFFFC000  }
0x44: {  	[tilespmem:s16], [sflag:$0x3] =	stream.linear.gather [hbm4b:s28+s4], $0x100, $0x38;
	[tilespmem:$0x1C200] =	vst v63  }
0x45: {  	_ =	swait.ge [sflag:s15], $0x100  }
0x46: {  	[sflag:s15] =	ssyncset.done $0x0  }
0x47: {  	[sflag:s15] =	ssyncadd.s32 $0xFFFFFF00  }
0x48: {  	[tilespmem:s18], [sflag:$0x1] =	stream.indirect.gather [hbm4b:s5+s17], $0x80, s16, s17, $0xb8;
	[tilespmem:$0x1C200] =	vst v63  }
.Ltmp0:
0x49: {  	s26 =	sadd.s32 $0x200, s26;
	_ =	swait.ge [sflag:s23], $0x4000;
	(pc) =	sbr.rel @p0 .LBB2_2-.Ltmp0, $4  }
0x4a: {  	s29 =	sand.u32 $0x40, s30;
	s28 =	sadd.s32 s30, s12;
	[sflag:s23] =	ssyncset.done $0x0  }
0x4b: {  	s29 =	sadd.s32 s29, s1;
	s28 =	sand.u32 $0xFFFFF80, s28;
	[sflag:s23] =	ssyncadd.s32 $0xFFFFC000  }
0x4c: {  	[spmem:s3] =	stream.indirect.scatter.add.f32 [tilespmem:s20], [sflag:$0x3], $0x80, s24, s17, $0xb8;
	[tilespmem:$0x1C200] =	vst v63  }
0x4d: {  	s29 =	sadd.s32 s28, s29;
	s28 =	smov.u32 s31;
	_ =	swait.ge [sflag:s15], $0x4000  }
0x4e: {  	[sflag:s15] =	ssyncset.done $0x0  }
0x4f: {  	s28 =	sadd.s32 $0x20, s29;
	[sflag:s15] =	ssyncadd.s32 $0xFFFFC000  }
0x50: {  	[tilespmem:s19], [sflag:$0x3] =	stream.linear.gather [hbm4b:s28+s4], $0x100, $0x38;
	[tilespmem:$0x1C200] =	vst v63  }
0x51: {  	_ =	swait.ge [sflag:s15], $0x100  }
0x52: {  	[sflag:s15] =	ssyncset.done $0x0  }
0x53: {  	[sflag:s15] =	ssyncadd.s32 $0xFFFFFF00  }
0x54: {  	[tilespmem:s20], [sflag:$0x2] =	stream.indirect.gather [hbm4b:s5+s17], $0x80, s19, s17, $0xb8;
	[tilespmem:$0x1C200] =	vst v63  }
0x55: {  	_ =	swait.ge [sflag:s21], $0x4000  }
0x56: {  	s30 =	sadd.s32 s26, s13;
	[sflag:s21] =	ssyncset.done $0x0  }
0x57: {  	s31 =	sand.u32 $0x200, s26;
	s28 =	sand.u32 $0xFFC00, s30;
	[sflag:s21] =	ssyncadd.s32 $0xFFFFC000  }
0x58: {  	[spmem:s3] =	stream.indirect.scatter.add.f32 [tilespmem:s18], [sflag:$0x3], $0x80, s22, s17, $0xb8;
	[tilespmem:$0x1C200] =	vst v63  }
0x59: {  	s26 =	sor.u32 s31, s28;
	_ =	swait.ge [sflag:s15], $0x4000  }
0x5a: {  	s26 =	sshrl.u32 s26, $0x3;
	[sflag:s15] =	ssyncset.done $0x0  }
0x5b: {  	s26 =	sadd.s32 s1, s26;
	[sflag:s15] =	ssyncadd.s32 $0xFFFFC000  }
0x5c: {  	[tilespmem:s16], [sflag:$0x3] =	stream.linear.gather [hbm4b:s26+s4], $0x100, $0x38;
	[tilespmem:$0x1C200] =	vst v63  }
0x5d: {  	_ =	swait.ge [sflag:s15], $0x100  }
0x5e: {  	[sflag:s15] =	ssyncset.done $0x0  }
0x5f: {  	[sflag:s15] =	ssyncadd.s32 $0xFFFFFF00  }
0x60: {  	[tilespmem:s18], [sflag:$0x1] =	stream.indirect.gather [hbm4b:s5+s17], $0x80, s16, s17, $0xb8;
	[tilespmem:$0x1C200] =	vst v63  }
0x61: {  	_ =	swait.ge [sflag:s23], $0x4000  }
0x62: {  	[sflag:s23] =	ssyncset.done $0x0  }
0x63: {  	[sflag:s23] =	ssyncadd.s32 $0xFFFFC000  }
0x64: {  	[spmem:s3] =	stream.indirect.scatter.add.f32 [tilespmem:s20], [sflag:$0x3], $0x80, s24, s17, $0xb8;
	[tilespmem:$0x1C200] =	vst v63  }
0x65: {  	_ =	swait.ge [sflag:s15], $0x4000  }
0x66: {  	[sflag:s15] =	ssyncset.done $0x0  }
0x67: {  	[sflag:s15] =	ssyncadd.s32 $0xFFFFC000  }
0x68: {  	[tilespmem:s19], [sflag:$0x3] =	stream.linear.gather [hbm4b:s11+s4], $0x100, $0x38;
	[tilespmem:$0x1C200] =	vst v63  }
0x69: {  	_ =	swait.ge [sflag:s15], $0x100  }
0x6a: {  	[sflag:s15] =	ssyncset.done $0x0  }
0x6b: {  	[sflag:s15] =	ssyncadd.s32 $0xFFFFFF00  }
0x6c: {  	[tilespmem:s20], [sflag:$0x2] =	stream.indirect.gather [hbm4b:s5+s17], $0x80, s19, s17, $0xb8;
	[tilespmem:$0x1C200] =	vst v63  }
0x6d: {  	_ =	swait.ge [sflag:s21], $0x4000  }
0x6e: {  	[sflag:s21] =	ssyncset.done $0x0  }
0x6f: {  	[sflag:s21] =	ssyncadd.s32 $0xFFFFC000  }
0x70: {  	[spmem:s3] =	stream.indirect.scatter.add.f32 [tilespmem:s18], [sflag:$0x3], $0x80, s22, s17, $0xb8;
	[tilespmem:$0x1C200] =	vst v63  }
0x71: {  	_ =	swait.ge [sflag:s15], $0x4000  }
0x72: {  	[sflag:s15] =	ssyncset.done $0x0  }
0x73: {  	[sflag:s15] =	ssyncadd.s32 $0xFFFFC000  }
0x74: {  	_ =	swait.ge [sflag:s23], $0x4000  }
0x75: {  	[sflag:s23] =	ssyncset.done $0x0  }
0x76: {  	[sflag:s23] =	ssyncadd.s32 $0xFFFFC000  }
0x77: {  	[spmem:s3] =	stream.indirect.scatter.add.f32 [tilespmem:s20], [sflag:$0x3], $0x80, s24, s17, $0xb8;
	[tilespmem:$0x1C200] =	vst v63  }
0x78: {  	_ =	swait.ge [sflag:s15], $0x4000  }
0x79: {  	s25 =	sadd.s32 $0x1, s25;
	[sflag:s15] =	ssyncset.done $0x0  }
0x7a: {  	p0 =	sne.s32 s25, s10;
	[sflag:s15] =	ssyncadd.s32 $0xFFFFC000  }
.Ltmp1:
0x7b: {  	[bflag:$0x0] =	sbarrier.arrive $0xFFFF;
	(pc) =	sbr.rel @p0 .LBB2_1-.Ltmp1, $4  }
0x7c: {  	[hbm:s9], [sflag:s7] =	dma.local [spmem:s14], $0x2800  }
0x7d: {  	_ =	swait.ge [sflag:s15], $0x2800  }
0x7e: {  	[sflag:s15] =	ssyncset.done $0x0  }
0x7f: {  	[sflag:s15] =	ssyncadd.s32 $0xFFFFD800  }
0x80: {  	_ =	sfence.sel $0x180000  }
0x81: {  	[bflag:$0x0] =	sbarrier.arrive $0xFFFF  }
0x82: {  	p0 =	sne.s32 s2, $0x0;
	_ =	strace $0x90000059  }
0x83: {  	s0 =	sadd.s32 @!p0 $0x100000, s0;
	[bflag:$0x2] =	sbarrier.arrive $0xFFFF  }
0x84: {  	[sflag:s0] =	ssyncadd.tile.s32 @!p0 $0x1;
	_ =	shalt  }
.Lfunc_end2:
_tile_overlayer_lowered:
.L_overlay_start_2:
0x85: {  	(tag) =	ssettag $0x2  }
0x86: {  	s0 =	rddreg [dreg:$0x0];
	s2 =	stileid.u32  }
0x87: {  	s1 =	rddreg [dreg:$0x1];
	p0 =	sne.s32 s2, $0x0  }
0x88: {  	s3 =	rddreg [dreg:$0x2];
	[bflag:$0x3] =	sbarrier.arrive $0xFFFF;
	s2 =	simm.s32 @!p0 $0x1C03  }
0x89: {  	[timem:s3], [sflag:s2] =	dma.local @!p0 [hbm:s0], s1  }
0x8a: {  	s0 =	simm.s32 @!p0 $0x3  }
0x8b: {  	_ =	swait.ge @!p0 [sflag:s0], s1  }
0x8c: {  	s1 =	ssub.s32 @!p0 $0x0, s1;
	[sflag:s0] =	ssyncset.done @!p0 $0x0  }
0x8d: {  	[sflag:s0] =	ssyncadd.s32 @!p0 s1  }
0x8e: {  	[bflag:$0x3] =	sbarrier.arrive $0xFFFF  }
0x8f: {  	_ =	shalt  }

// kernel: kernel.8.cloned.1.call-start
scs
__scs_entry_jumppad:
0x0: {  	(pc) =	sbr.rel $0x88, $3  }
0x1: {  	(tag) =	ssettag $0x0;
	lr =	simm.s32 $0x1  }
0x2: {  	[smem:$0x3F99] =	sst lr;
	_ =	strace $0xD0000000  }
0x3: {  	_ = 	snop  }
0x4: {  	_ = 	snop  }
0x5: {  	_ = 	snop  }
0x6: {  	_ = 	snop  }
0x7: {  	_ = 	snop  }
__scs_overlays_trampoline_lowered:
0x8: {  	[smem:$0x3FA8] =	sst s0  }
0x9: {  	[smem:$0x3FA9] =	sst s1  }
0xa: {  	[smem:$0x3FAA] =	sst s2  }
0xb: {  	[smem:$0x3FAB] =	sst s3  }
0xc: {  	[smem:$0x3FAC] =	sst s4  }
0xd: {  	[smem:$0x3FAD] =	sst s5  }
0xe: {  	[smem:$0x3FAE] =	sst s6  }
0xf: {  	[smem:$0x3FAF] =	sst s7  }
0x10: {  	[smem:$0x3FB0] =	sst s8  }
0x11: {  	[smem:$0x3FB1] =	sst s9;
	s0 =	simm.s32 @!p0 $0x0  }
0x12: {  	s1 =	sld [smem:$0x3F97];
	s0 =	simm.s32 @p0 $0x1  }
0x13: {  	[smem:$0x3FB2] =	sst s0;
	s0 =	simm.s32 @!p1 $0x0  }
0x14: {  	s2 =	sld [smem:$0x3F96];
	s0 =	simm.s32 @p1 $0x1  }
0x15: {  	[smem:$0x3FB3] =	sst s0;
	s0 =	simm.s32 @!p2 $0x0  }
0x16: {  	s3 =	sld [smem:$0x3FDB];
	s0 =	simm.s32 @p2 $0x1  }
0x17: {  	s4 =	simm.s32 $0x1BF5;
	[smem:$0x3FB5] =	sst s0  }
0x18: {  	s0 =	sld [smem:$0x3F98];
	_ =	swait.ge [sflag:s4], $0x0  }
0x19: {  	s7 =	sld [smem:$0x3F99]  }
0x1a: {  	s8 =	sadd.s32 $0xFFFFE003, lr  }
0x1b: {  	s9 =	sadd.s32 $0xFFFFFEF7, lr;
	s5 =	simm.s32 $0xFFFFFFFF;
	p2 =	slt.u32 s8, $0xFFFFF086  }
0x1c: {  	p1 =	slt.u32 s9, $0xF7A;
	s5 =	simm.s32 @!p2 $0x0  }
0x1d: {  	s5 =	simm.s32 @p1 $0x1;
	p0 =	seq.s32 s7, s2  }
0x1e: {  	s7 =	smul.u32 @!p0 $0xF7A, s2;
	p2 =	seq.s32 @!p0 s5, $0x0  }
0x1f: {  	s9 =	smul.u32 $0xF7A, s1;
	s8 =	simm.s32 @!p0 $0x1BF5;
	p2 =	por !p2, p0  }
0x20: {  	[sflag:s8] =	ssyncset.s32 @!p0 $0xFFFFF086;
	s6 =	sadd.s32 @!p0 s3, s7;
	s7 =	simm.s32 @!p0 $0x108  }
0x21: {  	s3 =	sadd.s32 s3, s9;
	s6 =	sadd.s32 @!p0 $0x88, s6;
	s7 =	simm.s32 @p2 $0x1082  }
0x22: {  	[simem:s7], [sflag:s8] =	dma.local @!p0 [hbm:s6], $0xF7A  }
0x23: {  	s9 =	sor.u32 $0xD0000000, s2;
	s6 =	simm.s32 $0x108;
	_ =	swait.ge @!p0 [sflag:s8], $0x0  }
0x24: {  	s3 =	sadd.s32 $0x88, s3;
	s6 =	simm.s32 @!p1 $0x1082;
	[sflag:s4] =	ssyncset.s32 $0xFFFFF086  }
0x25: {  	[simem:s6], [sflag:s4] =	dma.local [hbm:s3], $0xF7A  }
0x26: {  	[smem:$0x3F99] =	sst s1;
	(tag) =	ssettag s2;
	_ =	strace s9  }
0x27: {  	s1 =	sld [smem:$0x3FA9]  }
0x28: {  	s2 =	sld [smem:$0x3FAA]  }
0x29: {  	s4 =	sld [smem:$0x3FAC]  }
0x2a: {  	p0 =	seq.s32 s5, $0x0;
	s5 =	sld [smem:$0x3FAD]  }
0x2b: {  	s6 =	sld [smem:$0x3FAE]  }
0x2c: {  	s7 =	sld [smem:$0x3FAF]  }
0x2d: {  	s3 =	simm.s32 $0x108;
	s8 =	sld [smem:$0x3FB0]  }
0x2e: {  	s3 =	simm.s32 @!p0 $0x1082;
	s9 =	sld [smem:$0x3FB1]  }
0x2f: {  	lr =	sadd.s32 s0, s3;
	s0 =	sld [smem:$0x3FA8]  }
0x30: {  	s3 =	sld [smem:$0x3FAB]  }
0x31: {  	[smem:$0x3FB4] =	sst s10  }
0x32: {  	s10 =	sld [smem:$0x3FB2];
	_ =	sdelay $0x3  }
0x33: {  	p0 =	seq.s32 s10, $0x1;
	s10 =	sld [smem:$0x3FB4];
	_ =	sdelay $0x3  }
0x34: {  	[smem:$0x3FB4] =	sst s10  }
0x35: {  	s10 =	sld [smem:$0x3FB3];
	_ =	sdelay $0x3  }
0x36: {  	p1 =	seq.s32 s10, $0x1;
	s10 =	sld [smem:$0x3FB4];
	_ =	sdelay $0x3  }
0x37: {  	[smem:$0x3FB4] =	sst s10  }
0x38: {  	s10 =	sld [smem:$0x3FB5]  }
0x39: {  	_ = 	snop;
	(pc) =	sbr.ind lr, $3  }
0x3a: {  	_ = 	snop  }
0x3b: {  	_ = 	snop  }
0x3c: {  	p2 =	seq.s32 s10, $0x1;
	s10 =	sld [smem:$0x3FB4]  }
0x3d: {  	_ =	shalt  }
0x3e: {  	_ =	shalt  }
0x3f: {  	_ =	shalt  }
0x40: {  	_ =	shalt  }
0x41: {  	_ =	shalt  }
0x42: {  	_ =	shalt  }
0x43: {  	_ =	shalt  }
0x44: {  	_ =	shalt  }
0x45: {  	_ =	shalt  }
0x46: {  	_ =	shalt  }
0x47: {  	_ =	shalt  }
0x48: {  	_ =	shalt  }
0x49: {  	_ =	shalt  }
0x4a: {  	_ =	shalt  }
0x4b: {  	_ =	shalt  }
0x4c: {  	_ =	shalt  }
0x4d: {  	_ =	shalt  }
0x4e: {  	_ =	shalt  }
0x4f: {  	_ =	shalt  }
0x50: {  	_ =	shalt  }
0x51: {  	_ =	shalt  }
0x52: {  	_ =	shalt  }
0x53: {  	_ =	shalt  }
0x54: {  	_ =	shalt  }
0x55: {  	_ =	shalt  }
0x56: {  	_ =	shalt  }
0x57: {  	_ =	shalt  }
0x58: {  	_ =	shalt  }
0x59: {  	_ =	shalt  }
0x5a: {  	_ =	shalt  }
0x5b: {  	_ =	shalt  }
0x5c: {  	_ =	shalt  }
0x5d: {  	_ =	shalt  }
0x5e: {  	_ =	shalt  }
0x5f: {  	_ =	shalt  }
0x60: {  	_ =	shalt  }
0x61: {  	_ =	shalt  }
0x62: {  	_ =	shalt  }
0x63: {  	_ =	shalt  }
0x64: {  	_ =	shalt  }
0x65: {  	_ =	shalt  }
0x66: {  	_ =	shalt  }
0x67: {  	_ =	shalt  }
0x68: {  	_ =	shalt  }
0x69: {  	_ =	shalt  }
0x6a: {  	_ =	shalt  }
0x6b: {  	_ =	shalt  }
0x6c: {  	_ =	shalt  }
0x6d: {  	_ =	shalt  }
0x6e: {  	_ =	shalt  }
0x6f: {  	_ =	shalt  }
0x70: {  	_ =	shalt  }
0x71: {  	_ =	shalt  }
0x72: {  	_ =	shalt  }
0x73: {  	_ =	shalt  }
0x74: {  	_ =	shalt  }
0x75: {  	_ =	shalt  }
0x76: {  	_ =	shalt  }
0x77: {  	_ =	shalt  }
0x78: {  	_ =	shalt  }
0x79: {  	_ =	shalt  }
0x7a: {  	_ =	shalt  }
0x7b: {  	_ =	shalt  }
0x7c: {  	_ =	shalt  }
0x7d: {  	_ =	shalt  }
0x7e: {  	_ =	shalt  }
0x7f: {  	_ =	shalt  }
0x80: {  	_ =	shalt  }
0x81: {  	_ =	shalt  }
0x82: {  	_ =	shalt  }
0x83: {  	_ =	shalt  }
0x84: {  	_ =	shalt  }
0x85: {  	_ =	shalt  }
0x86: {  	_ =	shalt  }
0x87: {  	_ =	shalt  }
.Lfunc_end0:
.L_simem_size_0:
called_computation.4_lowered:
.L_overlay_start_0:
0x88: {  	s2 =	sld [smem:$0x3FD9]  }
0x89: {  	s3 =	sld [smem:$0x3FFE];
	_ =	sdelay $0x1  }
0x8a: {  	s1 =	srdreg.scid  }
0x8b: {  	s0 =	sand.u32 $0x1, s1  }
0x8c: {  	s17 =	sshll.u32 s0, $0xA;
	s2 =	sadd.s32 s3, s2  }
0x8d: {  	s2 =	sadd.s32 s2, s17  }
0x8e: {  	[smem:$0x3FC0] =	sst s2  }
0x8f: {  	_ = 	snop  }
0x90: {  	s18 =	sld [smem:$0x3FD0];
	(tm) =	ssettm $0x1  }
0x91: {  	s19 =	sld [smem:$0x3FFB];
	_ =	sdelay $0x3  }
0x92: {  	_ =	strace s19  }
0x93: {  	s2 =	sld [smem:$0x3FFC];
	_ =	sdelay $0x3  }
0x94: {  	_ =	strace s2  }
0x95: {  	s2 =	sld [smem:$0x3FFD];
	_ =	sdelay $0x3  }
0x96: {  	_ =	strace s2  }
0x97: {  	_ =	strace $0x8FFFFFFF  }
0x98: {  	s20 =	sld [smem:$0x3FDB];
	_ =	sdelay $0x1  }
0x99: {  	s4 =	simm.s32 $_scs_section_size  }
0x9a: {  	s5 =	simm.s32 $_size__tile_overlayer_lowered;
	s6 =	simm.s32 $_tile_overlayer_lowered  }
0x9b: {  	s7 =	simm.s32 $0x1BFF;
	s21 =	sshll.u32 s6, $0x1;
	s4 =	sadd.s32 s4, s20  }
0x9c: {  	s22 =	simm.s32 $0x0;
	s5 =	sshll.u32 s5, $0x1;
	s6 =	sadd.s32 s21, s4  }
0x9d: {  	[timem:s22], [sflag:s7] =	dma.local [hbm:s6], s5  }
0x9e: {  	_ =	swait.ge [sflag:s7], s5  }
0x9f: {  	s5 =	ssub.s32 $0x0, s5;
	[sflag:s7] =	ssyncset.done $0x0  }
0xa0: {  	[sflag:s7] =	ssyncadd.s32 s5;
	_ =	sdelay $0x1  }
0xa1: {  	s23 =	simm.s32 $0x1B8B  }
0xa2: {  	_ =	swait.ge [sflag:s23], $0x1  }
0xa3: {  	[sflag:s23] =	ssyncset.done $0x0  }
0xa4: {  	[sflag:s23] =	ssyncadd.s32 $0xFFFFFFFF  }
0xa5: {  	s5 =	sld [smem:$0x0]  }
0xa6: {  	s6 =	sand.u32 $0xFFFFFFFE, s1  }
0xa7: {  	p0 =	sne.s32 s1, s6  }
0xa8: {  	s6 =	sshll.u32 @p0 s6, $0xE  }
0xa9: {  	s6 =	sadd.s32 @p0 $0x11B8D, s6;
	s7 =	sshll.u32 @p0 s5, $0x11  }
0xaa: {  	s6 =	sor.u32 @p0 s7, s6  }
0xab: {  	[sflag:s6] =	ssyncadd.remote.s32 @p0 $0x1;
	_ =	sdelay $0x1  }
0xac: {  	s6 =	simm.s32 @p0 $0x1B8D  }
0xad: {  	_ =	swait.eq @p0 [sflag:s6], $0x1  }
0xae: {  	[sflag:s6] =	ssyncadd.s32 @p0 $0xFFFFFFFF  }
0xaf: {  	s7 =	sshll.u32 @!p0 s1, $0xE  }
0xb0: {  	s7 =	sor.u32 @!p0 $0x4000, s7;
	s6 =	simm.s32 @!p0 $0x1B8D  }
0xb1: {  	s5 =	sshll.u32 @!p0 s5, $0x11;
	s7 =	sadd.s32 @!p0 $0x11B8D, s7;
	_ =	swait.eq @!p0 [sflag:s6], $0x1  }
0xb2: {  	s5 =	sor.u32 @!p0 s5, s7;
	[sflag:s6] =	ssyncadd.s32 @!p0 $0xFFFFFFFF  }
0xb3: {  	s25 =	simm.s32 $0x1B8E;
	s24 =	sld [smem:$0x3FFE];
	[sflag:s5] =	ssyncadd.remote.s32 @!p0 $0x1  }
0xb4: {  	s26 =	simm.s32 $execute0_lowered;
	[smem:$0x3FD2] =	sst s25  }
0xb5: {  	s6 =	sshll.u32 s26, $0x1;
	_ =	strace $0x8000004C;
	[dreg:$0x1] =	wrdreg $0xFFFFFFFF  }
0xb6: {  	s28 =	simm.s32 $_size_execute0_lowered;
	s4 =	sadd.s32 s4, s6;
	[dreg:$0x0] =	wrdreg $0x0  }
0xb7: {  	s6 =	sshll.u32 s28, $0x1;
	[dreg:$0x2] =	wrdreg s4  }
0xb8: {  	[dreg:$0x3] =	wrdreg s6  }
0xb9: {  	[dreg:$0x4] =	wrdreg $0xC0  }
0xba: {  	_ =	task [dreg:s22], $0x5FFFF  }
0xbb: {  	[dreg:$0x1] =	wrdreg $0xFFFFFFFF  }
0xbc: {  	[dreg:$0x0] =	wrdreg $0x60  }
0xbd: {  	[dreg:$0x2] =	wrdreg s24  }
0xbe: {  	[dreg:$0x3] =	wrdreg s18  }
0xbf: {  	[dreg:$0x4] =	wrdreg $0x0  }
0xc0: {  	[dreg:$0x5] =	wrdreg $0xB  }
0xc1: {  	_ =	task.clear_ibuf [dreg:s22], $0x6FFFF;
	_ =	strace $0x9000004C  }
0xc2: {  	s29 =	simm.s32 $0xB;
	_ =	strace $0x8000004E  }
0xc3: {  	_ =	swait.ge [sflag:s29], $0x1  }
0xc4: {  	[sflag:s29] =	ssyncadd.s32 $0xFFFFFFFF  }
0xc5: {  	_ =	strace $0x9000004E  }
0xc6: {  	_ =	sfence  }
0xc7: {  	s30 =	sld [smem:$0x0];
	_ =	sdelay $0x2  }
0xc8: {  	s31 =	sshll.u32 s1, $0xD;
	s1 =	sshrl.u32 s1, $0x2  }
0xc9: {  	s4 =	sand.u32 $0x4000, s31;
	s1 =	sadd.s32 s1, s30  }
0xca: {  	s0 =	sor.u32 s4, s0;
	s1 =	sshll.u32 s1, $0x11  }
0xcb: {  	s0 =	sor.u32 s1, s0  }
0xcc: {  	s0 =	sadd.s32 $0x8F2B, s0  }
0xcd: {  	[sflag:s0] =	ssyncadd.remote.s32 $0x1  }
0xce: {  	_ =	sfence.sel $0xFFFF  }
0xcf: {  	[dreg:$0x0] =	wrdreg $0xFFFFFFFF;
	(pc) =	sbr.abs _section_cstart, $3  }
0xd0: {  	[dreg:$0x1] =	wrdreg $0xFFFFFFFF  }
0xd1: {  	_ =	task.clear_ibuf [dreg:s22], $0x2FFFF;
	_ =	strace $0x9FFFFFFF  }
0xd2: {  	(tm) =	ssettm $0x7FFFFFFF  }
0xd3: {  	_ =	shalt  }
tec
execute0_lowered:
.L_overlay_start_1:
0x0: {  	(tag) =	ssettag $0x1  }
0x1: {  	s7 =	rddreg [dreg:$0x0]  }
0x2: {  	s1 =	rddreg [dreg:$0x1]  }
0x3: {  	s3 =	rddreg [dreg:$0x2]  }
0x4: {  	s0 =	rddreg [dreg:$0x3]  }
0x5: {  	s4 =	simm.s32 $0x0;
	s5 =	srdreg.scid;
	s2 =	stileid.u32  }
0x6: {  	s18 =	simm.s32 $0x14200;
	s19 =	simm.s32 $0x14100;
	s20 =	simm.s32 $0x18200  }
0x7: {  	s21 =	simm.s32 $0x1;
	s22 =	simm.s32 $0x14080;
	s9 =	smul.u32 $0x2800, s2  }
0x8: {  	s23 =	simm.s32 $0x2;
	s24 =	simm.s32 $0x14180;
	s12 =	smul.u32 $0x50000, s2  }
0x9: {  	s25 =	simm.s32 $0x0;
	[smem:$0x7FF] =	sst s4;
	s14 =	smul.u32 $0x1400, s2  }
0xa: {  	s8 =	sand.u32 $0x1, s5;
	s6 =	sshll.u32 s2, $0x1;
	s15 =	smul.u32 $0xA000, s2  }
0xb: {  	s5 =	sadd.s32 $0x2F600, s7;
	s31 =	sshll.u32 s2, $0x6;
	s10 =	smul.u32 $0x28000, s8  }
0xc: {  	_ =	strace $0x8000004D;
	s11 =	sor.u32 s8, s6;
	s29 =	smul.u32 $0xA00, s8  }
0xd: {  	s6 =	sadd.s32 $0x30600, s7;
	s13 =	ssub.s32 $0x2, s8;
	s17 =	smul.u32 $0x5000, s8  }
0xe: {  	s11 =	smul.u32 $0xA00, s11;
	s28 =	sshrl.u32 s13, $0x1;
	s30 =	sshrl.u32 s12, $0x2  }
0xf: {  	s9 =	sadd.s32 s9, s10;
	s10 =	ssub.s32 s13, s28;
	s16 =	sadd.s32 s30, s3  }
0x10: {  	s12 =	sadd.s32 s29, s14;
	s13 =	sadd.s32 s17, s15;
	s15 =	simm.s32 $0x3  }
0x11: {  	s17 =	simm.s32 $0x80;
	s9 =	sadd.s32 s9, s7;
	s7 =	sor.u32 $0x1C03, s31  }
0x12: {  	s8 =	sadd.s32 s1, s11;
	s10 =	smax.u32 s10, $0x1;
	s14 =	sshrl.u32 s16, $0x3  }
0x13: {  	s16 =	simm.s32 $0x14000;
	s9 =	sadd.s32 $0x32E00, s9;
	s11 =	sadd.s32 $0x9E0, s8  }
.LBB2_1:
0x14: {  	[spmem:s14], [sflag:s7] =	dma.local [hbm:s6], $0x2800  }
0x15: {  	_ =	swait.ge [sflag:s15], $0x2800  }
0x16: {  	[sflag:s15] =	ssyncset.done $0x0  }
0x17: {  	[sflag:s15] =	ssyncadd.s32 $0xFFFFD800  }
0x18: {  	[bflag:$0x0] =	sbarrier.arrive $0xFFFF  }
0x19: {  	[tilespmem:s16], [sflag:$0x3] =	stream.linear.gather [hbm4b:s8+s4], $0x100, $0x38;
	[tilespmem:$0x1C200] =	vst v63  }
0x1a: {  	s26 =	sadd.s32 $0x0, s12;
	s28 =	sand.u32 $0x40, s4;
	_ =	swait.ge [sflag:s15], $0x100  }
0x1b: {  	s26 =	sand.u32 $0xFFFFF80, s26;
	s28 =	sadd.s32 s28, s1;
	[sflag:s15] =	ssyncset.done $0x0  }
0x1c: {  	s26 =	sadd.s32 s26, s28;
	[sflag:s15] =	ssyncadd.s32 $0xFFFFFF00  }
0x1d: {  	[tilespmem:s18], [sflag:$0x1] =	stream.indirect.gather [hbm4b:s5+s17], $0x80, s16, s17, $0xb8;
	[tilespmem:$0x1C200] =	vst v63  }
0x1e: {  	s26 =	sadd.s32 $0x20, s26  }
0x1f: {  	[tilespmem:s19], [sflag:$0x3] =	stream.linear.gather [hbm4b:s26+s4], $0x100, $0x38;
	[tilespmem:$0x1C200] =	vst v63  }
0x20: {  	_ =	swait.ge [sflag:s15], $0x100  }
0x21: {  	[sflag:s15] =	ssyncset.done $0x0  }
0x22: {  	[sflag:s15] =	ssyncadd.s32 $0xFFFFFF00  }
0x23: {  	[tilespmem:s20], [sflag:$0x2] =	stream.indirect.gather [hbm4b:s5+s17], $0x80, s19, s17, $0xb8;
	[tilespmem:$0x1C200] =	vst v63  }
0x24: {  	_ =	swait.ge [sflag:s21], $0x4000  }
0x25: {  	s30 =	simm.s32 $0x200;
	s28 =	sadd.s32 $0x200, s13;
	[sflag:s21] =	ssyncset.done $0x0  }
0x26: {  	s28 =	sand.u32 $0x1FFC00, s28;
	s26 =	sand.u32 $0x200, s30;
	[sflag:s21] =	ssyncadd.s32 $0xFFFFC000  }
0x27: {  	[spmem:s3] =	stream.indirect.scatter.add.f32 [tilespmem:s18], [sflag:$0x3], $0x80, s22, s17, $0xb8;
	[tilespmem:$0x1C200] =	vst v63  }
0x28: {  	s26 =	sor.u32 s26, s28;
	_ =	swait.ge [sflag:s15], $0x4000  }
0x29: {  	s26 =	sshrl.u32 s26, $0x3;
	[sflag:s15] =	ssyncset.done $0x0  }
0x2a: {  	s26 =	sadd.s32 s1, s26;
	[sflag:s15] =	ssyncadd.s32 $0xFFFFC000  }
0x2b: {  	[tilespmem:s16], [sflag:$0x3] =	stream.linear.gather [hbm4b:s26+s4], $0x100, $0x38;
	[tilespmem:$0x1C200] =	vst v63  }
0x2c: {  	_ =	swait.ge [sflag:s15], $0x100  }
0x2d: {  	[sflag:s15] =	ssyncset.done $0x0  }
0x2e: {  	[sflag:s15] =	ssyncadd.s32 $0xFFFFFF00  }
0x2f: {  	[tilespmem:s18], [sflag:$0x1] =	stream.indirect.gather [hbm4b:s5+s17], $0x80, s16, s17, $0xb8;
	[tilespmem:$0x1C200] =	vst v63  }
0x30: {  	s31 =	simm.s32 $0x40;
	s29 =	sadd.s32 $0x40, s12;
	_ =	swait.ge [sflag:s23], $0x4000  }
0x31: {  	s29 =	sand.u32 $0xFFFFF80, s29;
	s26 =	sand.u32 $0x40, s31;
	[sflag:s23] =	ssyncset.done $0x0  }
0x32: {  	s28 =	simm.s32 $0x80;
	s26 =	sadd.s32 s26, s1;
	[sflag:s23] =	ssyncadd.s32 $0xFFFFC000  }
0x33: {  	[spmem:s3] =	stream.indirect.scatter.add.f32 [tilespmem:s20], [sflag:$0x3], $0x80, s24, s17, $0xb8;
	[tilespmem:$0x1C200] =	vst v63  }
0x34: {  	s29 =	sadd.s32 s29, s26;
	s26 =	simm.s32 $0x400;
	_ =	swait.ge [sflag:s15], $0x4000  }
.LBB2_2:
0x35: {  	s29 =	sadd.s32 $0x20, s29  }
0x36: {  	[sflag:s15] =	ssyncset.done $0x0;
	s30 =	smov.u32 s28;
	s31 =	sadd.s32 $0x40, s28  }
0x37: {  	p0 =	sne.s32 s28, $0x980;
	[sflag:s15] =	ssyncadd.s32 $0xFFFFC000  }
0x38: {  	[tilespmem:s19], [sflag:$0x3] =	stream.linear.gather [hbm4b:s29+s4], $0x100, $0x38;
	[tilespmem:$0x1C200] =	vst v63  }
0x39: {  	_ =	swait.ge [sflag:s15], $0x100  }
0x3a: {  	[sflag:s15] =	ssyncset.done $0x0  }
0x3b: {  	[sflag:s15] =	ssyncadd.s32 $0xFFFFFF00  }
0x3c: {  	[tilespmem:s20], [sflag:$0x2] =	stream.indirect.gather [hbm4b:s5+s17], $0x80, s19, s17, $0xb8;
	[tilespmem:$0x1C200] =	vst v63  }
0x3d: {  	_ =	swait.ge [sflag:s21], $0x4000  }
0x3e: {  	s28 =	sadd.s32 s26, s13;
	[sflag:s21] =	ssyncset.done $0x0  }
0x3f: {  	s28 =	sand.u32 $0x1FFC00, s28;
	s29 =	sand.u32 $0x200, s26;
	[sflag:s21] =	ssyncadd.s32 $0xFFFFC000  }
0x40: {  	[spmem:s3] =	stream.indirect.scatter.add.f32 [tilespmem:s18], [sflag:$0x3], $0x80, s22, s17, $0xb8;
	[tilespmem:$0x1C200] =	vst v63  }
0x41: {  	s28 =	sor.u32 s29, s28;
	_ =	swait.ge [sflag:s15], $0x4000  }
0x42: {  	s28 =	sshrl.u32 s28, $0x3;
	[sflag:s15] =	ssyncset.done $0x0  }
0x43: {  	s28 =	sadd.s32 s1, s28;
	[sflag:s15] =	ssyncadd.s32 $0xFFFFC000  }
0x44: {  	[tilespmem:s16], [sflag:$0x3] =	stream.linear.gather [hbm4b:s28+s4], $0x100, $0x38;
	[tilespmem:$0x1C200] =	vst v63  }
0x45: {  	_ =	swait.ge [sflag:s15], $0x100  }
0x46: {  	[sflag:s15] =	ssyncset.done $0x0  }
0x47: {  	[sflag:s15] =	ssyncadd.s32 $0xFFFFFF00  }
0x48: {  	[tilespmem:s18], [sflag:$0x1] =	stream.indirect.gather [hbm4b:s5+s17], $0x80, s16, s17, $0xb8;
	[tilespmem:$0x1C200] =	vst v63  }
.Ltmp0:
0x49: {  	s26 =	sadd.s32 $0x200, s26;
	_ =	swait.ge [sflag:s23], $0x4000;
	(pc) =	sbr.rel @p0 .LBB2_2-.Ltmp0, $4  }
0x4a: {  	s29 =	sand.u32 $0x40, s30;
	s28 =	sadd.s32 s30, s12;
	[sflag:s23] =	ssyncset.done $0x0  }
0x4b: {  	s29 =	sadd.s32 s29, s1;
	s28 =	sand.u32 $0xFFFFF80, s28;
	[sflag:s23] =	ssyncadd.s32 $0xFFFFC000  }
0x4c: {  	[spmem:s3] =	stream.indirect.scatter.add.f32 [tilespmem:s20], [sflag:$0x3], $0x80, s24, s17, $0xb8;
	[tilespmem:$0x1C200] =	vst v63  }
0x4d: {  	s29 =	sadd.s32 s28, s29;
	s28 =	smov.u32 s31;
	_ =	swait.ge [sflag:s15], $0x4000  }
0x4e: {  	[sflag:s15] =	ssyncset.done $0x0  }
0x4f: {  	s28 =	sadd.s32 $0x20, s29;
	[sflag:s15] =	ssyncadd.s32 $0xFFFFC000  }
0x50: {  	[tilespmem:s19], [sflag:$0x3] =	stream.linear.gather [hbm4b:s28+s4], $0x100, $0x38;
	[tilespmem:$0x1C200] =	vst v63  }
0x51: {  	_ =	swait.ge [sflag:s15], $0x100  }
0x52: {  	[sflag:s15] =	ssyncset.done $0x0  }
0x53: {  	[sflag:s15] =	ssyncadd.s32 $0xFFFFFF00  }
0x54: {  	[tilespmem:s20], [sflag:$0x2] =	stream.indirect.gather [hbm4b:s5+s17], $0x80, s19, s17, $0xb8;
	[tilespmem:$0x1C200] =	vst v63  }
0x55: {  	_ =	swait.ge [sflag:s21], $0x4000  }
0x56: {  	s30 =	sadd.s32 s26, s13;
	[sflag:s21] =	ssyncset.done $0x0  }
0x57: {  	s31 =	sand.u32 $0x200, s26;
	s28 =	sand.u32 $0x1FFC00, s30;
	[sflag:s21] =	ssyncadd.s32 $0xFFFFC000  }
0x58: {  	[spmem:s3] =	stream.indirect.scatter.add.f32 [tilespmem:s18], [sflag:$0x3], $0x80, s22, s17, $0xb8;
	[tilespmem:$0x1C200] =	vst v63  }
0x59: {  	s26 =	sor.u32 s31, s28;
	_ =	swait.ge [sflag:s15], $0x4000  }
0x5a: {  	s26 =	sshrl.u32 s26, $0x3;
	[sflag:s15] =	ssyncset.done $0x0  }
0x5b: {  	s26 =	sadd.s32 s1, s26;
	[sflag:s15] =	ssyncadd.s32 $0xFFFFC000  }
0x5c: {  	[tilespmem:s16], [sflag:$0x3] =	stream.linear.gather [hbm4b:s26+s4], $0x100, $0x38;
	[tilespmem:$0x1C200] =	vst v63  }
0x5d: {  	_ =	swait.ge [sflag:s15], $0x100  }
0x5e: {  	[sflag:s15] =	ssyncset.done $0x0  }
0x5f: {  	[sflag:s15] =	ssyncadd.s32 $0xFFFFFF00  }
0x60: {  	[tilespmem:s18], [sflag:$0x1] =	stream.indirect.gather [hbm4b:s5+s17], $0x80, s16, s17, $0xb8;
	[tilespmem:$0x1C200] =	vst v63  }
0x61: {  	_ =	swait.ge [sflag:s23], $0x4000  }
0x62: {  	[sflag:s23] =	ssyncset.done $0x0  }
0x63: {  	[sflag:s23] =	ssyncadd.s32 $0xFFFFC000  }
0x64: {  	[spmem:s3] =	stream.indirect.scatter.add.f32 [tilespmem:s20], [sflag:$0x3], $0x80, s24, s17, $0xb8;
	[tilespmem:$0x1C200] =	vst v63  }
0x65: {  	_ =	swait.ge [sflag:s15], $0x4000  }
0x66: {  	[sflag:s15] =	ssyncset.done $0x0  }
0x67: {  	[sflag:s15] =	ssyncadd.s32 $0xFFFFC000  }
0x68: {  	[tilespmem:s19], [sflag:$0x3] =	stream.linear.gather [hbm4b:s11+s4], $0x100, $0x38;
	[tilespmem:$0x1C200] =	vst v63  }
0x69: {  	_ =	swait.ge [sflag:s15], $0x100  }
0x6a: {  	[sflag:s15] =	ssyncset.done $0x0  }
0x6b: {  	[sflag:s15] =	ssyncadd.s32 $0xFFFFFF00  }
0x6c: {  	[tilespmem:s20], [sflag:$0x2] =	stream.indirect.gather [hbm4b:s5+s17], $0x80, s19, s17, $0xb8;
	[tilespmem:$0x1C200] =	vst v63  }
0x6d: {  	_ =	swait.ge [sflag:s21], $0x4000  }
0x6e: {  	[sflag:s21] =	ssyncset.done $0x0  }
0x6f: {  	[sflag:s21] =	ssyncadd.s32 $0xFFFFC000  }
0x70: {  	[spmem:s3] =	stream.indirect.scatter.add.f32 [tilespmem:s18], [sflag:$0x3], $0x80, s22, s17, $0xb8;
	[tilespmem:$0x1C200] =	vst v63  }
0x71: {  	_ =	swait.ge [sflag:s15], $0x4000  }
0x72: {  	[sflag:s15] =	ssyncset.done $0x0  }
0x73: {  	[sflag:s15] =	ssyncadd.s32 $0xFFFFC000  }
0x74: {  	_ =	swait.ge [sflag:s23], $0x4000  }
0x75: {  	[sflag:s23] =	ssyncset.done $0x0  }
0x76: {  	[sflag:s23] =	ssyncadd.s32 $0xFFFFC000  }
0x77: {  	[spmem:s3] =	stream.indirect.scatter.add.f32 [tilespmem:s20], [sflag:$0x3], $0x80, s24, s17, $0xb8;
	[tilespmem:$0x1C200] =	vst v63  }
0x78: {  	_ =	swait.ge [sflag:s15], $0x4000  }
0x79: {  	s25 =	sadd.s32 $0x1, s25;
	[sflag:s15] =	ssyncset.done $0x0  }
0x7a: {  	p0 =	sne.s32 s25, s10;
	[sflag:s15] =	ssyncadd.s32 $0xFFFFC000  }
.Ltmp1:
0x7b: {  	[bflag:$0x0] =	sbarrier.arrive $0xFFFF;
	(pc) =	sbr.rel @p0 .LBB2_1-.Ltmp1, $4  }
0x7c: {  	[hbm:s9], [sflag:s7] =	dma.local [spmem:s14], $0x2800  }
0x7d: {  	_ =	swait.ge [sflag:s15], $0x2800  }
0x7e: {  	[sflag:s15] =	ssyncset.done $0x0  }
0x7f: {  	[sflag:s15] =	ssyncadd.s32 $0xFFFFD800  }
0x80: {  	_ =	sfence.sel $0x180000  }
0x81: {  	[bflag:$0x0] =	sbarrier.arrive $0xFFFF  }
0x82: {  	p0 =	sne.s32 s2, $0x0;
	_ =	strace $0x9000004D  }
0x83: {  	s0 =	sadd.s32 @!p0 $0x100000, s0;
	[bflag:$0x2] =	sbarrier.arrive $0xFFFF  }
0x84: {  	[sflag:s0] =	ssyncadd.tile.s32 @!p0 $0x1;
	_ =	shalt  }
.Lfunc_end2:
_tile_overlayer_lowered:
.L_overlay_start_2:
0x85: {  	(tag) =	ssettag $0x2  }
0x86: {  	s0 =	rddreg [dreg:$0x0];
	s2 =	stileid.u32  }
0x87: {  	s1 =	rddreg [dreg:$0x1];
	p0 =	sne.s32 s2, $0x0  }
0x88: {  	s3 =	rddreg [dreg:$0x2];
	[bflag:$0x3] =	sbarrier.arrive $0xFFFF;
	s2 =	simm.s32 @!p0 $0x1C03  }
0x89: {  	[timem:s3], [sflag:s2] =	dma.local @!p0 [hbm:s0], s1  }
0x8a: {  	s0 =	simm.s32 @!p0 $0x3  }
0x8b: {  	_ =	swait.ge @!p0 [sflag:s0], s1  }
0x8c: {  	s1 =	ssub.s32 @!p0 $0x0, s1;
	[sflag:s0] =	ssyncset.done @!p0 $0x0  }
0x8d: {  	[sflag:s0] =	ssyncadd.s32 @!p0 s1  }
0x8e: {  	[bflag:$0x3] =	sbarrier.arrive $0xFFFF  }
0x8f: {  	_ =	shalt  }

</sc_bundles>
